<compile_context>
chip_gen: v7x
topology: tpu7x:2x2x1
jax: 0.10.2.dev20260603
libtpu: 0.0.44.dev20260713+nightly
codegen_flags: <defaults>
</compile_context>

<pallas_src>
import functools

import jax
import jax.numpy as jnp
from jax import lax
from jax.experimental import pallas as pl
from jax.experimental.pallas import tpu as pltpu
from jax.experimental.pallas import tpu_sc as plsc

N = 50000
E = 800000
EMB = 32
HID = 64
NG = 8

LN = 128
NCH = 6272
EPAD = NCH * LN
GSZ = 4
TILE_CH = NCH // 16
NGRP = TILE_CH // GSZ
ACCROWS = N + 16
ZROWS = 3126

DEGROWS = 50176
DSEG = DEGROWS // 16
DCH_CORE = NCH // 2
DCH_TILE = DCH_CORE // 16

NBPAD = 53248
NBCH = NBPAD // LN
NB_PER_W = NBCH // 32

R = 2000
GRID = N // R

f32 = jnp.float32
i32 = jnp.int32



def _mesh():
  return plsc.VectorSubcoreMesh(core_axis_name="c", subcore_axis_name="s")


def _sc_prep_body(emb, nbu, nbd, dstm,
                  up, down, deg0, deg1,
                  idx_v, rows_u, rows_d, ones_v, zdeg, acc_deg, sem):
  c = lax.axis_index("c")
  s = lax.axis_index("s")
  wid = s * 2 + c

  for k in range(8):
    ones_v[pl.ds(k * 16, 16)] = jnp.full((16,), 1.0, f32)

  def zbody(k, carry):
    zdeg[pl.ds(k * 16, 16)] = jnp.zeros((16,), f32)
    return carry
  lax.fori_loop(0, DSEG // 16, zbody, 0)
  pltpu.sync_copy(zdeg, acc_deg.at[pl.ds(s * DSEG, DSEG)])
  plsc.subcore_barrier()

  def dbody(i, carry):
    ck = c * DCH_CORE + s * DCH_TILE + i
    pltpu.sync_copy(dstm.at[pl.ds(ck, 1)], idx_v)
    pltpu.sync_copy(ones_v, acc_deg.at[idx_v.at[0]], add=True)
    return carry
  lax.fori_loop(0, DCH_TILE, dbody, 0)

  def gbody(i, carry):
    ck = wid * NB_PER_W + i
    pltpu.sync_copy(nbu.at[pl.ds(ck, 1)], idx_v)
    pltpu.async_copy(emb.at[idx_v.at[0]], rows_u, sem).wait()
    pltpu.sync_copy(rows_u, up.at[pl.ds(ck * LN, LN)])
    pltpu.sync_copy(nbd.at[pl.ds(ck, 1)], idx_v)
    pltpu.async_copy(emb.at[idx_v.at[0]], rows_d, sem).wait()
    pltpu.sync_copy(rows_d, down.at[pl.ds(ck * LN, LN)])
    return carry
  lax.fori_loop(0, NB_PER_W, gbody, 0)

  plsc.subcore_barrier()

  @pl.when(c == 0)
  def _():
    pltpu.sync_copy(acc_deg.at[pl.ds(s * DSEG, DSEG)],
                    deg0.at[pl.ds(s * DSEG, DSEG)])

  @pl.when(c == 1)
  def _():
    pltpu.sync_copy(acc_deg.at[pl.ds(s * DSEG, DSEG)],
                    deg1.at[pl.ds(s * DSEG, DSEG)])


def sc_prep(emb_table, nbu, nbd, dstm, *, interpret=False):
  call = pl.kernel(
      _sc_prep_body,
      out_type=[
          jax.ShapeDtypeStruct((NBPAD, EMB), f32),
          jax.ShapeDtypeStruct((NBPAD, EMB), f32),
          jax.ShapeDtypeStruct((DEGROWS,), f32),
          jax.ShapeDtypeStruct((DEGROWS,), f32),
      ],
      mesh=_mesh(),
      scratch_types=[
          pltpu.VMEM((1, LN), i32),
          pltpu.VMEM((LN, EMB), f32),
          pltpu.VMEM((LN, EMB), f32),
          pltpu.VMEM((LN,), f32),
          pltpu.VMEM((DSEG,), f32),
          pltpu.VMEM_SHARED((DEGROWS,), f32),
          pltpu.SemaphoreType.DMA,
      ],
      compiler_params=pltpu.CompilerParams(use_tc_tiling_on_sc=False),
      interpret=interpret,
  )
  return call(emb_table, nbu, nbd, dstm)


def _sc_agg_body(hp_lo, hp_hi, srcm, dstm, zer,
                 out_lo, out_hi,
                 sidx, didx, rows, acc, gsem):
  c = lax.axis_index("c")
  s = lax.axis_index("s")

  pltpu.sync_copy(zer, acc.at[pl.ds(s * ZROWS, ZROWS)])
  plsc.subcore_barrier()

  def run(table):
    def gbody(g, carry):
      base = s * TILE_CH + g * GSZ
      pltpu.sync_copy(srcm.at[pl.ds(base, GSZ)], sidx)
      pltpu.sync_copy(dstm.at[pl.ds(base, GSZ)], didx)
      cps = [pltpu.async_copy(table.at[sidx.at[j]],
                              rows.at[pl.ds(j * LN, LN)], gsem)
             for j in range(GSZ)]
      for cp in cps:
        cp.wait()
      for j in range(GSZ):
        pltpu.sync_copy(rows.at[pl.ds(j * LN, LN)],
                        acc.at[didx.at[j]], add=True)
      return carry
    lax.fori_loop(0, NGRP, gbody, 0)

  @pl.when(c == 0)
  def _():
    run(hp_lo)

  @pl.when(c == 1)
  def _():
    run(hp_hi)

  plsc.subcore_barrier()

  rows_out = N // 16

  @pl.when(c == 0)
  def _():
    pltpu.sync_copy(acc.at[pl.ds(s * rows_out, rows_out)],
                    out_lo.at[pl.ds(s * rows_out, rows_out)])

  @pl.when(c == 1)
  def _():
    pltpu.sync_copy(acc.at[pl.ds(s * rows_out, rows_out)],
                    out_hi.at[pl.ds(s * rows_out, rows_out)])


def sc_agg(hp_lo, hp_hi, srcm, dstm, zer, *, interpret=False):
  call = pl.kernel(
      _sc_agg_body,
      out_type=[
          jax.ShapeDtypeStruct((N, EMB), f32),
          jax.ShapeDtypeStruct((N, EMB), f32),
      ],
      mesh=_mesh(),
      scratch_types=[
          pltpu.VMEM((GSZ, LN), i32),
          pltpu.VMEM((GSZ, LN), i32),
          pltpu.VMEM((GSZ * LN, EMB), f32),
          pltpu.VMEM_SHARED((ACCROWS, EMB), f32),
          pltpu.SemaphoreType.DMA,
      ],
      compiler_params=pltpu.CompilerParams(use_tc_tiling_on_sc=False),
      interpret=interpret,
  )
  return call(hp_lo, hp_hi, srcm, dstm, zer)



def _tc_mid_body(ge, up, dn, d0, d1, wa, wb, wc,
                 hp_lo, hp_hi, dinv_o):
  deg = 1.0 + d0[...] + d1[...]
  dinv = lax.rsqrt(deg)
  h = (jnp.dot(up[...], wa[...], preferred_element_type=f32)
       + jnp.dot(ge[...], wb[...], preferred_element_type=f32)
       + jnp.dot(dn[...], wc[...], preferred_element_type=f32))
  hp = h * dinv
  hp_lo[...] = hp[:, :EMB]
  hp_hi[...] = hp[:, EMB:]
  dinv_o[...] = dinv


def tc_mid(ge, up, dn, d0, d1, wa, wb, wc, *, interpret=False):
  row = lambda i: (i, 0)
  zero = lambda i: (0, 0)
  return pl.pallas_call(
      _tc_mid_body,
      grid=(GRID,),
      in_specs=[
          pl.BlockSpec((R, EMB), row),
          pl.BlockSpec((R, EMB), row),
          pl.BlockSpec((R, EMB), row),
          pl.BlockSpec((R, 1), row),
          pl.BlockSpec((R, 1), row),
          pl.BlockSpec((EMB, HID), zero),
          pl.BlockSpec((EMB, HID), zero),
          pl.BlockSpec((EMB, HID), zero),
      ],
      out_specs=[
          pl.BlockSpec((R, EMB), row),
          pl.BlockSpec((R, EMB), row),
          pl.BlockSpec((R, 1), row),
      ],
      out_shape=[
          jax.ShapeDtypeStruct((N, EMB), f32),
          jax.ShapeDtypeStruct((N, EMB), f32),
          jax.ShapeDtypeStruct((N, 1), f32),
      ],
      interpret=interpret,
  )(ge, up, dn, d0, d1, wa, wb, wc)


def _tc_layer2_body(alo, ahi, plo, phi, dinv, b1, w2, qlo, qhi):
  t = jnp.concatenate([alo[...] + plo[...], ahi[...] + phi[...]], axis=1)
  x1 = jnp.maximum(dinv[...] * t + b1[...], 0.0)
  h2 = jnp.dot(x1, w2[...], preferred_element_type=f32)
  hp2 = h2 * dinv[...]
  qlo[...] = hp2[:, :EMB]
  qhi[...] = hp2[:, EMB:]


def tc_layer2(alo, ahi, plo, phi, dinv, b1, w2, *, interpret=False):
  row = lambda i: (i, 0)
  zero = lambda i: (0, 0)
  return pl.pallas_call(
      _tc_layer2_body,
      grid=(GRID,),
      in_specs=[
          pl.BlockSpec((R, EMB), row),
          pl.BlockSpec((R, EMB), row),
          pl.BlockSpec((R, EMB), row),
          pl.BlockSpec((R, EMB), row),
          pl.BlockSpec((R, 1), row),
          pl.BlockSpec((1, HID), zero),
          pl.BlockSpec((HID, HID), zero),
      ],
      out_specs=[
          pl.BlockSpec((R, EMB), row),
          pl.BlockSpec((R, EMB), row),
      ],
      out_shape=[
          jax.ShapeDtypeStruct((N, EMB), f32),
          jax.ShapeDtypeStruct((N, EMB), f32),
      ],
      interpret=interpret,
  )(alo, ahi, plo, phi, dinv, b1, w2)


def _tc_final_body(alo, ahi, plo, phi, dinv, b2, bat, wc1, bc1, wc2, bc2,
                   out, sums, cnts):
  i = pl.program_id(0)

  @pl.when(i == 0)
  def _():
    sums[...] = jnp.zeros((NG, HID), f32)
    cnts[...] = jnp.zeros((NG, 1), f32)

  t = jnp.concatenate([alo[...] + plo[...], ahi[...] + phi[...]], axis=1)
  x2 = dinv[...] * t + b2[...]
  gids = lax.broadcasted_iota(i32, (1, NG), 1)
  m = (bat[...] == gids).astype(f32)
  dn = (((0,), (0,)), ((), ()))
  sums[...] += lax.dot_general(m, x2, dn, preferred_element_type=f32)
  cnts[...] += lax.dot_general(m, jnp.ones((R, 1), f32), dn,
                               preferred_element_type=f32)

  @pl.when(i == GRID - 1)
  def _():
    pooled = sums[...] / jnp.maximum(cnts[...], 1.0)
    hcl = jnp.maximum(
        jnp.dot(pooled, wc1[...], preferred_element_type=f32) + bc1[...], 0.0)
    logit = jnp.dot(hcl, wc2[...], preferred_element_type=f32) + bc2[...]
    out[...] = 1.0 / (1.0 + jnp.exp(-logit))


def tc_final(alo, ahi, plo, phi, dinv, b2, bat, wc1, bc1, wc2, bc2,
             *, interpret=False):
  row = lambda i: (i, 0)
  zero = lambda i: (0, 0)
  return pl.pallas_call(
      _tc_final_body,
      grid=(GRID,),
      in_specs=[
          pl.BlockSpec((R, EMB), row),
          pl.BlockSpec((R, EMB), row),
          pl.BlockSpec((R, EMB), row),
          pl.BlockSpec((R, EMB), row),
          pl.BlockSpec((R, 1), row),
          pl.BlockSpec((1, HID), zero),
          pl.BlockSpec((R, 1), row),
          pl.BlockSpec((HID, HID), zero),
          pl.BlockSpec((1, HID), zero),
          pl.BlockSpec((HID, 1), zero),
          pl.BlockSpec((1, 1), zero),
      ],
      out_specs=pl.BlockSpec((NG, 1), zero),
      out_shape=jax.ShapeDtypeStruct((NG, 1), f32),
      scratch_shapes=[
          pltpu.VMEM((NG, HID), f32),
          pltpu.VMEM((NG, 1), f32),
      ],
      interpret=interpret,
  )(alo, ahi, plo, phi, dinv, b2, bat, wc1, bc1, wc2, bc2)



@jax.jit
def kernel(gene_ids, edge_index, edge_attr, batch, neighbor_idx, emb_table,
           W1, b1, W2, b2, Wc1, bc1, Wc2, bc2):
  del gene_ids, edge_attr

  src = edge_index[0]
  dst = edge_index[1]
  pad = EPAD - E
  src_p = jnp.concatenate([src, jnp.zeros((pad,), i32)])
  dst_p = jnp.concatenate(
      [dst, N + (jnp.arange(pad, dtype=i32) % 16)])
  srcm = src_p.reshape(NCH, LN)
  dstm = dst_p.reshape(NCH, LN)

  nbpad = jnp.zeros((NBPAD - N,), i32)
  nbu = jnp.concatenate([neighbor_idx[:, 0], nbpad]).reshape(NBCH, LN)
  nbd = jnp.concatenate([neighbor_idx[:, 1], nbpad]).reshape(NBCH, LN)

  up_p, down_p, deg0, deg1 = sc_prep(emb_table, nbu, nbd, dstm)
  d0 = deg0.reshape(DEGROWS, 1)
  d1 = deg1.reshape(DEGROWS, 1)

  wa, wb, wc = W1[:EMB], W1[EMB:2 * EMB], W1[2 * EMB:]
  hp_lo, hp_hi, dinv = tc_mid(emb_table, up_p, down_p, d0, d1, wa, wb, wc)

  zer = jnp.zeros((ZROWS, EMB), f32)
  a1lo, a1hi = sc_agg(hp_lo, hp_hi, srcm, dstm, zer)
  q_lo, q_hi = tc_layer2(a1lo, a1hi, hp_lo, hp_hi, dinv,
                         b1.reshape(1, HID), W2)
  a2lo, a2hi = sc_agg(q_lo, q_hi, srcm, dstm, zer)
  return tc_final(a2lo, a2hi, q_lo, q_hi, dinv, b2.reshape(1, HID),
                  batch.reshape(N, 1), Wc1, bc1.reshape(1, HID),
                  Wc2, bc2.reshape(1, 1))

# --- scband reference (transcript-rebuilt; emitter-appended) ---
"""Pipeline reference for scband-gene-homology-gnn-18743237280102 (READ-ONLY COPY).

The authoritative reference and input builder live on the scoring server;
editing this copy changes nothing except your own understanding.
"""

import jax, jax.numpy as jnp
import numpy as np

N = 50000
E = 800000
EMB = 32
HID = 64
NUM_GRAPHS = 8
EDGE_DIM = 4


def _gcn_conv(x, src, dst, W, b, num_nodes):
    # PyG GCNConv: add self-loops, symmetric normalization, x @ W then aggregate
    loop = jnp.arange(num_nodes, dtype=src.dtype)
    s = jnp.concatenate([src, loop])
    d = jnp.concatenate([dst, loop])
    h = x @ W
    deg = jnp.zeros((num_nodes,), dtype=jnp.float32).at[d].add(1.0)
    dinv = jnp.where(deg > 0, 1.0 / jnp.sqrt(deg), 0.0)
    norm = dinv[s] * dinv[d]
    msg = h[s] * norm[:, None]
    out = jnp.zeros((num_nodes, h.shape[1]), dtype=h.dtype).at[d].add(msg)
    return out + b


def setup_inputs(seed: int = 0) -> dict:
    key = jax.random.key(seed)
    ks = jax.random.split(key, 14)
    gene_ids = jnp.arange(N, dtype=jnp.int32)
    edge_index = jax.random.randint(ks[0], (2, E), 0, N, dtype=jnp.int32)
    edge_attr = jax.random.normal(ks[1], (E, EDGE_DIM), dtype=jnp.float32)
    batch = jnp.sort(jax.random.randint(ks[2], (N,), 0, NUM_GRAPHS, dtype=jnp.int32))
    neighbor_idx = jax.random.randint(ks[3], (N, 2), 0, N, dtype=jnp.int32)
    emb_table = jax.random.normal(ks[4], (N, EMB), dtype=jnp.float32) * 0.1
    W1 = jax.random.normal(ks[5], (3 * EMB, HID), dtype=jnp.float32) * 0.05
    b1 = jnp.zeros((HID,), dtype=jnp.float32)
    W2 = jax.random.normal(ks[6], (HID, HID), dtype=jnp.float32) * 0.05
    b2 = jnp.zeros((HID,), dtype=jnp.float32)
    Wc1 = jax.random.normal(ks[7], (HID, HID), dtype=jnp.float32) * 0.05
    bc1 = jnp.zeros((HID,), dtype=jnp.float32)
    Wc2 = jax.random.normal(ks[8], (HID, 1), dtype=jnp.float32) * 0.05
    bc2 = jnp.zeros((1,), dtype=jnp.float32)
    return {"gene_ids": gene_ids, "edge_index": edge_index, "edge_attr": edge_attr,
            "batch": batch, "neighbor_idx": neighbor_idx, "emb_table": emb_table,
            "W1": W1, "b1": b1, "W2": W2, "b2": b2,
            "Wc1": Wc1, "bc1": bc1, "Wc2": Wc2, "bc2": bc2}


def reference(gene_ids, edge_index, edge_attr, batch, neighbor_idx, emb_table,
              W1, b1, W2, b2, Wc1, bc1, Wc2, bc2):
    # embedding lookup
    ge = jnp.take(emb_table, gene_ids, axis=0)  # [N, EMB]
    # prepare_node_features_with_neighbors: [up | self | down]
    up = jnp.take(ge, neighbor_idx[:, 0], axis=0)
    down = jnp.take(ge, neighbor_idx[:, 1], axis=0)
    x = jnp.concatenate([up, ge, down], axis=1)  # [N, 3*EMB]
    src, dst = edge_index[0], edge_index[1]
    x = _gcn_conv(x, src, dst, W1, b1, N)
    x = jax.nn.relu(x)
    x = _gcn_conv(x, src, dst, W2, b2, N)
    # global_mean_pool over batch
    sums = jax.ops.segment_sum(x, batch, num_segments=NUM_GRAPHS)
    counts = jax.ops.segment_sum(jnp.ones((N, 1), dtype=jnp.float32), batch, num_segments=NUM_GRAPHS)
    pooled = sums / jnp.maximum(counts, 1.0)
    # classifier: Linear -> ReLU -> Linear -> Sigmoid
    h = jax.nn.relu(pooled @ Wc1 + bc1)
    out = jax.nn.sigmoid(h @ Wc2 + bc2)
    return out

if __name__ == "__main__":
    import jax
    _d = setup_inputs()
    print(jax.jit(kernel)(*tuple(_d.values())))

</pallas_src>

<mosaic_0001>
#map = affine_map<(d0, d1) -> (0, 0)>
#map1 = affine_map<(d0, d1) -> (0)>
module attributes {stable_mosaic.version = 14 : i64} {
  func.func @_sc_prep_body(%arg0: i32, %arg1: i32, %arg2: memref<50000x32xf32, #tpu.memory_space<hbm>>, %arg3: memref<416x128xi32, #tpu.memory_space<hbm>>, %arg4: memref<416x128xi32, #tpu.memory_space<hbm>>, %arg5: memref<6272x128xi32, #tpu.memory_space<hbm>>, %arg6: memref<53248x32xf32, #tpu.memory_space<hbm>>, %arg7: memref<53248x32xf32, #tpu.memory_space<hbm>>, %arg8: memref<50176xf32, #tpu.memory_space<hbm>>, %arg9: memref<50176xf32, #tpu.memory_space<hbm>>, %arg10: memref<1x128xi32, #tpu.memory_space<vmem>>, %arg11: memref<128x32xf32, #tpu.memory_space<vmem>>, %arg12: memref<128x32xf32, #tpu.memory_space<vmem>>, %arg13: memref<128xf32, #tpu.memory_space<vmem>>, %arg14: memref<3136xf32, #tpu.memory_space<vmem>>, %arg15: memref<50176xf32, #tpu.memory_space<vmem_shared>>, %arg16: memref<!tpu.dma_semaphore, #tpu.memory_space<semaphore_mem>>) attributes {dimension_semantics = [#tpu.dimension_semantics<core_parallel>, #tpu.dimension_semantics<subcore_parallel>], iteration_bounds = array<i64: 2, 16>, scalar_prefetch = 0 : i64, scratch_operands = 7 : i64, tpu.core_type = #tpu.core_type<sc_vector_subcore>, window_params = [{transform_indices = #map}, {transform_indices = #map}, {transform_indices = #map}, {transform_indices = #map}, {transform_indices = #map}, {transform_indices = #map}, {transform_indices = #map1}, {transform_indices = #map1}]} {
    %mul3A = arith.constant 2 : i32
    %mul3A_0 = arith.muli %arg1, %mul3A : i32
    %add3A = arith.addi %mul3A_0, %arg0 : i32
    %broadcast_in_dim3A = arith.constant 1.000000e+00 : f32
    %broadcast_in_dim3A_1 = vector.broadcast %broadcast_in_dim3A : f32 to vector<16xf32>
    %swap3A = arith.constant 0 : index
    %swap3A_2 = tpu.vector_load %arg13[%swap3A] {strides = array<i32>} : memref<128xf32, #tpu.memory_space<vmem>>, vector<16xf32>,
    %swap3A_3 = vector.shape_cast %swap3A_2 : vector<16xf32> to vector<16xf32>
    %swap3A_4 = vector.shape_cast %broadcast_in_dim3A_1 : vector<16xf32> to vector<16xf32>
    tpu.vector_store %arg13[%swap3A], %swap3A_4 {strides = array<i32>} : memref<128xf32, #tpu.memory_space<vmem>>, vector<16xf32>,
    %broadcast_in_dim3A_5 = arith.constant 1.000000e+00 : f32
    %broadcast_in_dim3A_6 = vector.broadcast %broadcast_in_dim3A_5 : f32 to vector<16xf32>
    %swap3A_7 = arith.constant 16 : index
    %swap3A_8 = tpu.vector_load %arg13[%swap3A_7] {strides = array<i32>} : memref<128xf32, #tpu.memory_space<vmem>>, vector<16xf32>,
    %swap3A_9 = vector.shape_cast %swap3A_8 : vector<16xf32> to vector<16xf32>
    %swap3A_10 = vector.shape_cast %broadcast_in_dim3A_6 : vector<16xf32> to vector<16xf32>
    tpu.vector_store %arg13[%swap3A_7], %swap3A_10 {strides = array<i32>} : memref<128xf32, #tpu.memory_space<vmem>>, vector<16xf32>,
    %broadcast_in_dim3A_11 = arith.constant 1.000000e+00 : f32
    %broadcast_in_dim3A_12 = vector.broadcast %broadcast_in_dim3A_11 : f32 to vector<16xf32>
    %swap3A_13 = arith.constant 32 : index
    %swap3A_14 = tpu.vector_load %arg13[%swap3A_13] {strides = array<i32>} : memref<128xf32, #tpu.memory_space<vmem>>, vector<16xf32>,
    %swap3A_15 = vector.shape_cast %swap3A_14 : vector<16xf32> to vector<16xf32>
    %swap3A_16 = vector.shape_cast %broadcast_in_dim3A_12 : vector<16xf32> to vector<16xf32>
    tpu.vector_store %arg13[%swap3A_13], %swap3A_16 {strides = array<i32>} : memref<128xf32, #tpu.memory_space<vmem>>, vector<16xf32>,
    %broadcast_in_dim3A_17 = arith.constant 1.000000e+00 : f32
    %broadcast_in_dim3A_18 = vector.broadcast %broadcast_in_dim3A_17 : f32 to vector<16xf32>
    %swap3A_19 = arith.constant 48 : index
    %swap3A_20 = tpu.vector_load %arg13[%swap3A_19] {strides = array<i32>} : memref<128xf32, #tpu.memory_space<vmem>>, vector<16xf32>,
    %swap3A_21 = vector.shape_cast %swap3A_20 : vector<16xf32> to vector<16xf32>
    %swap3A_22 = vector.shape_cast %broadcast_in_dim3A_18 : vector<16xf32> to vector<16xf32>
    tpu.vector_store %arg13[%swap3A_19], %swap3A_22 {strides = array<i32>} : memref<128xf32, #tpu.memory_space<vmem>>, vector<16xf32>,
    %broadcast_in_dim3A_23 = arith.constant 1.000000e+00 : f32
    %broadcast_in_dim3A_24 = vector.broadcast %broadcast_in_dim3A_23 : f32 to vector<16xf32>
    %swap3A_25 = arith.constant 64 : index
    %swap3A_26 = tpu.vector_load %arg13[%swap3A_25] {strides = array<i32>} : memref<128xf32, #tpu.memory_space<vmem>>, vector<16xf32>,
    %swap3A_27 = vector.shape_cast %swap3A_26 : vector<16xf32> to vector<16xf32>
    %swap3A_28 = vector.shape_cast %broadcast_in_dim3A_24 : vector<16xf32> to vector<16xf32>
    tpu.vector_store %arg13[%swap3A_25], %swap3A_28 {strides = array<i32>} : memref<128xf32, #tpu.memory_space<vmem>>, vector<16xf32>,
    %broadcast_in_dim3A_29 = arith.constant 1.000000e+00 : f32
    %broadcast_in_dim3A_30 = vector.broadcast %broadcast_in_dim3A_29 : f32 to vector<16xf32>
    %swap3A_31 = arith.constant 80 : index
    %swap3A_32 = tpu.vector_load %arg13[%swap3A_31] {strides = array<i32>} : memref<128xf32, #tpu.memory_space<vmem>>, vector<16xf32>,
    %swap3A_33 = vector.shape_cast %swap3A_32 : vector<16xf32> to vector<16xf32>
    %swap3A_34 = vector.shape_cast %broadcast_in_dim3A_30 : vector<16xf32> to vector<16xf32>
    tpu.vector_store %arg13[%swap3A_31], %swap3A_34 {strides = array<i32>} : memref<128xf32, #tpu.memory_space<vmem>>, vector<16xf32>,
    %broadcast_in_dim3A_35 = arith.constant 1.000000e+00 : f32
    %broadcast_in_dim3A_36 = vector.broadcast %broadcast_in_dim3A_35 : f32 to vector<16xf32>
    %swap3A_37 = arith.constant 96 : index
    %swap3A_38 = tpu.vector_load %arg13[%swap3A_37] {strides = array<i32>} : memref<128xf32, #tpu.memory_space<vmem>>, vector<16xf32>,
    %swap3A_39 = vector.shape_cast %swap3A_38 : vector<16xf32> to vector<16xf32>
    %swap3A_40 = vector.shape_cast %broadcast_in_dim3A_36 : vector<16xf32> to vector<16xf32>
    tpu.vector_store %arg13[%swap3A_37], %swap3A_40 {strides = array<i32>} : memref<128xf32, #tpu.memory_space<vmem>>, vector<16xf32>,
    %broadcast_in_dim3A_41 = arith.constant 1.000000e+00 : f32
    %broadcast_in_dim3A_42 = vector.broadcast %broadcast_in_dim3A_41 : f32 to vector<16xf32>
    %swap3A_43 = arith.constant 112 : index
    %swap3A_44 = tpu.vector_load %arg13[%swap3A_43] {strides = array<i32>} : memref<128xf32, #tpu.memory_space<vmem>>, vector<16xf32>,
    %swap3A_45 = vector.shape_cast %swap3A_44 : vector<16xf32> to vector<16xf32>
    %swap3A_46 = vector.shape_cast %broadcast_in_dim3A_42 : vector<16xf32> to vector<16xf32>
    tpu.vector_store %arg13[%swap3A_43], %swap3A_46 {strides = array<i32>} : memref<128xf32, #tpu.memory_space<vmem>>, vector<16xf32>,
    %scan3A = arith.constant 0 : i32
    %scan3A_47 = arith.constant 0 : i32
    %scan3A_48 = arith.constant 196 : i32
    %scan3A_49 = arith.addi %scan3A_47, %scan3A_48 : i32
    %scan3A_50 = arith.constant 1 : i32
    scf.for %scan3A_74 = %scan3A_47 to %scan3A_49 step %scan3A_50  : i32 {
      %broadcast_in_dim3A_75 = arith.constant 0.000000e+00 : f32
      %broadcast_in_dim3A_76 = vector.broadcast %broadcast_in_dim3A_75 : f32 to vector<16xf32>
      %mul3A_77 = arith.constant 16 : i32
      %mul3A_78 = arith.muli %scan3A_74, %mul3A_77 : i32
      %swap3A_79 = arith.index_cast %mul3A_78 : i32 to index
      %swap3A_80 = tpu.vector_load %arg14[%swap3A_79] {strides = array<i32>} : memref<3136xf32, #tpu.memory_space<vmem>>, vector<16xf32>,
      %swap3A_81 = vector.shape_cast %swap3A_80 : vector<16xf32> to vector<16xf32>
      %swap3A_82 = vector.shape_cast %broadcast_in_dim3A_76 : vector<16xf32> to vector<16xf32>
      tpu.vector_store %arg14[%swap3A_79], %swap3A_82 {strides = array<i32>} : memref<3136xf32, #tpu.memory_space<vmem>>, vector<16xf32>,
    }
    %scan3A_51 = arith.constant 196 : i32
    %mul3A_52 = arith.constant 3136 : i32
    %mul3A_53 = arith.muli %arg1, %mul3A_52 : i32
    "tpu.region"() ({
      %run_scoped3A = tpu.sem_alloc : memref<!tpu.dma_semaphore, #tpu.memory_space<semaphore_mem>>
      %dma_start3A = tpu.memref_slice %arg15[%mul3A_53] : memref<50176xf32, #tpu.memory_space<vmem_shared>> -> memref<3136xf32, #tpu.memory_space<vmem_shared>>
      %dma_start3A_74 = tpu.memref_slice %arg15[%mul3A_53] : memref<50176xf32, #tpu.memory_space<vmem_shared>> -> memref<3136xf32, #tpu.memory_space<vmem_shared>>
      tpu.enqueue_dma source(%arg14 : memref<3136xf32, #tpu.memory_space<vmem>>) target(%dma_start3A_74 : memref<3136xf32, #tpu.memory_space<vmem_shared>>) target_semaphore(%run_scoped3A : memref<!tpu.dma_semaphore, #tpu.memory_space<semaphore_mem>>)
      %dma_wait3A = tpu.memref_slice %arg15[%mul3A_53] : memref<50176xf32, #tpu.memory_space<vmem_shared>> -> memref<3136xf32, #tpu.memory_space<vmem_shared>>
      %dma_wait3A_75 = tpu.memref_slice %arg15[%mul3A_53] : memref<50176xf32, #tpu.memory_space<vmem_shared>> -> memref<3136xf32, #tpu.memory_space<vmem_shared>>
      tpu.wait_dma2 semaphore(%run_scoped3A : memref<!tpu.dma_semaphore, #tpu.memory_space<semaphore_mem>>) src(%arg14 : memref<3136xf32, #tpu.memory_space<vmem>>) dst(%dma_wait3A_75 : memref<3136xf32, #tpu.memory_space<vmem_shared>>)
      tpu.yield
    }) : () -> ()
    %barrier3A = arith.constant 0 : index
    tpu.barrier barrier_id(%barrier3A)
    %scan3A_54 = arith.constant 0 : i32
    %scan3A_55 = arith.constant 0 : i32
    %scan3A_56 = arith.constant 196 : i32
    %scan3A_57 = arith.addi %scan3A_55, %scan3A_56 : i32
    %scan3A_58 = arith.constant 1 : i32
    scf.for %scan3A_74 = %scan3A_55 to %scan3A_57 step %scan3A_58  : i32 {
      %mul3A_75 = arith.constant 3136 : i32
      %mul3A_76 = arith.muli %arg0, %mul3A_75 : i32
      %mul3A_77 = arith.constant 196 : i32
      %mul3A_78 = arith.muli %arg1, %mul3A_77 : i32
      %add3A_79 = arith.addi %mul3A_76, %mul3A_78 : i32
      %add3A_80 = arith.addi %add3A_79, %scan3A_74 : i32
      "tpu.region"() ({
        %run_scoped3A_81 = tpu.sem_alloc : memref<!tpu.dma_semaphore, #tpu.memory_space<semaphore_mem>>
        %dma_start3A = arith.constant 0 : i32
        %dma_start3A_82 = tpu.memref_slice %arg5[%add3A_80, %dma_start3A] : memref<6272x128xi32, #tpu.memory_space<hbm>> -> memref<1x128xi32, #tpu.memory_space<hbm>>
        %dma_start3A_83 = arith.constant 0 : i32
        %dma_start3A_84 = tpu.memref_slice %arg5[%add3A_80, %dma_start3A_83] : memref<6272x128xi32, #tpu.memory_space<hbm>> -> memref<1x128xi32, #tpu.memory_space<hbm>>
        tpu.enqueue_dma source(%dma_start3A_84 : memref<1x128xi32, #tpu.memory_space<hbm>>) target(%arg10 : memref<1x128xi32, #tpu.memory_space<vmem>>) target_semaphore(%run_scoped3A_81 : memref<!tpu.dma_semaphore, #tpu.memory_space<semaphore_mem>>)
        %dma_wait3A = arith.constant 0 : i32
        %dma_wait3A_85 = tpu.memref_slice %arg5[%add3A_80, %dma_wait3A] : memref<6272x128xi32, #tpu.memory_space<hbm>> -> memref<1x128xi32, #tpu.memory_space<hbm>>
        %dma_wait3A_86 = arith.constant 0 : i32
        %dma_wait3A_87 = tpu.memref_slice %arg5[%add3A_80, %dma_wait3A_86] : memref<6272x128xi32, #tpu.memory_space<hbm>> -> memref<1x128xi32, #tpu.memory_space<hbm>>
        tpu.wait_dma2 semaphore(%run_scoped3A_81 : memref<!tpu.dma_semaphore, #tpu.memory_space<semaphore_mem>>) src(%dma_wait3A_87 : memref<1x128xi32, #tpu.memory_space<hbm>>) dst(%arg10 : memref<1x128xi32, #tpu.memory_space<vmem>>)
        tpu.yield
      }) : () -> ()
      %run_scoped3A = arith.constant 0 : i32
      "tpu.region"() ({
        %run_scoped3A_81 = tpu.sem_alloc : memref<!tpu.dma_semaphore, #tpu.memory_space<semaphore_mem>>
        %dma_start3A = arith.constant 0 : i32
        %dma_start3A_82 = tpu.memref_slice %arg10[%run_scoped3A, %dma_start3A] : memref<1x128xi32, #tpu.memory_space<vmem>> -> memref<1x128xi32, #tpu.memory_space<vmem>>
        %dma_start3A_83 = tpu.memref_squeeze %dma_start3A_82 : memref<1x128xi32, #tpu.memory_space<vmem>> -> memref<128xi32, #tpu.memory_space<vmem>>
        %dma_start3A_84 = arith.constant 0 : i32
        %dma_start3A_85 = tpu.memref_slice %arg15[%dma_start3A_84] : memref<50176xf32, #tpu.memory_space<vmem_shared>> -> memref<50176xf32, #tpu.memory_space<vmem_shared>>
        tpu.enqueue_indirect_dma source(%arg13 : memref<128xf32, #tpu.memory_space<vmem>>) target(%dma_start3A_85 : memref<50176xf32, #tpu.memory_space<vmem_shared>>) offsets(%dma_start3A_83 : memref<128xi32, #tpu.memory_space<vmem>>) semaphore(%run_scoped3A_81 : memref<!tpu.dma_semaphore, #tpu.memory_space<semaphore_mem>>) {add = true}
        %dma_wait3A = arith.constant 0 : i32
        %dma_wait3A_86 = tpu.memref_slice %arg10[%run_scoped3A, %dma_wait3A] : memref<1x128xi32, #tpu.memory_space<vmem>> -> memref<1x128xi32, #tpu.memory_space<vmem>>
        %dma_wait3A_87 = tpu.memref_squeeze %dma_wait3A_86 : memref<1x128xi32, #tpu.memory_space<vmem>> -> memref<128xi32, #tpu.memory_space<vmem>>
        %dma_wait3A_88 = arith.constant 0 : i32
        %dma_wait3A_89 = tpu.memref_slice %arg15[%dma_wait3A_88] : memref<50176xf32, #tpu.memory_space<vmem_shared>> -> memref<50176xf32, #tpu.memory_space<vmem_shared>>
        tpu.wait_indirect_dma semaphore(%run_scoped3A_81 : memref<!tpu.dma_semaphore, #tpu.memory_space<semaphore_mem>>) src(%arg13 : memref<128xf32, #tpu.memory_space<vmem>>) dst(%dma_wait3A_89 : memref<50176xf32, #tpu.memory_space<vmem_shared>>)
        tpu.yield
      }) : () -> ()
    }
    %scan3A_59 = arith.constant 196 : i32
    %scan3A_60 = arith.constant 0 : i32
    %scan3A_61 = arith.constant 0 : i32
    %scan3A_62 = arith.constant 13 : i32
    %scan3A_63 = arith.addi %scan3A_61, %scan3A_62 : i32
    %scan3A_64 = arith.constant 1 : i32
    scf.for %scan3A_74 = %scan3A_61 to %scan3A_63 step %scan3A_64  : i32 {
      %mul3A_75 = arith.constant 13 : i32
      %mul3A_76 = arith.muli %add3A, %mul3A_75 : i32
      %add3A_77 = arith.addi %mul3A_76, %scan3A_74 : i32
      "tpu.region"() ({
        %run_scoped3A = tpu.sem_alloc : memref<!tpu.dma_semaphore, #tpu.memory_space<semaphore_mem>>
        %dma_start3A_108 = arith.constant 0 : i32
        %dma_start3A_109 = tpu.memref_slice %arg3[%add3A_77, %dma_start3A_108] : memref<416x128xi32, #tpu.memory_space<hbm>> -> memref<1x128xi32, #tpu.memory_space<hbm>>
        %dma_start3A_110 = arith.constant 0 : i32
        %dma_start3A_111 = tpu.memref_slice %arg3[%add3A_77, %dma_start3A_110] : memref<416x128xi32, #tpu.memory_space<hbm>> -> memref<1x128xi32, #tpu.memory_space<hbm>>
        tpu.enqueue_dma source(%dma_start3A_111 : memref<1x128xi32, #tpu.memory_space<hbm>>) target(%arg10 : memref<1x128xi32, #tpu.memory_space<vmem>>) target_semaphore(%run_scoped3A : memref<!tpu.dma_semaphore, #tpu.memory_space<semaphore_mem>>)
        %dma_wait3A_112 = arith.constant 0 : i32
        %dma_wait3A_113 = tpu.memref_slice %arg3[%add3A_77, %dma_wait3A_112] : memref<416x128xi32, #tpu.memory_space<hbm>> -> memref<1x128xi32, #tpu.memory_space<hbm>>
        %dma_wait3A_114 = arith.constant 0 : i32
        %dma_wait3A_115 = tpu.memref_slice %arg3[%add3A_77, %dma_wait3A_114] : memref<416x128xi32, #tpu.memory_space<hbm>> -> memref<1x128xi32, #tpu.memory_space<hbm>>
        tpu.wait_dma2 semaphore(%run_scoped3A : memref<!tpu.dma_semaphore, #tpu.memory_space<semaphore_mem>>) src(%dma_wait3A_115 : memref<1x128xi32, #tpu.memory_space<hbm>>) dst(%arg10 : memref<1x128xi32, #tpu.memory_space<vmem>>)
        tpu.yield
      }) : () -> ()
      %dma_start3A = arith.constant 0 : i32
      %dma_start3A_78 = arith.constant 0 : i32
      %dma_start3A_79 = tpu.memref_slice %arg10[%dma_start3A, %dma_start3A_78] : memref<1x128xi32, #tpu.memory_space<vmem>> -> memref<1x128xi32, #tpu.memory_space<vmem>>
      %dma_start3A_80 = tpu.memref_squeeze %dma_start3A_79 : memref<1x128xi32, #tpu.memory_space<vmem>> -> memref<128xi32, #tpu.memory_space<vmem>>
      %dma_start3A_81 = arith.constant 0 : i32
      %dma_start3A_82 = arith.constant 0 : i32
      %dma_start3A_83 = tpu.memref_slice %arg2[%dma_start3A_81, %dma_start3A_82] : memref<50000x32xf32, #tpu.memory_space<hbm>> -> memref<50000x32xf32, #tpu.memory_space<hbm>>
      tpu.enqueue_indirect_dma source(%dma_start3A_83 : memref<50000x32xf32, #tpu.memory_space<hbm>>) target(%arg11 : memref<128x32xf32, #tpu.memory_space<vmem>>) offsets(%dma_start3A_80 : memref<128xi32, #tpu.memory_space<vmem>>) semaphore(%arg16 : memref<!tpu.dma_semaphore, #tpu.memory_space<semaphore_mem>>)
      %dma_wait3A = arith.constant 0 : i32
      %dma_wait3A_84 = arith.constant 0 : i32
      %dma_wait3A_85 = tpu.memref_slice %arg10[%dma_wait3A, %dma_wait3A_84] : memref<1x128xi32, #tpu.memory_space<vmem>> -> memref<1x128xi32, #tpu.memory_space<vmem>>
      %dma_wait3A_86 = tpu.memref_squeeze %dma_wait3A_85 : memref<1x128xi32, #tpu.memory_space<vmem>> -> memref<128xi32, #tpu.memory_space<vmem>>
      %dma_wait3A_87 = arith.constant 0 : i32
      %dma_wait3A_88 = arith.constant 0 : i32
      %dma_wait3A_89 = tpu.memref_slice %arg2[%dma_wait3A_87, %dma_wait3A_88] : memref<50000x32xf32, #tpu.memory_space<hbm>> -> memref<50000x32xf32, #tpu.memory_space<hbm>>
      tpu.wait_indirect_dma semaphore(%arg16 : memref<!tpu.dma_semaphore, #tpu.memory_space<semaphore_mem>>) src(%dma_wait3A_89 : memref<50000x32xf32, #tpu.memory_space<hbm>>) dst(%arg11 : memref<128x32xf32, #tpu.memory_space<vmem>>)
      %mul3A_90 = arith.constant 128 : i32
      %mul3A_91 = arith.muli %add3A_77, %mul3A_90 : i32
      "tpu.region"() ({
        %run_scoped3A = tpu.sem_alloc : memref<!tpu.dma_semaphore, #tpu.memory_space<semaphore_mem>>
        %dma_start3A_108 = arith.constant 0 : i32
        %dma_start3A_109 = tpu.memref_slice %arg6[%mul3A_91, %dma_start3A_108] : memref<53248x32xf32, #tpu.memory_space<hbm>> -> memref<128x32xf32, #tpu.memory_space<hbm>>
        %dma_start3A_110 = arith.constant 0 : i32
        %dma_start3A_111 = tpu.memref_slice %arg6[%mul3A_91, %dma_start3A_110] : memref<53248x32xf32, #tpu.memory_space<hbm>> -> memref<128x32xf32, #tpu.memory_space<hbm>>
        tpu.enqueue_dma source(%arg11 : memref<128x32xf32, #tpu.memory_space<vmem>>) target(%dma_start3A_111 : memref<128x32xf32, #tpu.memory_space<hbm>>) target_semaphore(%run_scoped3A : memref<!tpu.dma_semaphore, #tpu.memory_space<semaphore_mem>>)
        %dma_wait3A_112 = arith.constant 0 : i32
        %dma_wait3A_113 = tpu.memref_slice %arg6[%mul3A_91, %dma_wait3A_112] : memref<53248x32xf32, #tpu.memory_space<hbm>> -> memref<128x32xf32, #tpu.memory_space<hbm>>
        %dma_wait3A_114 = arith.constant 0 : i32
        %dma_wait3A_115 = tpu.memref_slice %arg6[%mul3A_91, %dma_wait3A_114] : memref<53248x32xf32, #tpu.memory_space<hbm>> -> memref<128x32xf32, #tpu.memory_space<hbm>>
        tpu.wait_dma2 semaphore(%run_scoped3A : memref<!tpu.dma_semaphore, #tpu.memory_space<semaphore_mem>>) src(%arg11 : memref<128x32xf32, #tpu.memory_space<vmem>>) dst(%dma_wait3A_115 : memref<128x32xf32, #tpu.memory_space<hbm>>)
        tpu.yield
      }) : () -> ()
      "tpu.region"() ({
        %run_scoped3A = tpu.sem_alloc : memref<!tpu.dma_semaphore, #tpu.memory_space<semaphore_mem>>
        %dma_start3A_108 = arith.constant 0 : i32
        %dma_start3A_109 = tpu.memref_slice %arg4[%add3A_77, %dma_start3A_108] : memref<416x128xi32, #tpu.memory_space<hbm>> -> memref<1x128xi32, #tpu.memory_space<hbm>>
        %dma_start3A_110 = arith.constant 0 : i32
        %dma_start3A_111 = tpu.memref_slice %arg4[%add3A_77, %dma_start3A_110] : memref<416x128xi32, #tpu.memory_space<hbm>> -> memref<1x128xi32, #tpu.memory_space<hbm>>
        tpu.enqueue_dma source(%dma_start3A_111 : memref<1x128xi32, #tpu.memory_space<hbm>>) target(%arg10 : memref<1x128xi32, #tpu.memory_space<vmem>>) target_semaphore(%run_scoped3A : memref<!tpu.dma_semaphore, #tpu.memory_space<semaphore_mem>>)
        %dma_wait3A_112 = arith.constant 0 : i32
        %dma_wait3A_113 = tpu.memref_slice %arg4[%add3A_77, %dma_wait3A_112] : memref<416x128xi32, #tpu.memory_space<hbm>> -> memref<1x128xi32, #tpu.memory_space<hbm>>
        %dma_wait3A_114 = arith.constant 0 : i32
        %dma_wait3A_115 = tpu.memref_slice %arg4[%add3A_77, %dma_wait3A_114] : memref<416x128xi32, #tpu.memory_space<hbm>> -> memref<1x128xi32, #tpu.memory_space<hbm>>
        tpu.wait_dma2 semaphore(%run_scoped3A : memref<!tpu.dma_semaphore, #tpu.memory_space<semaphore_mem>>) src(%dma_wait3A_115 : memref<1x128xi32, #tpu.memory_space<hbm>>) dst(%arg10 : memref<1x128xi32, #tpu.memory_space<vmem>>)
        tpu.yield
      }) : () -> ()
      %dma_start3A_92 = arith.constant 0 : i32
      %dma_start3A_93 = arith.constant 0 : i32
      %dma_start3A_94 = tpu.memref_slice %arg10[%dma_start3A_92, %dma_start3A_93] : memref<1x128xi32, #tpu.memory_space<vmem>> -> memref<1x128xi32, #tpu.memory_space<vmem>>
      %dma_start3A_95 = tpu.memref_squeeze %dma_start3A_94 : memref<1x128xi32, #tpu.memory_space<vmem>> -> memref<128xi32, #tpu.memory_space<vmem>>
      %dma_start3A_96 = arith.constant 0 : i32
      %dma_start3A_97 = arith.constant 0 : i32
      %dma_start3A_98 = tpu.memref_slice %arg2[%dma_start3A_96, %dma_start3A_97] : memref<50000x32xf32, #tpu.memory_space<hbm>> -> memref<50000x32xf32, #tpu.memory_space<hbm>>
      tpu.enqueue_indirect_dma source(%dma_start3A_98 : memref<50000x32xf32, #tpu.memory_space<hbm>>) target(%arg12 : memref<128x32xf32, #tpu.memory_space<vmem>>) offsets(%dma_start3A_95 : memref<128xi32, #tpu.memory_space<vmem>>) semaphore(%arg16 : memref<!tpu.dma_semaphore, #tpu.memory_space<semaphore_mem>>)
      %dma_wait3A_99 = arith.constant 0 : i32
      %dma_wait3A_100 = arith.constant 0 : i32
      %dma_wait3A_101 = tpu.memref_slice %arg10[%dma_wait3A_99, %dma_wait3A_100] : memref<1x128xi32, #tpu.memory_space<vmem>> -> memref<1x128xi32, #tpu.memory_space<vmem>>
      %dma_wait3A_102 = tpu.memref_squeeze %dma_wait3A_101 : memref<1x128xi32, #tpu.memory_space<vmem>> -> memref<128xi32, #tpu.memory_space<vmem>>
      %dma_wait3A_103 = arith.constant 0 : i32
      %dma_wait3A_104 = arith.constant 0 : i32
      %dma_wait3A_105 = tpu.memref_slice %arg2[%dma_wait3A_103, %dma_wait3A_104] : memref<50000x32xf32, #tpu.memory_space<hbm>> -> memref<50000x32xf32, #tpu.memory_space<hbm>>
      tpu.wait_indirect_dma semaphore(%arg16 : memref<!tpu.dma_semaphore, #tpu.memory_space<semaphore_mem>>) src(%dma_wait3A_105 : memref<50000x32xf32, #tpu.memory_space<hbm>>) dst(%arg12 : memref<128x32xf32, #tpu.memory_space<vmem>>)
      %mul3A_106 = arith.constant 128 : i32
      %mul3A_107 = arith.muli %add3A_77, %mul3A_106 : i32
      "tpu.region"() ({
        %run_scoped3A = tpu.sem_alloc : memref<!tpu.dma_semaphore, #tpu.memory_space<semaphore_mem>>
        %dma_start3A_108 = arith.constant 0 : i32
        %dma_start3A_109 = tpu.memref_slice %arg7[%mul3A_107, %dma_start3A_108] : memref<53248x32xf32, #tpu.memory_space<hbm>> -> memref<128x32xf32, #tpu.memory_space<hbm>>
        %dma_start3A_110 = arith.constant 0 : i32
        %dma_start3A_111 = tpu.memref_slice %arg7[%mul3A_107, %dma_start3A_110] : memref<53248x32xf32, #tpu.memory_space<hbm>> -> memref<128x32xf32, #tpu.memory_space<hbm>>
        tpu.enqueue_dma source(%arg12 : memref<128x32xf32, #tpu.memory_space<vmem>>) target(%dma_start3A_111 : memref<128x32xf32, #tpu.memory_space<hbm>>) target_semaphore(%run_scoped3A : memref<!tpu.dma_semaphore, #tpu.memory_space<semaphore_mem>>)
        %dma_wait3A_112 = arith.constant 0 : i32
        %dma_wait3A_113 = tpu.memref_slice %arg7[%mul3A_107, %dma_wait3A_112] : memref<53248x32xf32, #tpu.memory_space<hbm>> -> memref<128x32xf32, #tpu.memory_space<hbm>>
        %dma_wait3A_114 = arith.constant 0 : i32
        %dma_wait3A_115 = tpu.memref_slice %arg7[%mul3A_107, %dma_wait3A_114] : memref<53248x32xf32, #tpu.memory_space<hbm>> -> memref<128x32xf32, #tpu.memory_space<hbm>>
        tpu.wait_dma2 semaphore(%run_scoped3A : memref<!tpu.dma_semaphore, #tpu.memory_space<semaphore_mem>>) src(%arg12 : memref<128x32xf32, #tpu.memory_space<vmem>>) dst(%dma_wait3A_115 : memref<128x32xf32, #tpu.memory_space<hbm>>)
        tpu.yield
      }) : () -> ()
    }
    %scan3A_65 = arith.constant 13 : i32
    %barrier3A_66 = arith.constant 0 : index
    tpu.barrier barrier_id(%barrier3A_66)
    %eq3A = arith.constant 0 : i32
    %eq3A_67 = arith.cmpi eq, %arg0, %eq3A : i32
    %convert_element_type3A = arith.extui %eq3A_67 : i1 to i32
    %cond3A = arith.constant 0 : i32
    %cond3A_68 = arith.cmpi ne, %convert_element_type3A, %cond3A : i32
    scf.if %cond3A_68 {
      %mul3A_74 = arith.constant 3136 : i32
      %mul3A_75 = arith.muli %arg1, %mul3A_74 : i32
      %mul3A_76 = arith.constant 3136 : i32
      %mul3A_77 = arith.muli %arg1, %mul3A_76 : i32
      "tpu.region"() ({
        %run_scoped3A = tpu.sem_alloc : memref<!tpu.dma_semaphore, #tpu.memory_space<semaphore_mem>>
        %dma_start3A = tpu.memref_slice %arg8[%mul3A_77] : memref<50176xf32, #tpu.memory_space<hbm>> -> memref<3136xf32, #tpu.memory_space<hbm>>
        %dma_start3A_78 = tpu.memref_slice %arg15[%mul3A_75] : memref<50176xf32, #tpu.memory_space<vmem_shared>> -> memref<3136xf32, #tpu.memory_space<vmem_shared>>
        tpu.enqueue_dma source(%dma_start3A_78 : memref<3136xf32, #tpu.memory_space<vmem_shared>>) target(%dma_start3A : memref<3136xf32, #tpu.memory_space<hbm>>) target_semaphore(%run_scoped3A : memref<!tpu.dma_semaphore, #tpu.memory_space<semaphore_mem>>)
        %dma_wait3A = tpu.memref_slice %arg8[%mul3A_77] : memref<50176xf32, #tpu.memory_space<hbm>> -> memref<3136xf32, #tpu.memory_space<hbm>>
        %dma_wait3A_79 = tpu.memref_slice %arg15[%mul3A_75] : memref<50176xf32, #tpu.memory_space<vmem_shared>> -> memref<3136xf32, #tpu.memory_space<vmem_shared>>
        tpu.wait_dma2 semaphore(%run_scoped3A : memref<!tpu.dma_semaphore, #tpu.memory_space<semaphore_mem>>) src(%dma_wait3A_79 : memref<3136xf32, #tpu.memory_space<vmem_shared>>) dst(%dma_wait3A : memref<3136xf32, #tpu.memory_space<hbm>>)
        tpu.yield
      }) : () -> ()
    } else {
    }
    %eq3A_69 = arith.constant 1 : i32
    %eq3A_70 = arith.cmpi eq, %arg0, %eq3A_69 : i32
    %convert_element_type3A_71 = arith.extui %eq3A_70 : i1 to i32
    %cond3A_72 = arith.constant 0 : i32
    %cond3A_73 = arith.cmpi ne, %convert_element_type3A_71, %cond3A_72 : i32
    scf.if %cond3A_73 {
      %mul3A_74 = arith.constant 3136 : i32
      %mul3A_75 = arith.muli %arg1, %mul3A_74 : i32
      %mul3A_76 = arith.constant 3136 : i32
      %mul3A_77 = arith.muli %arg1, %mul3A_76 : i32
      "tpu.region"() ({
        %run_scoped3A = tpu.sem_alloc : memref<!tpu.dma_semaphore, #tpu.memory_space<semaphore_mem>>
        %dma_start3A = tpu.memref_slice %arg9[%mul3A_77] : memref<50176xf32, #tpu.memory_space<hbm>> -> memref<3136xf32, #tpu.memory_space<hbm>>
        %dma_start3A_78 = tpu.memref_slice %arg15[%mul3A_75] : memref<50176xf32, #tpu.memory_space<vmem_shared>> -> memref<3136xf32, #tpu.memory_space<vmem_shared>>
        tpu.enqueue_dma source(%dma_start3A_78 : memref<3136xf32, #tpu.memory_space<vmem_shared>>) target(%dma_start3A : memref<3136xf32, #tpu.memory_space<hbm>>) target_semaphore(%run_scoped3A : memref<!tpu.dma_semaphore, #tpu.memory_space<semaphore_mem>>)
        %dma_wait3A = tpu.memref_slice %arg9[%mul3A_77] : memref<50176xf32, #tpu.memory_space<hbm>> -> memref<3136xf32, #tpu.memory_space<hbm>>
        %dma_wait3A_79 = tpu.memref_slice %arg15[%mul3A_75] : memref<50176xf32, #tpu.memory_space<vmem_shared>> -> memref<3136xf32, #tpu.memory_space<vmem_shared>>
        tpu.wait_dma2 semaphore(%run_scoped3A : memref<!tpu.dma_semaphore, #tpu.memory_space<semaphore_mem>>) src(%dma_wait3A_79 : memref<3136xf32, #tpu.memory_space<vmem_shared>>) dst(%dma_wait3A : memref<3136xf32, #tpu.memory_space<hbm>>)
        tpu.yield
      }) : () -> ()
    } else {
    }
    return
  }
}

#map = affine_map<(d0, d1) -> (0, 0)>
module attributes {stable_mosaic.version = 14 : i64} {
  func.func @_sc_agg_body(%arg0: i32, %arg1: i32, %arg2: memref<50000x32xf32, #tpu.memory_space<hbm>>, %arg3: memref<50000x32xf32, #tpu.memory_space<hbm>>, %arg4: memref<6272x128xi32, #tpu.memory_space<hbm>>, %arg5: memref<6272x128xi32, #tpu.memory_space<hbm>>, %arg6: memref<3126x32xf32, #tpu.memory_space<hbm>>, %arg7: memref<50000x32xf32, #tpu.memory_space<hbm>>, %arg8: memref<50000x32xf32, #tpu.memory_space<hbm>>, %arg9: memref<4x128xi32, #tpu.memory_space<vmem>>, %arg10: memref<4x128xi32, #tpu.memory_space<vmem>>, %arg11: memref<512x32xf32, #tpu.memory_space<vmem>>, %arg12: memref<50016x32xf32, #tpu.memory_space<vmem_shared>>, %arg13: memref<!tpu.dma_semaphore, #tpu.memory_space<semaphore_mem>>) attributes {dimension_semantics = [#tpu.dimension_semantics<core_parallel>, #tpu.dimension_semantics<subcore_parallel>], iteration_bounds = array<i64: 2, 16>, scalar_prefetch = 0 : i64, scratch_operands = 5 : i64, tpu.core_type = #tpu.core_type<sc_vector_subcore>, window_params = [{transform_indices = #map}, {transform_indices = #map}, {transform_indices = #map}, {transform_indices = #map}, {transform_indices = #map}, {transform_indices = #map}, {transform_indices = #map}]} {
    %mul3A = arith.constant 3126 : i32
    %mul3A_0 = arith.muli %arg1, %mul3A : i32
    "tpu.region"() ({
      %run_scoped3A = tpu.sem_alloc : memref<!tpu.dma_semaphore, #tpu.memory_space<semaphore_mem>>
      %dma_start3A = arith.constant 0 : i32
      %dma_start3A_19 = tpu.memref_slice %arg12[%mul3A_0, %dma_start3A] : memref<50016x32xf32, #tpu.memory_space<vmem_shared>> -> memref<3126x32xf32, #tpu.memory_space<vmem_shared>>
      tpu.enqueue_dma source(%arg6 : memref<3126x32xf32, #tpu.memory_space<hbm>>) target(%dma_start3A_19 : memref<3126x32xf32, #tpu.memory_space<vmem_shared>>) target_semaphore(%run_scoped3A : memref<!tpu.dma_semaphore, #tpu.memory_space<semaphore_mem>>)
      %dma_wait3A = arith.constant 0 : i32
      %dma_wait3A_20 = tpu.memref_slice %arg12[%mul3A_0, %dma_wait3A] : memref<50016x32xf32, #tpu.memory_space<vmem_shared>> -> memref<3126x32xf32, #tpu.memory_space<vmem_shared>>
      tpu.wait_dma2 semaphore(%run_scoped3A : memref<!tpu.dma_semaphore, #tpu.memory_space<semaphore_mem>>) src(%arg6 : memref<3126x32xf32, #tpu.memory_space<hbm>>) dst(%dma_wait3A_20 : memref<3126x32xf32, #tpu.memory_space<vmem_shared>>)
      tpu.yield
    }) : () -> ()
    %barrier3A = arith.constant 0 : index
    tpu.barrier barrier_id(%barrier3A)
    %eq3A = arith.constant 0 : i32
    %eq3A_1 = arith.cmpi eq, %arg0, %eq3A : i32
    %convert_element_type3A = arith.extui %eq3A_1 : i1 to i32
    %cond3A = arith.constant 0 : i32
    %cond3A_2 = arith.cmpi ne, %convert_element_type3A, %cond3A : i32
    scf.if %cond3A_2 {
      %scan3A = arith.constant 0 : i32
      %scan3A_19 = arith.constant 0 : i32
      %scan3A_20 = arith.constant 98 : i32
      %scan3A_21 = arith.addi %scan3A_19, %scan3A_20 : i32
      %scan3A_22 = arith.constant 1 : i32
      scf.for %scan3A_24 = %scan3A_19 to %scan3A_21 step %scan3A_22  : i32 {
        %mul3A_25 = arith.constant 392 : i32
        %mul3A_26 = arith.muli %arg1, %mul3A_25 : i32
        %mul3A_27 = arith.constant 4 : i32
        %mul3A_28 = arith.muli %scan3A_24, %mul3A_27 : i32
        %add3A = arith.addi %mul3A_26, %mul3A_28 : i32
        "tpu.region"() ({
          %run_scoped3A_110 = tpu.sem_alloc : memref<!tpu.dma_semaphore, #tpu.memory_space<semaphore_mem>>
          %dma_start3A_111 = arith.constant 0 : i32
          %dma_start3A_112 = tpu.memref_slice %arg4[%add3A, %dma_start3A_111] : memref<6272x128xi32, #tpu.memory_space<hbm>> -> memref<4x128xi32, #tpu.memory_space<hbm>>
          %dma_start3A_113 = arith.constant 0 : i32
          %dma_start3A_114 = tpu.memref_slice %arg4[%add3A, %dma_start3A_113] : memref<6272x128xi32, #tpu.memory_space<hbm>> -> memref<4x128xi32, #tpu.memory_space<hbm>>
          tpu.enqueue_dma source(%dma_start3A_114 : memref<4x128xi32, #tpu.memory_space<hbm>>) target(%arg9 : memref<4x128xi32, #tpu.memory_space<vmem>>) target_semaphore(%run_scoped3A_110 : memref<!tpu.dma_semaphore, #tpu.memory_space<semaphore_mem>>)
          %dma_wait3A_115 = arith.constant 0 : i32
          %dma_wait3A_116 = tpu.memref_slice %arg4[%add3A, %dma_wait3A_115] : memref<6272x128xi32, #tpu.memory_space<hbm>> -> memref<4x128xi32, #tpu.memory_space<hbm>>
          %dma_wait3A_117 = arith.constant 0 : i32
          %dma_wait3A_118 = tpu.memref_slice %arg4[%add3A, %dma_wait3A_117] : memref<6272x128xi32, #tpu.memory_space<hbm>> -> memref<4x128xi32, #tpu.memory_space<hbm>>
          tpu.wait_dma2 semaphore(%run_scoped3A_110 : memref<!tpu.dma_semaphore, #tpu.memory_space<semaphore_mem>>) src(%dma_wait3A_118 : memref<4x128xi32, #tpu.memory_space<hbm>>) dst(%arg9 : memref<4x128xi32, #tpu.memory_space<vmem>>)
          tpu.yield
        }) : () -> ()
        "tpu.region"() ({
          %run_scoped3A_110 = tpu.sem_alloc : memref<!tpu.dma_semaphore, #tpu.memory_space<semaphore_mem>>
          %dma_start3A_111 = arith.constant 0 : i32
          %dma_start3A_112 = tpu.memref_slice %arg5[%add3A, %dma_start3A_111] : memref<6272x128xi32, #tpu.memory_space<hbm>> -> memref<4x128xi32, #tpu.memory_space<hbm>>
          %dma_start3A_113 = arith.constant 0 : i32
          %dma_start3A_114 = tpu.memref_slice %arg5[%add3A, %dma_start3A_113] : memref<6272x128xi32, #tpu.memory_space<hbm>> -> memref<4x128xi32, #tpu.memory_space<hbm>>
          tpu.enqueue_dma source(%dma_start3A_114 : memref<4x128xi32, #tpu.memory_space<hbm>>) target(%arg10 : memref<4x128xi32, #tpu.memory_space<vmem>>) target_semaphore(%run_scoped3A_110 : memref<!tpu.dma_semaphore, #tpu.memory_space<semaphore_mem>>)
          %dma_wait3A_115 = arith.constant 0 : i32
          %dma_wait3A_116 = tpu.memref_slice %arg5[%add3A, %dma_wait3A_115] : memref<6272x128xi32, #tpu.memory_space<hbm>> -> memref<4x128xi32, #tpu.memory_space<hbm>>
          %dma_wait3A_117 = arith.constant 0 : i32
          %dma_wait3A_118 = tpu.memref_slice %arg5[%add3A, %dma_wait3A_117] : memref<6272x128xi32, #tpu.memory_space<hbm>> -> memref<4x128xi32, #tpu.memory_space<hbm>>
          tpu.wait_dma2 semaphore(%run_scoped3A_110 : memref<!tpu.dma_semaphore, #tpu.memory_space<semaphore_mem>>) src(%dma_wait3A_118 : memref<4x128xi32, #tpu.memory_space<hbm>>) dst(%arg10 : memref<4x128xi32, #tpu.memory_space<vmem>>)
          tpu.yield
        }) : () -> ()
        %dma_start3A = arith.constant 0 : i32
        %dma_start3A_29 = arith.constant 0 : i32
        %dma_start3A_30 = arith.constant 0 : i32
        %dma_start3A_31 = tpu.memref_slice %arg11[%dma_start3A_29, %dma_start3A_30] : memref<512x32xf32, #tpu.memory_space<vmem>> -> memref<128x32xf32, #tpu.memory_space<vmem>>
        %dma_start3A_32 = arith.constant 0 : i32
        %dma_start3A_33 = tpu.memref_slice %arg9[%dma_start3A, %dma_start3A_32] : memref<4x128xi32, #tpu.memory_space<vmem>> -> memref<1x128xi32, #tpu.memory_space<vmem>>
        %dma_start3A_34 = tpu.memref_squeeze %dma_start3A_33 : memref<1x128xi32, #tpu.memory_space<vmem>> -> memref<128xi32, #tpu.memory_space<vmem>>
        %dma_start3A_35 = arith.constant 0 : i32
        %dma_start3A_36 = arith.constant 0 : i32
        %dma_start3A_37 = tpu.memref_slice %arg2[%dma_start3A_35, %dma_start3A_36] : memref<50000x32xf32, #tpu.memory_space<hbm>> -> memref<50000x32xf32, #tpu.memory_space<hbm>>
        tpu.enqueue_indirect_dma source(%dma_start3A_37 : memref<50000x32xf32, #tpu.memory_space<hbm>>) target(%dma_start3A_31 : memref<128x32xf32, #tpu.memory_space<vmem>>) offsets(%dma_start3A_34 : memref<128xi32, #tpu.memory_space<vmem>>) semaphore(%arg13 : memref<!tpu.dma_semaphore, #tpu.memory_space<semaphore_mem>>)
        %dma_start3A_38 = arith.constant 1 : i32
        %dma_start3A_39 = arith.constant 128 : i32
        %dma_start3A_40 = arith.constant 0 : i32
        %dma_start3A_41 = tpu.memref_slice %arg11[%dma_start3A_39, %dma_start3A_40] : memref<512x32xf32, #tpu.memory_space<vmem>> -> memref<128x32xf32, #tpu.memory_space<vmem>>
        %dma_start3A_42 = arith.constant 0 : i32
        %dma_start3A_43 = tpu.memref_slice %arg9[%dma_start3A_38, %dma_start3A_42] : memref<4x128xi32, #tpu.memory_space<vmem>> -> memref<1x128xi32, #tpu.memory_space<vmem>>
        %dma_start3A_44 = tpu.memref_squeeze %dma_start3A_43 : memref<1x128xi32, #tpu.memory_space<vmem>> -> memref<128xi32, #tpu.memory_space<vmem>>
        %dma_start3A_45 = arith.constant 0 : i32
        %dma_start3A_46 = arith.constant 0 : i32
        %dma_start3A_47 = tpu.memref_slice %arg2[%dma_start3A_45, %dma_start3A_46] : memref<50000x32xf32, #tpu.memory_space<hbm>> -> memref<50000x32xf32, #tpu.memory_space<hbm>>
        tpu.enqueue_indirect_dma source(%dma_start3A_47 : memref<50000x32xf32, #tpu.memory_space<hbm>>) target(%dma_start3A_41 : memref<128x32xf32, #tpu.memory_space<vmem>>) offsets(%dma_start3A_44 : memref<128xi32, #tpu.memory_space<vmem>>) semaphore(%arg13 : memref<!tpu.dma_semaphore, #tpu.memory_space<semaphore_mem>>)
        %dma_start3A_48 = arith.constant 2 : i32
        %dma_start3A_49 = arith.constant 256 : i32
        %dma_start3A_50 = arith.constant 0 : i32
        %dma_start3A_51 = tpu.memref_slice %arg11[%dma_start3A_49, %dma_start3A_50] : memref<512x32xf32, #tpu.memory_space<vmem>> -> memref<128x32xf32, #tpu.memory_space<vmem>>
        %dma_start3A_52 = arith.constant 0 : i32
        %dma_start3A_53 = tpu.memref_slice %arg9[%dma_start3A_48, %dma_start3A_52] : memref<4x128xi32, #tpu.memory_space<vmem>> -> memref<1x128xi32, #tpu.memory_space<vmem>>
        %dma_start3A_54 = tpu.memref_squeeze %dma_start3A_53 : memref<1x128xi32, #tpu.memory_space<vmem>> -> memref<128xi32, #tpu.memory_space<vmem>>
        %dma_start3A_55 = arith.constant 0 : i32
        %dma_start3A_56 = arith.constant 0 : i32
        %dma_start3A_57 = tpu.memref_slice %arg2[%dma_start3A_55, %dma_start3A_56] : memref<50000x32xf32, #tpu.memory_space<hbm>> -> memref<50000x32xf32, #tpu.memory_space<hbm>>
        tpu.enqueue_indirect_dma source(%dma_start3A_57 : memref<50000x32xf32, #tpu.memory_space<hbm>>) target(%dma_start3A_51 : memref<128x32xf32, #tpu.memory_space<vmem>>) offsets(%dma_start3A_54 : memref<128xi32, #tpu.memory_space<vmem>>) semaphore(%arg13 : memref<!tpu.dma_semaphore, #tpu.memory_space<semaphore_mem>>)
        %dma_start3A_58 = arith.constant 3 : i32
        %dma_start3A_59 = arith.constant 384 : i32
        %dma_start3A_60 = arith.constant 0 : i32
        %dma_start3A_61 = tpu.memref_slice %arg11[%dma_start3A_59, %dma_start3A_60] : memref<512x32xf32, #tpu.memory_space<vmem>> -> memref<128x32xf32, #tpu.memory_space<vmem>>
        %dma_start3A_62 = arith.constant 0 : i32
        %dma_start3A_63 = tpu.memref_slice %arg9[%dma_start3A_58, %dma_start3A_62] : memref<4x128xi32, #tpu.memory_space<vmem>> -> memref<1x128xi32, #tpu.memory_space<vmem>>
        %dma_start3A_64 = tpu.memref_squeeze %dma_start3A_63 : memref<1x128xi32, #tpu.memory_space<vmem>> -> memref<128xi32, #tpu.memory_space<vmem>>
        %dma_start3A_65 = arith.constant 0 : i32
        %dma_start3A_66 = arith.constant 0 : i32
        %dma_start3A_67 = tpu.memref_slice %arg2[%dma_start3A_65, %dma_start3A_66] : memref<50000x32xf32, #tpu.memory_space<hbm>> -> memref<50000x32xf32, #tpu.memory_space<hbm>>
        tpu.enqueue_indirect_dma source(%dma_start3A_67 : memref<50000x32xf32, #tpu.memory_space<hbm>>) target(%dma_start3A_61 : memref<128x32xf32, #tpu.memory_space<vmem>>) offsets(%dma_start3A_64 : memref<128xi32, #tpu.memory_space<vmem>>) semaphore(%arg13 : memref<!tpu.dma_semaphore, #tpu.memory_space<semaphore_mem>>)
        %dma_wait3A = arith.constant 0 : i32
        %dma_wait3A_68 = arith.constant 0 : i32
        %dma_wait3A_69 = arith.constant 0 : i32
        %dma_wait3A_70 = tpu.memref_slice %arg11[%dma_wait3A_68, %dma_wait3A_69] : memref<512x32xf32, #tpu.memory_space<vmem>> -> memref<128x32xf32, #tpu.memory_space<vmem>>
        %dma_wait3A_71 = arith.constant 0 : i32
        %dma_wait3A_72 = tpu.memref_slice %arg9[%dma_wait3A, %dma_wait3A_71] : memref<4x128xi32, #tpu.memory_space<vmem>> -> memref<1x128xi32, #tpu.memory_space<vmem>>
        %dma_wait3A_73 = tpu.memref_squeeze %dma_wait3A_72 : memref<1x128xi32, #tpu.memory_space<vmem>> -> memref<128xi32, #tpu.memory_space<vmem>>
        %dma_wait3A_74 = arith.constant 0 : i32
        %dma_wait3A_75 = arith.constant 0 : i32
        %dma_wait3A_76 = tpu.memref_slice %arg2[%dma_wait3A_74, %dma_wait3A_75] : memref<50000x32xf32, #tpu.memory_space<hbm>> -> memref<50000x32xf32, #tpu.memory_space<hbm>>
        tpu.wait_indirect_dma semaphore(%arg13 : memref<!tpu.dma_semaphore, #tpu.memory_space<semaphore_mem>>) src(%dma_wait3A_76 : memref<50000x32xf32, #tpu.memory_space<hbm>>) dst(%dma_wait3A_70 : memref<128x32xf32, #tpu.memory_space<vmem>>)
        %dma_wait3A_77 = arith.constant 1 : i32
        %dma_wait3A_78 = arith.constant 128 : i32
        %dma_wait3A_79 = arith.constant 0 : i32
        %dma_wait3A_80 = tpu.memref_slice %arg11[%dma_wait3A_78, %dma_wait3A_79] : memref<512x32xf32, #tpu.memory_space<vmem>> -> memref<128x32xf32, #tpu.memory_space<vmem>>
        %dma_wait3A_81 = arith.constant 0 : i32
        %dma_wait3A_82 = tpu.memref_slice %arg9[%dma_wait3A_77, %dma_wait3A_81] : memref<4x128xi32, #tpu.memory_space<vmem>> -> memref<1x128xi32, #tpu.memory_space<vmem>>
        %dma_wait3A_83 = tpu.memref_squeeze %dma_wait3A_82 : memref<1x128xi32, #tpu.memory_space<vmem>> -> memref<128xi32, #tpu.memory_space<vmem>>
        %dma_wait3A_84 = arith.constant 0 : i32
        %dma_wait3A_85 = arith.constant 0 : i32
        %dma_wait3A_86 = tpu.memref_slice %arg2[%dma_wait3A_84, %dma_wait3A_85] : memref<50000x32xf32, #tpu.memory_space<hbm>> -> memref<50000x32xf32, #tpu.memory_space<hbm>>
        tpu.wait_indirect_dma semaphore(%arg13 : memref<!tpu.dma_semaphore, #tpu.memory_space<semaphore_mem>>) src(%dma_wait3A_86 : memref<50000x32xf32, #tpu.memory_space<hbm>>) dst(%dma_wait3A_80 : memref<128x32xf32, #tpu.memory_space<vmem>>)
        %dma_wait3A_87 = arith.constant 2 : i32
        %dma_wait3A_88 = arith.constant 256 : i32
        %dma_wait3A_89 = arith.constant 0 : i32
        %dma_wait3A_90 = tpu.memref_slice %arg11[%dma_wait3A_88, %dma_wait3A_89] : memref<512x32xf32, #tpu.memory_space<vmem>> -> memref<128x32xf32, #tpu.memory_space<vmem>>
        %dma_wait3A_91 = arith.constant 0 : i32
        %dma_wait3A_92 = tpu.memref_slice %arg9[%dma_wait3A_87, %dma_wait3A_91] : memref<4x128xi32, #tpu.memory_space<vmem>> -> memref<1x128xi32, #tpu.memory_space<vmem>>
        %dma_wait3A_93 = tpu.memref_squeeze %dma_wait3A_92 : memref<1x128xi32, #tpu.memory_space<vmem>> -> memref<128xi32, #tpu.memory_space<vmem>>
        %dma_wait3A_94 = arith.constant 0 : i32
        %dma_wait3A_95 = arith.constant 0 : i32
        %dma_wait3A_96 = tpu.memref_slice %arg2[%dma_wait3A_94, %dma_wait3A_95] : memref<50000x32xf32, #tpu.memory_space<hbm>> -> memref<50000x32xf32, #tpu.memory_space<hbm>>
        tpu.wait_indirect_dma semaphore(%arg13 : memref<!tpu.dma_semaphore, #tpu.memory_space<semaphore_mem>>) src(%dma_wait3A_96 : memref<50000x32xf32, #tpu.memory_space<hbm>>) dst(%dma_wait3A_90 : memref<128x32xf32, #tpu.memory_space<vmem>>)
        %dma_wait3A_97 = arith.constant 3 : i32
        %dma_wait3A_98 = arith.constant 384 : i32
        %dma_wait3A_99 = arith.constant 0 : i32
        %dma_wait3A_100 = tpu.memref_slice %arg11[%dma_wait3A_98, %dma_wait3A_99] : memref<512x32xf32, #tpu.memory_space<vmem>> -> memref<128x32xf32, #tpu.memory_space<vmem>>
        %dma_wait3A_101 = arith.constant 0 : i32
        %dma_wait3A_102 = tpu.memref_slice %arg9[%dma_wait3A_97, %dma_wait3A_101] : memref<4x128xi32, #tpu.memory_space<vmem>> -> memref<1x128xi32, #tpu.memory_space<vmem>>
        %dma_wait3A_103 = tpu.memref_squeeze %dma_wait3A_102 : memref<1x128xi32, #tpu.memory_space<vmem>> -> memref<128xi32, #tpu.memory_space<vmem>>
        %dma_wait3A_104 = arith.constant 0 : i32
        %dma_wait3A_105 = arith.constant 0 : i32
        %dma_wait3A_106 = tpu.memref_slice %arg2[%dma_wait3A_104, %dma_wait3A_105] : memref<50000x32xf32, #tpu.memory_space<hbm>> -> memref<50000x32xf32, #tpu.memory_space<hbm>>
        tpu.wait_indirect_dma semaphore(%arg13 : memref<!tpu.dma_semaphore, #tpu.memory_space<semaphore_mem>>) src(%dma_wait3A_106 : memref<50000x32xf32, #tpu.memory_space<hbm>>) dst(%dma_wait3A_100 : memref<128x32xf32, #tpu.memory_space<vmem>>)
        %run_scoped3A = arith.constant 0 : i32
        "tpu.region"() ({
          %run_scoped3A_110 = tpu.sem_alloc : memref<!tpu.dma_semaphore, #tpu.memory_space<semaphore_mem>>
          %dma_start3A_111 = arith.constant 0 : i32
          %dma_start3A_112 = arith.constant 0 : i32
          %dma_start3A_113 = tpu.memref_slice %arg11[%dma_start3A_111, %dma_start3A_112] : memref<512x32xf32, #tpu.memory_space<vmem>> -> memref<128x32xf32, #tpu.memory_space<vmem>>
          %dma_start3A_114 = arith.constant 0 : i32
          %dma_start3A_115 = tpu.memref_slice %arg10[%run_scoped3A, %dma_start3A_114] : memref<4x128xi32, #tpu.memory_space<vmem>> -> memref<1x128xi32, #tpu.memory_space<vmem>>
          %dma_start3A_116 = tpu.memref_squeeze %dma_start3A_115 : memref<1x128xi32, #tpu.memory_space<vmem>> -> memref<128xi32, #tpu.memory_space<vmem>>
          %dma_start3A_117 = arith.constant 0 : i32
          %dma_start3A_118 = arith.constant 0 : i32
          %dma_start3A_119 = tpu.memref_slice %arg12[%dma_start3A_117, %dma_start3A_118] : memref<50016x32xf32, #tpu.memory_space<vmem_shared>> -> memref<50016x32xf32, #tpu.memory_space<vmem_shared>>
          tpu.enqueue_indirect_dma source(%dma_start3A_113 : memref<128x32xf32, #tpu.memory_space<vmem>>) target(%dma_start3A_119 : memref<50016x32xf32, #tpu.memory_space<vmem_shared>>) offsets(%dma_start3A_116 : memref<128xi32, #tpu.memory_space<vmem>>) semaphore(%run_scoped3A_110 : memref<!tpu.dma_semaphore, #tpu.memory_space<semaphore_mem>>) {add = true}
          %dma_wait3A_120 = arith.constant 0 : i32
          %dma_wait3A_121 = arith.constant 0 : i32
          %dma_wait3A_122 = tpu.memref_slice %arg11[%dma_wait3A_120, %dma_wait3A_121] : memref<512x32xf32, #tpu.memory_space<vmem>> -> memref<128x32xf32, #tpu.memory_space<vmem>>
          %dma_wait3A_123 = arith.constant 0 : i32
          %dma_wait3A_124 = tpu.memref_slice %arg10[%run_scoped3A, %dma_wait3A_123] : memref<4x128xi32, #tpu.memory_space<vmem>> -> memref<1x128xi32, #tpu.memory_space<vmem>>
          %dma_wait3A_125 = tpu.memref_squeeze %dma_wait3A_124 : memref<1x128xi32, #tpu.memory_space<vmem>> -> memref<128xi32, #tpu.memory_space<vmem>>
          %dma_wait3A_126 = arith.constant 0 : i32
          %dma_wait3A_127 = arith.constant 0 : i32
          %dma_wait3A_128 = tpu.memref_slice %arg12[%dma_wait3A_126, %dma_wait3A_127] : memref<50016x32xf32, #tpu.memory_space<vmem_shared>> -> memref<50016x32xf32, #tpu.memory_space<vmem_shared>>
          tpu.wait_indirect_dma semaphore(%run_scoped3A_110 : memref<!tpu.dma_semaphore, #tpu.memory_space<semaphore_mem>>) src(%dma_wait3A_122 : memref<128x32xf32, #tpu.memory_space<vmem>>) dst(%dma_wait3A_128 : memref<50016x32xf32, #tpu.memory_space<vmem_shared>>)
          tpu.yield
        }) : () -> ()
        %run_scoped3A_107 = arith.constant 1 : i32
        "tpu.region"() ({
          %run_scoped3A_110 = tpu.sem_alloc : memref<!tpu.dma_semaphore, #tpu.memory_space<semaphore_mem>>
          %dma_start3A_111 = arith.constant 128 : i32
          %dma_start3A_112 = arith.constant 0 : i32
          %dma_start3A_113 = tpu.memref_slice %arg11[%dma_start3A_111, %dma_start3A_112] : memref<512x32xf32, #tpu.memory_space<vmem>> -> memref<128x32xf32, #tpu.memory_space<vmem>>
          %dma_start3A_114 = arith.constant 0 : i32
          %dma_start3A_115 = tpu.memref_slice %arg10[%run_scoped3A_107, %dma_start3A_114] : memref<4x128xi32, #tpu.memory_space<vmem>> -> memref<1x128xi32, #tpu.memory_space<vmem>>
          %dma_start3A_116 = tpu.memref_squeeze %dma_start3A_115 : memref<1x128xi32, #tpu.memory_space<vmem>> -> memref<128xi32, #tpu.memory_space<vmem>>
          %dma_start3A_117 = arith.constant 0 : i32
          %dma_start3A_118 = arith.constant 0 : i32
          %dma_start3A_119 = tpu.memref_slice %arg12[%dma_start3A_117, %dma_start3A_118] : memref<50016x32xf32, #tpu.memory_space<vmem_shared>> -> memref<50016x32xf32, #tpu.memory_space<vmem_shared>>
          tpu.enqueue_indirect_dma source(%dma_start3A_113 : memref<128x32xf32, #tpu.memory_space<vmem>>) target(%dma_start3A_119 : memref<50016x32xf32, #tpu.memory_space<vmem_shared>>) offsets(%dma_start3A_116 : memref<128xi32, #tpu.memory_space<vmem>>) semaphore(%run_scoped3A_110 : memref<!tpu.dma_semaphore, #tpu.memory_space<semaphore_mem>>) {add = true}
          %dma_wait3A_120 = arith.constant 128 : i32
          %dma_wait3A_121 = arith.constant 0 : i32
          %dma_wait3A_122 = tpu.memref_slice %arg11[%dma_wait3A_120, %dma_wait3A_121] : memref<512x32xf32, #tpu.memory_space<vmem>> -> memref<128x32xf32, #tpu.memory_space<vmem>>
          %dma_wait3A_123 = arith.constant 0 : i32
          %dma_wait3A_124 = tpu.memref_slice %arg10[%run_scoped3A_107, %dma_wait3A_123] : memref<4x128xi32, #tpu.memory_space<vmem>> -> memref<1x128xi32, #tpu.memory_space<vmem>>
          %dma_wait3A_125 = tpu.memref_squeeze %dma_wait3A_124 : memref<1x128xi32, #tpu.memory_space<vmem>> -> memref<128xi32, #tpu.memory_space<vmem>>
          %dma_wait3A_126 = arith.constant 0 : i32
          %dma_wait3A_127 = arith.constant 0 : i32
          %dma_wait3A_128 = tpu.memref_slice %arg12[%dma_wait3A_126, %dma_wait3A_127] : memref<50016x32xf32, #tpu.memory_space<vmem_shared>> -> memref<50016x32xf32, #tpu.memory_space<vmem_shared>>
          tpu.wait_indirect_dma semaphore(%run_scoped3A_110 : memref<!tpu.dma_semaphore, #tpu.memory_space<semaphore_mem>>) src(%dma_wait3A_122 : memref<128x32xf32, #tpu.memory_space<vmem>>) dst(%dma_wait3A_128 : memref<50016x32xf32, #tpu.memory_space<vmem_shared>>)
          tpu.yield
        }) : () -> ()
        %run_scoped3A_108 = arith.constant 2 : i32
        "tpu.region"() ({
          %run_scoped3A_110 = tpu.sem_alloc : memref<!tpu.dma_semaphore, #tpu.memory_space<semaphore_mem>>
          %dma_start3A_111 = arith.constant 256 : i32
          %dma_start3A_112 = arith.constant 0 : i32
          %dma_start3A_113 = tpu.memref_slice %arg11[%dma_start3A_111, %dma_start3A_112] : memref<512x32xf32, #tpu.memory_space<vmem>> -> memref<128x32xf32, #tpu.memory_space<vmem>>
          %dma_start3A_114 = arith.constant 0 : i32
          %dma_start3A_115 = tpu.memref_slice %arg10[%run_scoped3A_108, %dma_start3A_114] : memref<4x128xi32, #tpu.memory_space<vmem>> -> memref<1x128xi32, #tpu.memory_space<vmem>>
          %dma_start3A_116 = tpu.memref_squeeze %dma_start3A_115 : memref<1x128xi32, #tpu.memory_space<vmem>> -> memref<128xi32, #tpu.memory_space<vmem>>
          %dma_start3A_117 = arith.constant 0 : i32
          %dma_start3A_118 = arith.constant 0 : i32
          %dma_start3A_119 = tpu.memref_slice %arg12[%dma_start3A_117, %dma_start3A_118] : memref<50016x32xf32, #tpu.memory_space<vmem_shared>> -> memref<50016x32xf32, #tpu.memory_space<vmem_shared>>
          tpu.enqueue_indirect_dma source(%dma_start3A_113 : memref<128x32xf32, #tpu.memory_space<vmem>>) target(%dma_start3A_119 : memref<50016x32xf32, #tpu.memory_space<vmem_shared>>) offsets(%dma_start3A_116 : memref<128xi32, #tpu.memory_space<vmem>>) semaphore(%run_scoped3A_110 : memref<!tpu.dma_semaphore, #tpu.memory_space<semaphore_mem>>) {add = true}
          %dma_wait3A_120 = arith.constant 256 : i32
          %dma_wait3A_121 = arith.constant 0 : i32
          %dma_wait3A_122 = tpu.memref_slice %arg11[%dma_wait3A_120, %dma_wait3A_121] : memref<512x32xf32, #tpu.memory_space<vmem>> -> memref<128x32xf32, #tpu.memory_space<vmem>>
          %dma_wait3A_123 = arith.constant 0 : i32
          %dma_wait3A_124 = tpu.memref_slice %arg10[%run_scoped3A_108, %dma_wait3A_123] : memref<4x128xi32, #tpu.memory_space<vmem>> -> memref<1x128xi32, #tpu.memory_space<vmem>>
          %dma_wait3A_125 = tpu.memref_squeeze %dma_wait3A_124 : memref<1x128xi32, #tpu.memory_space<vmem>> -> memref<128xi32, #tpu.memory_space<vmem>>
          %dma_wait3A_126 = arith.constant 0 : i32
          %dma_wait3A_127 = arith.constant 0 : i32
          %dma_wait3A_128 = tpu.memref_slice %arg12[%dma_wait3A_126, %dma_wait3A_127] : memref<50016x32xf32, #tpu.memory_space<vmem_shared>> -> memref<50016x32xf32, #tpu.memory_space<vmem_shared>>
          tpu.wait_indirect_dma semaphore(%run_scoped3A_110 : memref<!tpu.dma_semaphore, #tpu.memory_space<semaphore_mem>>) src(%dma_wait3A_122 : memref<128x32xf32, #tpu.memory_space<vmem>>) dst(%dma_wait3A_128 : memref<50016x32xf32, #tpu.memory_space<vmem_shared>>)
          tpu.yield
        }) : () -> ()
        %run_scoped3A_109 = arith.constant 3 : i32
        "tpu.region"() ({
          %run_scoped3A_110 = tpu.sem_alloc : memref<!tpu.dma_semaphore, #tpu.memory_space<semaphore_mem>>
          %dma_start3A_111 = arith.constant 384 : i32
          %dma_start3A_112 = arith.constant 0 : i32
          %dma_start3A_113 = tpu.memref_slice %arg11[%dma_start3A_111, %dma_start3A_112] : memref<512x32xf32, #tpu.memory_space<vmem>> -> memref<128x32xf32, #tpu.memory_space<vmem>>
          %dma_start3A_114 = arith.constant 0 : i32
          %dma_start3A_115 = tpu.memref_slice %arg10[%run_scoped3A_109, %dma_start3A_114] : memref<4x128xi32, #tpu.memory_space<vmem>> -> memref<1x128xi32, #tpu.memory_space<vmem>>
          %dma_start3A_116 = tpu.memref_squeeze %dma_start3A_115 : memref<1x128xi32, #tpu.memory_space<vmem>> -> memref<128xi32, #tpu.memory_space<vmem>>
          %dma_start3A_117 = arith.constant 0 : i32
          %dma_start3A_118 = arith.constant 0 : i32
          %dma_start3A_119 = tpu.memref_slice %arg12[%dma_start3A_117, %dma_start3A_118] : memref<50016x32xf32, #tpu.memory_space<vmem_shared>> -> memref<50016x32xf32, #tpu.memory_space<vmem_shared>>
          tpu.enqueue_indirect_dma source(%dma_start3A_113 : memref<128x32xf32, #tpu.memory_space<vmem>>) target(%dma_start3A_119 : memref<50016x32xf32, #tpu.memory_space<vmem_shared>>) offsets(%dma_start3A_116 : memref<128xi32, #tpu.memory_space<vmem>>) semaphore(%run_scoped3A_110 : memref<!tpu.dma_semaphore, #tpu.memory_space<semaphore_mem>>) {add = true}
          %dma_wait3A_120 = arith.constant 384 : i32
          %dma_wait3A_121 = arith.constant 0 : i32
          %dma_wait3A_122 = tpu.memref_slice %arg11[%dma_wait3A_120, %dma_wait3A_121] : memref<512x32xf32, #tpu.memory_space<vmem>> -> memref<128x32xf32, #tpu.memory_space<vmem>>
          %dma_wait3A_123 = arith.constant 0 : i32
          %dma_wait3A_124 = tpu.memref_slice %arg10[%run_scoped3A_109, %dma_wait3A_123] : memref<4x128xi32, #tpu.memory_space<vmem>> -> memref<1x128xi32, #tpu.memory_space<vmem>>
          %dma_wait3A_125 = tpu.memref_squeeze %dma_wait3A_124 : memref<1x128xi32, #tpu.memory_space<vmem>> -> memref<128xi32, #tpu.memory_space<vmem>>
          %dma_wait3A_126 = arith.constant 0 : i32
          %dma_wait3A_127 = arith.constant 0 : i32
          %dma_wait3A_128 = tpu.memref_slice %arg12[%dma_wait3A_126, %dma_wait3A_127] : memref<50016x32xf32, #tpu.memory_space<vmem_shared>> -> memref<50016x32xf32, #tpu.memory_space<vmem_shared>>
          tpu.wait_indirect_dma semaphore(%run_scoped3A_110 : memref<!tpu.dma_semaphore, #tpu.memory_space<semaphore_mem>>) src(%dma_wait3A_122 : memref<128x32xf32, #tpu.memory_space<vmem>>) dst(%dma_wait3A_128 : memref<50016x32xf32, #tpu.memory_space<vmem_shared>>)
          tpu.yield
        }) : () -> ()
      }
      %scan3A_23 = arith.constant 98 : i32
    } else {
    }
    %eq3A_3 = arith.constant 1 : i32
    %eq3A_4 = arith.cmpi eq, %arg0, %eq3A_3 : i32
    %convert_element_type3A_5 = arith.extui %eq3A_4 : i1 to i32
    %cond3A_6 = arith.constant 0 : i32
    %cond3A_7 = arith.cmpi ne, %convert_element_type3A_5, %cond3A_6 : i32
    scf.if %cond3A_7 {
      %scan3A = arith.constant 0 : i32
      %scan3A_19 = arith.constant 0 : i32
      %scan3A_20 = arith.constant 98 : i32
      %scan3A_21 = arith.addi %scan3A_19, %scan3A_20 : i32
      %scan3A_22 = arith.constant 1 : i32
      scf.for %scan3A_24 = %scan3A_19 to %scan3A_21 step %scan3A_22  : i32 {
        %mul3A_25 = arith.constant 392 : i32
        %mul3A_26 = arith.muli %arg1, %mul3A_25 : i32
        %mul3A_27 = arith.constant 4 : i32
        %mul3A_28 = arith.muli %scan3A_24, %mul3A_27 : i32
        %add3A = arith.addi %mul3A_26, %mul3A_28 : i32
        "tpu.region"() ({
          %run_scoped3A_110 = tpu.sem_alloc : memref<!tpu.dma_semaphore, #tpu.memory_space<semaphore_mem>>
          %dma_start3A_111 = arith.constant 0 : i32
          %dma_start3A_112 = tpu.memref_slice %arg4[%add3A, %dma_start3A_111] : memref<6272x128xi32, #tpu.memory_space<hbm>> -> memref<4x128xi32, #tpu.memory_space<hbm>>
          %dma_start3A_113 = arith.constant 0 : i32
          %dma_start3A_114 = tpu.memref_slice %arg4[%add3A, %dma_start3A_113] : memref<6272x128xi32, #tpu.memory_space<hbm>> -> memref<4x128xi32, #tpu.memory_space<hbm>>
          tpu.enqueue_dma source(%dma_start3A_114 : memref<4x128xi32, #tpu.memory_space<hbm>>) target(%arg9 : memref<4x128xi32, #tpu.memory_space<vmem>>) target_semaphore(%run_scoped3A_110 : memref<!tpu.dma_semaphore, #tpu.memory_space<semaphore_mem>>)
          %dma_wait3A_115 = arith.constant 0 : i32
          %dma_wait3A_116 = tpu.memref_slice %arg4[%add3A, %dma_wait3A_115] : memref<6272x128xi32, #tpu.memory_space<hbm>> -> memref<4x128xi32, #tpu.memory_space<hbm>>
          %dma_wait3A_117 = arith.constant 0 : i32
          %dma_wait3A_118 = tpu.memref_slice %arg4[%add3A, %dma_wait3A_117] : memref<6272x128xi32, #tpu.memory_space<hbm>> -> memref<4x128xi32, #tpu.memory_space<hbm>>
          tpu.wait_dma2 semaphore(%run_scoped3A_110 : memref<!tpu.dma_semaphore, #tpu.memory_space<semaphore_mem>>) src(%dma_wait3A_118 : memref<4x128xi32, #tpu.memory_space<hbm>>) dst(%arg9 : memref<4x128xi32, #tpu.memory_space<vmem>>)
          tpu.yield
        }) : () -> ()
        "tpu.region"() ({
          %run_scoped3A_110 = tpu.sem_alloc : memref<!tpu.dma_semaphore, #tpu.memory_space<semaphore_mem>>
          %dma_start3A_111 = arith.constant 0 : i32
          %dma_start3A_112 = tpu.memref_slice %arg5[%add3A, %dma_start3A_111] : memref<6272x128xi32, #tpu.memory_space<hbm>> -> memref<4x128xi32, #tpu.memory_space<hbm>>
          %dma_start3A_113 = arith.constant 0 : i32
          %dma_start3A_114 = tpu.memref_slice %arg5[%add3A, %dma_start3A_113] : memref<6272x128xi32, #tpu.memory_space<hbm>> -> memref<4x128xi32, #tpu.memory_space<hbm>>
          tpu.enqueue_dma source(%dma_start3A_114 : memref<4x128xi32, #tpu.memory_space<hbm>>) target(%arg10 : memref<4x128xi32, #tpu.memory_space<vmem>>) target_semaphore(%run_scoped3A_110 : memref<!tpu.dma_semaphore, #tpu.memory_space<semaphore_mem>>)
          %dma_wait3A_115 = arith.constant 0 : i32
          %dma_wait3A_116 = tpu.memref_slice %arg5[%add3A, %dma_wait3A_115] : memref<6272x128xi32, #tpu.memory_space<hbm>> -> memref<4x128xi32, #tpu.memory_space<hbm>>
          %dma_wait3A_117 = arith.constant 0 : i32
          %dma_wait3A_118 = tpu.memref_slice %arg5[%add3A, %dma_wait3A_117] : memref<6272x128xi32, #tpu.memory_space<hbm>> -> memref<4x128xi32, #tpu.memory_space<hbm>>
          tpu.wait_dma2 semaphore(%run_scoped3A_110 : memref<!tpu.dma_semaphore, #tpu.memory_space<semaphore_mem>>) src(%dma_wait3A_118 : memref<4x128xi32, #tpu.memory_space<hbm>>) dst(%arg10 : memref<4x128xi32, #tpu.memory_space<vmem>>)
          tpu.yield
        }) : () -> ()
        %dma_start3A = arith.constant 0 : i32
        %dma_start3A_29 = arith.constant 0 : i32
        %dma_start3A_30 = arith.constant 0 : i32
        %dma_start3A_31 = tpu.memref_slice %arg11[%dma_start3A_29, %dma_start3A_30] : memref<512x32xf32, #tpu.memory_space<vmem>> -> memref<128x32xf32, #tpu.memory_space<vmem>>
        %dma_start3A_32 = arith.constant 0 : i32
        %dma_start3A_33 = tpu.memref_slice %arg9[%dma_start3A, %dma_start3A_32] : memref<4x128xi32, #tpu.memory_space<vmem>> -> memref<1x128xi32, #tpu.memory_space<vmem>>
        %dma_start3A_34 = tpu.memref_squeeze %dma_start3A_33 : memref<1x128xi32, #tpu.memory_space<vmem>> -> memref<128xi32, #tpu.memory_space<vmem>>
        %dma_start3A_35 = arith.constant 0 : i32
        %dma_start3A_36 = arith.constant 0 : i32
        %dma_start3A_37 = tpu.memref_slice %arg3[%dma_start3A_35, %dma_start3A_36] : memref<50000x32xf32, #tpu.memory_space<hbm>> -> memref<50000x32xf32, #tpu.memory_space<hbm>>
        tpu.enqueue_indirect_dma source(%dma_start3A_37 : memref<50000x32xf32, #tpu.memory_space<hbm>>) target(%dma_start3A_31 : memref<128x32xf32, #tpu.memory_space<vmem>>) offsets(%dma_start3A_34 : memref<128xi32, #tpu.memory_space<vmem>>) semaphore(%arg13 : memref<!tpu.dma_semaphore, #tpu.memory_space<semaphore_mem>>)
        %dma_start3A_38 = arith.constant 1 : i32
        %dma_start3A_39 = arith.constant 128 : i32
        %dma_start3A_40 = arith.constant 0 : i32
        %dma_start3A_41 = tpu.memref_slice %arg11[%dma_start3A_39, %dma_start3A_40] : memref<512x32xf32, #tpu.memory_space<vmem>> -> memref<128x32xf32, #tpu.memory_space<vmem>>
        %dma_start3A_42 = arith.constant 0 : i32
        %dma_start3A_43 = tpu.memref_slice %arg9[%dma_start3A_38, %dma_start3A_42] : memref<4x128xi32, #tpu.memory_space<vmem>> -> memref<1x128xi32, #tpu.memory_space<vmem>>
        %dma_start3A_44 = tpu.memref_squeeze %dma_start3A_43 : memref<1x128xi32, #tpu.memory_space<vmem>> -> memref<128xi32, #tpu.memory_space<vmem>>
        %dma_start3A_45 = arith.constant 0 : i32
        %dma_start3A_46 = arith.constant 0 : i32
        %dma_start3A_47 = tpu.memref_slice %arg3[%dma_start3A_45, %dma_start3A_46] : memref<50000x32xf32, #tpu.memory_space<hbm>> -> memref<50000x32xf32, #tpu.memory_space<hbm>>
        tpu.enqueue_indirect_dma source(%dma_start3A_47 : memref<50000x32xf32, #tpu.memory_space<hbm>>) target(%dma_start3A_41 : memref<128x32xf32, #tpu.memory_space<vmem>>) offsets(%dma_start3A_44 : memref<128xi32, #tpu.memory_space<vmem>>) semaphore(%arg13 : memref<!tpu.dma_semaphore, #tpu.memory_space<semaphore_mem>>)
        %dma_start3A_48 = arith.constant 2 : i32
        %dma_start3A_49 = arith.constant 256 : i32
        %dma_start3A_50 = arith.constant 0 : i32
        %dma_start3A_51 = tpu.memref_slice %arg11[%dma_start3A_49, %dma_start3A_50] : memref<512x32xf32, #tpu.memory_space<vmem>> -> memref<128x32xf32, #tpu.memory_space<vmem>>
        %dma_start3A_52 = arith.constant 0 : i32
        %dma_start3A_53 = tpu.memref_slice %arg9[%dma_start3A_48, %dma_start3A_52] : memref<4x128xi32, #tpu.memory_space<vmem>> -> memref<1x128xi32, #tpu.memory_space<vmem>>
        %dma_start3A_54 = tpu.memref_squeeze %dma_start3A_53 : memref<1x128xi32, #tpu.memory_space<vmem>> -> memref<128xi32, #tpu.memory_space<vmem>>
        %dma_start3A_55 = arith.constant 0 : i32
        %dma_start3A_56 = arith.constant 0 : i32
        %dma_start3A_57 = tpu.memref_slice %arg3[%dma_start3A_55, %dma_start3A_56] : memref<50000x32xf32, #tpu.memory_space<hbm>> -> memref<50000x32xf32, #tpu.memory_space<hbm>>
        tpu.enqueue_indirect_dma source(%dma_start3A_57 : memref<50000x32xf32, #tpu.memory_space<hbm>>) target(%dma_start3A_51 : memref<128x32xf32, #tpu.memory_space<vmem>>) offsets(%dma_start3A_54 : memref<128xi32, #tpu.memory_space<vmem>>) semaphore(%arg13 : memref<!tpu.dma_semaphore, #tpu.memory_space<semaphore_mem>>)
        %dma_start3A_58 = arith.constant 3 : i32
        %dma_start3A_59 = arith.constant 384 : i32
        %dma_start3A_60 = arith.constant 0 : i32
        %dma_start3A_61 = tpu.memref_slice %arg11[%dma_start3A_59, %dma_start3A_60] : memref<512x32xf32, #tpu.memory_space<vmem>> -> memref<128x32xf32, #tpu.memory_space<vmem>>
        %dma_start3A_62 = arith.constant 0 : i32
        %dma_start3A_63 = tpu.memref_slice %arg9[%dma_start3A_58, %dma_start3A_62] : memref<4x128xi32, #tpu.memory_space<vmem>> -> memref<1x128xi32, #tpu.memory_space<vmem>>
        %dma_start3A_64 = tpu.memref_squeeze %dma_start3A_63 : memref<1x128xi32, #tpu.memory_space<vmem>> -> memref<128xi32, #tpu.memory_space<vmem>>
        %dma_start3A_65 = arith.constant 0 : i32
        %dma_start3A_66 = arith.constant 0 : i32
        %dma_start3A_67 = tpu.memref_slice %arg3[%dma_start3A_65, %dma_start3A_66] : memref<50000x32xf32, #tpu.memory_space<hbm>> -> memref<50000x32xf32, #tpu.memory_space<hbm>>
        tpu.enqueue_indirect_dma source(%dma_start3A_67 : memref<50000x32xf32, #tpu.memory_space<hbm>>) target(%dma_start3A_61 : memref<128x32xf32, #tpu.memory_space<vmem>>) offsets(%dma_start3A_64 : memref<128xi32, #tpu.memory_space<vmem>>) semaphore(%arg13 : memref<!tpu.dma_semaphore, #tpu.memory_space<semaphore_mem>>)
        %dma_wait3A = arith.constant 0 : i32
        %dma_wait3A_68 = arith.constant 0 : i32
        %dma_wait3A_69 = arith.constant 0 : i32
        %dma_wait3A_70 = tpu.memref_slice %arg11[%dma_wait3A_68, %dma_wait3A_69] : memref<512x32xf32, #tpu.memory_space<vmem>> -> memref<128x32xf32, #tpu.memory_space<vmem>>
        %dma_wait3A_71 = arith.constant 0 : i32
        %dma_wait3A_72 = tpu.memref_slice %arg9[%dma_wait3A, %dma_wait3A_71] : memref<4x128xi32, #tpu.memory_space<vmem>> -> memref<1x128xi32, #tpu.memory_space<vmem>>
        %dma_wait3A_73 = tpu.memref_squeeze %dma_wait3A_72 : memref<1x128xi32, #tpu.memory_space<vmem>> -> memref<128xi32, #tpu.memory_space<vmem>>
        %dma_wait3A_74 = arith.constant 0 : i32
        %dma_wait3A_75 = arith.constant 0 : i32
        %dma_wait3A_76 = tpu.memref_slice %arg3[%dma_wait3A_74, %dma_wait3A_75] : memref<50000x32xf32, #tpu.memory_space<hbm>> -> memref<50000x32xf32, #tpu.memory_space<hbm>>
        tpu.wait_indirect_dma semaphore(%arg13 : memref<!tpu.dma_semaphore, #tpu.memory_space<semaphore_mem>>) src(%dma_wait3A_76 : memref<50000x32xf32, #tpu.memory_space<hbm>>) dst(%dma_wait3A_70 : memref<128x32xf32, #tpu.memory_space<vmem>>)
        %dma_wait3A_77 = arith.constant 1 : i32
        %dma_wait3A_78 = arith.constant 128 : i32
        %dma_wait3A_79 = arith.constant 0 : i32
        %dma_wait3A_80 = tpu.memref_slice %arg11[%dma_wait3A_78, %dma_wait3A_79] : memref<512x32xf32, #tpu.memory_space<vmem>> -> memref<128x32xf32, #tpu.memory_space<vmem>>
        %dma_wait3A_81 = arith.constant 0 : i32
        %dma_wait3A_82 = tpu.memref_slice %arg9[%dma_wait3A_77, %dma_wait3A_81] : memref<4x128xi32, #tpu.memory_space<vmem>> -> memref<1x128xi32, #tpu.memory_space<vmem>>
        %dma_wait3A_83 = tpu.memref_squeeze %dma_wait3A_82 : memref<1x128xi32, #tpu.memory_space<vmem>> -> memref<128xi32, #tpu.memory_space<vmem>>
        %dma_wait3A_84 = arith.constant 0 : i32
        %dma_wait3A_85 = arith.constant 0 : i32
        %dma_wait3A_86 = tpu.memref_slice %arg3[%dma_wait3A_84, %dma_wait3A_85] : memref<50000x32xf32, #tpu.memory_space<hbm>> -> memref<50000x32xf32, #tpu.memory_space<hbm>>
        tpu.wait_indirect_dma semaphore(%arg13 : memref<!tpu.dma_semaphore, #tpu.memory_space<semaphore_mem>>) src(%dma_wait3A_86 : memref<50000x32xf32, #tpu.memory_space<hbm>>) dst(%dma_wait3A_80 : memref<128x32xf32, #tpu.memory_space<vmem>>)
        %dma_wait3A_87 = arith.constant 2 : i32
        %dma_wait3A_88 = arith.constant 256 : i32
        %dma_wait3A_89 = arith.constant 0 : i32
        %dma_wait3A_90 = tpu.memref_slice %arg11[%dma_wait3A_88, %dma_wait3A_89] : memref<512x32xf32, #tpu.memory_space<vmem>> -> memref<128x32xf32, #tpu.memory_space<vmem>>
        %dma_wait3A_91 = arith.constant 0 : i32
        %dma_wait3A_92 = tpu.memref_slice %arg9[%dma_wait3A_87, %dma_wait3A_91] : memref<4x128xi32, #tpu.memory_space<vmem>> -> memref<1x128xi32, #tpu.memory_space<vmem>>
        %dma_wait3A_93 = tpu.memref_squeeze %dma_wait3A_92 : memref<1x128xi32, #tpu.memory_space<vmem>> -> memref<128xi32, #tpu.memory_space<vmem>>
        %dma_wait3A_94 = arith.constant 0 : i32
        %dma_wait3A_95 = arith.constant 0 : i32
        %dma_wait3A_96 = tpu.memref_slice %arg3[%dma_wait3A_94, %dma_wait3A_95] : memref<50000x32xf32, #tpu.memory_space<hbm>> -> memref<50000x32xf32, #tpu.memory_space<hbm>>
        tpu.wait_indirect_dma semaphore(%arg13 : memref<!tpu.dma_semaphore, #tpu.memory_space<semaphore_mem>>) src(%dma_wait3A_96 : memref<50000x32xf32, #tpu.memory_space<hbm>>) dst(%dma_wait3A_90 : memref<128x32xf32, #tpu.memory_space<vmem>>)
        %dma_wait3A_97 = arith.constant 3 : i32
        %dma_wait3A_98 = arith.constant 384 : i32
        %dma_wait3A_99 = arith.constant 0 : i32
        %dma_wait3A_100 = tpu.memref_slice %arg11[%dma_wait3A_98, %dma_wait3A_99] : memref<512x32xf32, #tpu.memory_space<vmem>> -> memref<128x32xf32, #tpu.memory_space<vmem>>
        %dma_wait3A_101 = arith.constant 0 : i32
        %dma_wait3A_102 = tpu.memref_slice %arg9[%dma_wait3A_97, %dma_wait3A_101] : memref<4x128xi32, #tpu.memory_space<vmem>> -> memref<1x128xi32, #tpu.memory_space<vmem>>
        %dma_wait3A_103 = tpu.memref_squeeze %dma_wait3A_102 : memref<1x128xi32, #tpu.memory_space<vmem>> -> memref<128xi32, #tpu.memory_space<vmem>>
        %dma_wait3A_104 = arith.constant 0 : i32
        %dma_wait3A_105 = arith.constant 0 : i32
        %dma_wait3A_106 = tpu.memref_slice %arg3[%dma_wait3A_104, %dma_wait3A_105] : memref<50000x32xf32, #tpu.memory_space<hbm>> -> memref<50000x32xf32, #tpu.memory_space<hbm>>
        tpu.wait_indirect_dma semaphore(%arg13 : memref<!tpu.dma_semaphore, #tpu.memory_space<semaphore_mem>>) src(%dma_wait3A_106 : memref<50000x32xf32, #tpu.memory_space<hbm>>) dst(%dma_wait3A_100 : memref<128x32xf32, #tpu.memory_space<vmem>>)
        %run_scoped3A = arith.constant 0 : i32
        "tpu.region"() ({
          %run_scoped3A_110 = tpu.sem_alloc : memref<!tpu.dma_semaphore, #tpu.memory_space<semaphore_mem>>
          %dma_start3A_111 = arith.constant 0 : i32
          %dma_start3A_112 = arith.constant 0 : i32
          %dma_start3A_113 = tpu.memref_slice %arg11[%dma_start3A_111, %dma_start3A_112] : memref<512x32xf32, #tpu.memory_space<vmem>> -> memref<128x32xf32, #tpu.memory_space<vmem>>
          %dma_start3A_114 = arith.constant 0 : i32
          %dma_start3A_115 = tpu.memref_slice %arg10[%run_scoped3A, %dma_start3A_114] : memref<4x128xi32, #tpu.memory_space<vmem>> -> memref<1x128xi32, #tpu.memory_space<vmem>>
          %dma_start3A_116 = tpu.memref_squeeze %dma_start3A_115 : memref<1x128xi32, #tpu.memory_space<vmem>> -> memref<128xi32, #tpu.memory_space<vmem>>
          %dma_start3A_117 = arith.constant 0 : i32
          %dma_start3A_118 = arith.constant 0 : i32
          %dma_start3A_119 = tpu.memref_slice %arg12[%dma_start3A_117, %dma_start3A_118] : memref<50016x32xf32, #tpu.memory_space<vmem_shared>> -> memref<50016x32xf32, #tpu.memory_space<vmem_shared>>
          tpu.enqueue_indirect_dma source(%dma_start3A_113 : memref<128x32xf32, #tpu.memory_space<vmem>>) target(%dma_start3A_119 : memref<50016x32xf32, #tpu.memory_space<vmem_shared>>) offsets(%dma_start3A_116 : memref<128xi32, #tpu.memory_space<vmem>>) semaphore(%run_scoped3A_110 : memref<!tpu.dma_semaphore, #tpu.memory_space<semaphore_mem>>) {add = true}
          %dma_wait3A_120 = arith.constant 0 : i32
          %dma_wait3A_121 = arith.constant 0 : i32
          %dma_wait3A_122 = tpu.memref_slice %arg11[%dma_wait3A_120, %dma_wait3A_121] : memref<512x32xf32, #tpu.memory_space<vmem>> -> memref<128x32xf32, #tpu.memory_space<vmem>>
          %dma_wait3A_123 = arith.constant 0 : i32
          %dma_wait3A_124 = tpu.memref_slice %arg10[%run_scoped3A, %dma_wait3A_123] : memref<4x128xi32, #tpu.memory_space<vmem>> -> memref<1x128xi32, #tpu.memory_space<vmem>>
          %dma_wait3A_125 = tpu.memref_squeeze %dma_wait3A_124 : memref<1x128xi32, #tpu.memory_space<vmem>> -> memref<128xi32, #tpu.memory_space<vmem>>
          %dma_wait3A_126 = arith.constant 0 : i32
          %dma_wait3A_127 = arith.constant 0 : i32
          %dma_wait3A_128 = tpu.memref_slice %arg12[%dma_wait3A_126, %dma_wait3A_127] : memref<50016x32xf32, #tpu.memory_space<vmem_shared>> -> memref<50016x32xf32, #tpu.memory_space<vmem_shared>>
          tpu.wait_indirect_dma semaphore(%run_scoped3A_110 : memref<!tpu.dma_semaphore, #tpu.memory_space<semaphore_mem>>) src(%dma_wait3A_122 : memref<128x32xf32, #tpu.memory_space<vmem>>) dst(%dma_wait3A_128 : memref<50016x32xf32, #tpu.memory_space<vmem_shared>>)
          tpu.yield
        }) : () -> ()
        %run_scoped3A_107 = arith.constant 1 : i32
        "tpu.region"() ({
          %run_scoped3A_110 = tpu.sem_alloc : memref<!tpu.dma_semaphore, #tpu.memory_space<semaphore_mem>>
          %dma_start3A_111 = arith.constant 128 : i32
          %dma_start3A_112 = arith.constant 0 : i32
          %dma_start3A_113 = tpu.memref_slice %arg11[%dma_start3A_111, %dma_start3A_112] : memref<512x32xf32, #tpu.memory_space<vmem>> -> memref<128x32xf32, #tpu.memory_space<vmem>>
          %dma_start3A_114 = arith.constant 0 : i32
          %dma_start3A_115 = tpu.memref_slice %arg10[%run_scoped3A_107, %dma_start3A_114] : memref<4x128xi32, #tpu.memory_space<vmem>> -> memref<1x128xi32, #tpu.memory_space<vmem>>
          %dma_start3A_116 = tpu.memref_squeeze %dma_start3A_115 : memref<1x128xi32, #tpu.memory_space<vmem>> -> memref<128xi32, #tpu.memory_space<vmem>>
          %dma_start3A_117 = arith.constant 0 : i32
          %dma_start3A_118 = arith.constant 0 : i32
          %dma_start3A_119 = tpu.memref_slice %arg12[%dma_start3A_117, %dma_start3A_118] : memref<50016x32xf32, #tpu.memory_space<vmem_shared>> -> memref<50016x32xf32, #tpu.memory_space<vmem_shared>>
          tpu.enqueue_indirect_dma source(%dma_start3A_113 : memref<128x32xf32, #tpu.memory_space<vmem>>) target(%dma_start3A_119 : memref<50016x32xf32, #tpu.memory_space<vmem_shared>>) offsets(%dma_start3A_116 : memref<128xi32, #tpu.memory_space<vmem>>) semaphore(%run_scoped3A_110 : memref<!tpu.dma_semaphore, #tpu.memory_space<semaphore_mem>>) {add = true}
          %dma_wait3A_120 = arith.constant 128 : i32
          %dma_wait3A_121 = arith.constant 0 : i32
          %dma_wait3A_122 = tpu.memref_slice %arg11[%dma_wait3A_120, %dma_wait3A_121] : memref<512x32xf32, #tpu.memory_space<vmem>> -> memref<128x32xf32, #tpu.memory_space<vmem>>
          %dma_wait3A_123 = arith.constant 0 : i32
          %dma_wait3A_124 = tpu.memref_slice %arg10[%run_scoped3A_107, %dma_wait3A_123] : memref<4x128xi32, #tpu.memory_space<vmem>> -> memref<1x128xi32, #tpu.memory_space<vmem>>
          %dma_wait3A_125 = tpu.memref_squeeze %dma_wait3A_124 : memref<1x128xi32, #tpu.memory_space<vmem>> -> memref<128xi32, #tpu.memory_space<vmem>>
          %dma_wait3A_126 = arith.constant 0 : i32
          %dma_wait3A_127 = arith.constant 0 : i32
          %dma_wait3A_128 = tpu.memref_slice %arg12[%dma_wait3A_126, %dma_wait3A_127] : memref<50016x32xf32, #tpu.memory_space<vmem_shared>> -> memref<50016x32xf32, #tpu.memory_space<vmem_shared>>
          tpu.wait_indirect_dma semaphore(%run_scoped3A_110 : memref<!tpu.dma_semaphore, #tpu.memory_space<semaphore_mem>>) src(%dma_wait3A_122 : memref<128x32xf32, #tpu.memory_space<vmem>>) dst(%dma_wait3A_128 : memref<50016x32xf32, #tpu.memory_space<vmem_shared>>)
          tpu.yield
        }) : () -> ()
        %run_scoped3A_108 = arith.constant 2 : i32
        "tpu.region"() ({
          %run_scoped3A_110 = tpu.sem_alloc : memref<!tpu.dma_semaphore, #tpu.memory_space<semaphore_mem>>
          %dma_start3A_111 = arith.constant 256 : i32
          %dma_start3A_112 = arith.constant 0 : i32
          %dma_start3A_113 = tpu.memref_slice %arg11[%dma_start3A_111, %dma_start3A_112] : memref<512x32xf32, #tpu.memory_space<vmem>> -> memref<128x32xf32, #tpu.memory_space<vmem>>
          %dma_start3A_114 = arith.constant 0 : i32
          %dma_start3A_115 = tpu.memref_slice %arg10[%run_scoped3A_108, %dma_start3A_114] : memref<4x128xi32, #tpu.memory_space<vmem>> -> memref<1x128xi32, #tpu.memory_space<vmem>>
          %dma_start3A_116 = tpu.memref_squeeze %dma_start3A_115 : memref<1x128xi32, #tpu.memory_space<vmem>> -> memref<128xi32, #tpu.memory_space<vmem>>
          %dma_start3A_117 = arith.constant 0 : i32
          %dma_start3A_118 = arith.constant 0 : i32
          %dma_start3A_119 = tpu.memref_slice %arg12[%dma_start3A_117, %dma_start3A_118] : memref<50016x32xf32, #tpu.memory_space<vmem_shared>> -> memref<50016x32xf32, #tpu.memory_space<vmem_shared>>
          tpu.enqueue_indirect_dma source(%dma_start3A_113 : memref<128x32xf32, #tpu.memory_space<vmem>>) target(%dma_start3A_119 : memref<50016x32xf32, #tpu.memory_space<vmem_shared>>) offsets(%dma_start3A_116 : memref<128xi32, #tpu.memory_space<vmem>>) semaphore(%run_scoped3A_110 : memref<!tpu.dma_semaphore, #tpu.memory_space<semaphore_mem>>) {add = true}
          %dma_wait3A_120 = arith.constant 256 : i32
          %dma_wait3A_121 = arith.constant 0 : i32
          %dma_wait3A_122 = tpu.memref_slice %arg11[%dma_wait3A_120, %dma_wait3A_121] : memref<512x32xf32, #tpu.memory_space<vmem>> -> memref<128x32xf32, #tpu.memory_space<vmem>>
          %dma_wait3A_123 = arith.constant 0 : i32
          %dma_wait3A_124 = tpu.memref_slice %arg10[%run_scoped3A_108, %dma_wait3A_123] : memref<4x128xi32, #tpu.memory_space<vmem>> -> memref<1x128xi32, #tpu.memory_space<vmem>>
          %dma_wait3A_125 = tpu.memref_squeeze %dma_wait3A_124 : memref<1x128xi32, #tpu.memory_space<vmem>> -> memref<128xi32, #tpu.memory_space<vmem>>
          %dma_wait3A_126 = arith.constant 0 : i32
          %dma_wait3A_127 = arith.constant 0 : i32
          %dma_wait3A_128 = tpu.memref_slice %arg12[%dma_wait3A_126, %dma_wait3A_127] : memref<50016x32xf32, #tpu.memory_space<vmem_shared>> -> memref<50016x32xf32, #tpu.memory_space<vmem_shared>>
          tpu.wait_indirect_dma semaphore(%run_scoped3A_110 : memref<!tpu.dma_semaphore, #tpu.memory_space<semaphore_mem>>) src(%dma_wait3A_122 : memref<128x32xf32, #tpu.memory_space<vmem>>) dst(%dma_wait3A_128 : memref<50016x32xf32, #tpu.memory_space<vmem_shared>>)
          tpu.yield
        }) : () -> ()
        %run_scoped3A_109 = arith.constant 3 : i32
        "tpu.region"() ({
          %run_scoped3A_110 = tpu.sem_alloc : memref<!tpu.dma_semaphore, #tpu.memory_space<semaphore_mem>>
          %dma_start3A_111 = arith.constant 384 : i32
          %dma_start3A_112 = arith.constant 0 : i32
          %dma_start3A_113 = tpu.memref_slice %arg11[%dma_start3A_111, %dma_start3A_112] : memref<512x32xf32, #tpu.memory_space<vmem>> -> memref<128x32xf32, #tpu.memory_space<vmem>>
          %dma_start3A_114 = arith.constant 0 : i32
          %dma_start3A_115 = tpu.memref_slice %arg10[%run_scoped3A_109, %dma_start3A_114] : memref<4x128xi32, #tpu.memory_space<vmem>> -> memref<1x128xi32, #tpu.memory_space<vmem>>
          %dma_start3A_116 = tpu.memref_squeeze %dma_start3A_115 : memref<1x128xi32, #tpu.memory_space<vmem>> -> memref<128xi32, #tpu.memory_space<vmem>>
          %dma_start3A_117 = arith.constant 0 : i32
          %dma_start3A_118 = arith.constant 0 : i32
          %dma_start3A_119 = tpu.memref_slice %arg12[%dma_start3A_117, %dma_start3A_118] : memref<50016x32xf32, #tpu.memory_space<vmem_shared>> -> memref<50016x32xf32, #tpu.memory_space<vmem_shared>>
          tpu.enqueue_indirect_dma source(%dma_start3A_113 : memref<128x32xf32, #tpu.memory_space<vmem>>) target(%dma_start3A_119 : memref<50016x32xf32, #tpu.memory_space<vmem_shared>>) offsets(%dma_start3A_116 : memref<128xi32, #tpu.memory_space<vmem>>) semaphore(%run_scoped3A_110 : memref<!tpu.dma_semaphore, #tpu.memory_space<semaphore_mem>>) {add = true}
          %dma_wait3A_120 = arith.constant 384 : i32
          %dma_wait3A_121 = arith.constant 0 : i32
          %dma_wait3A_122 = tpu.memref_slice %arg11[%dma_wait3A_120, %dma_wait3A_121] : memref<512x32xf32, #tpu.memory_space<vmem>> -> memref<128x32xf32, #tpu.memory_space<vmem>>
          %dma_wait3A_123 = arith.constant 0 : i32
          %dma_wait3A_124 = tpu.memref_slice %arg10[%run_scoped3A_109, %dma_wait3A_123] : memref<4x128xi32, #tpu.memory_space<vmem>> -> memref<1x128xi32, #tpu.memory_space<vmem>>
          %dma_wait3A_125 = tpu.memref_squeeze %dma_wait3A_124 : memref<1x128xi32, #tpu.memory_space<vmem>> -> memref<128xi32, #tpu.memory_space<vmem>>
          %dma_wait3A_126 = arith.constant 0 : i32
          %dma_wait3A_127 = arith.constant 0 : i32
          %dma_wait3A_128 = tpu.memref_slice %arg12[%dma_wait3A_126, %dma_wait3A_127] : memref<50016x32xf32, #tpu.memory_space<vmem_shared>> -> memref<50016x32xf32, #tpu.memory_space<vmem_shared>>
          tpu.wait_indirect_dma semaphore(%run_scoped3A_110 : memref<!tpu.dma_semaphore, #tpu.memory_space<semaphore_mem>>) src(%dma_wait3A_122 : memref<128x32xf32, #tpu.memory_space<vmem>>) dst(%dma_wait3A_128 : memref<50016x32xf32, #tpu.memory_space<vmem_shared>>)
          tpu.yield
        }) : () -> ()
      }
      %scan3A_23 = arith.constant 98 : i32
    } else {
    }
    %barrier3A_8 = arith.constant 0 : index
    tpu.barrier barrier_id(%barrier3A_8)
    %eq3A_9 = arith.constant 0 : i32
    %eq3A_10 = arith.cmpi eq, %arg0, %eq3A_9 : i32
    %convert_element_type3A_11 = arith.extui %eq3A_10 : i1 to i32
    %cond3A_12 = arith.constant 0 : i32
    %cond3A_13 = arith.cmpi ne, %convert_element_type3A_11, %cond3A_12 : i32
    scf.if %cond3A_13 {
      %mul3A_19 = arith.constant 3125 : i32
      %mul3A_20 = arith.muli %arg1, %mul3A_19 : i32
      %mul3A_21 = arith.constant 3125 : i32
      %mul3A_22 = arith.muli %arg1, %mul3A_21 : i32
      "tpu.region"() ({
        %run_scoped3A = tpu.sem_alloc : memref<!tpu.dma_semaphore, #tpu.memory_space<semaphore_mem>>
        %dma_start3A = arith.constant 0 : i32
        %dma_start3A_23 = tpu.memref_slice %arg7[%mul3A_22, %dma_start3A] : memref<50000x32xf32, #tpu.memory_space<hbm>> -> memref<3125x32xf32, #tpu.memory_space<hbm>>
        %dma_start3A_24 = arith.constant 0 : i32
        %dma_start3A_25 = tpu.memref_slice %arg12[%mul3A_20, %dma_start3A_24] : memref<50016x32xf32, #tpu.memory_space<vmem_shared>> -> memref<3125x32xf32, #tpu.memory_space<vmem_shared>>
        tpu.enqueue_dma source(%dma_start3A_25 : memref<3125x32xf32, #tpu.memory_space<vmem_shared>>) target(%dma_start3A_23 : memref<3125x32xf32, #tpu.memory_space<hbm>>) target_semaphore(%run_scoped3A : memref<!tpu.dma_semaphore, #tpu.memory_space<semaphore_mem>>)
        %dma_wait3A = arith.constant 0 : i32
        %dma_wait3A_26 = tpu.memref_slice %arg7[%mul3A_22, %dma_wait3A] : memref<50000x32xf32, #tpu.memory_space<hbm>> -> memref<3125x32xf32, #tpu.memory_space<hbm>>
        %dma_wait3A_27 = arith.constant 0 : i32
        %dma_wait3A_28 = tpu.memref_slice %arg12[%mul3A_20, %dma_wait3A_27] : memref<50016x32xf32, #tpu.memory_space<vmem_shared>> -> memref<3125x32xf32, #tpu.memory_space<vmem_shared>>
        tpu.wait_dma2 semaphore(%run_scoped3A : memref<!tpu.dma_semaphore, #tpu.memory_space<semaphore_mem>>) src(%dma_wait3A_28 : memref<3125x32xf32, #tpu.memory_space<vmem_shared>>) dst(%dma_wait3A_26 : memref<3125x32xf32, #tpu.memory_space<hbm>>)
        tpu.yield
      }) : () -> ()
    } else {
    }
    %eq3A_14 = arith.constant 1 : i32
    %eq3A_15 = arith.cmpi eq, %arg0, %eq3A_14 : i32
    %convert_element_type3A_16 = arith.extui %eq3A_15 : i1 to i32
    %cond3A_17 = arith.constant 0 : i32
    %cond3A_18 = arith.cmpi ne, %convert_element_type3A_16, %cond3A_17 : i32
    scf.if %cond3A_18 {
      %mul3A_19 = arith.constant 3125 : i32
      %mul3A_20 = arith.muli %arg1, %mul3A_19 : i32
      %mul3A_21 = arith.constant 3125 : i32
      %mul3A_22 = arith.muli %arg1, %mul3A_21 : i32
      "tpu.region"() ({
        %run_scoped3A = tpu.sem_alloc : memref<!tpu.dma_semaphore, #tpu.memory_space<semaphore_mem>>
        %dma_start3A = arith.constant 0 : i32
        %dma_start3A_23 = tpu.memref_slice %arg8[%mul3A_22, %dma_start3A] : memref<50000x32xf32, #tpu.memory_space<hbm>> -> memref<3125x32xf32, #tpu.memory_space<hbm>>
        %dma_start3A_24 = arith.constant 0 : i32
        %dma_start3A_25 = tpu.memref_slice %arg12[%mul3A_20, %dma_start3A_24] : memref<50016x32xf32, #tpu.memory_space<vmem_shared>> -> memref<3125x32xf32, #tpu.memory_space<vmem_shared>>
        tpu.enqueue_dma source(%dma_start3A_25 : memref<3125x32xf32, #tpu.memory_space<vmem_shared>>) target(%dma_start3A_23 : memref<3125x32xf32, #tpu.memory_space<hbm>>) target_semaphore(%run_scoped3A : memref<!tpu.dma_semaphore, #tpu.memory_space<semaphore_mem>>)
        %dma_wait3A = arith.constant 0 : i32
        %dma_wait3A_26 = tpu.memref_slice %arg8[%mul3A_22, %dma_wait3A] : memref<50000x32xf32, #tpu.memory_space<hbm>> -> memref<3125x32xf32, #tpu.memory_space<hbm>>
        %dma_wait3A_27 = arith.constant 0 : i32
        %dma_wait3A_28 = tpu.memref_slice %arg12[%mul3A_20, %dma_wait3A_27] : memref<50016x32xf32, #tpu.memory_space<vmem_shared>> -> memref<3125x32xf32, #tpu.memory_space<vmem_shared>>
        tpu.wait_dma2 semaphore(%run_scoped3A : memref<!tpu.dma_semaphore, #tpu.memory_space<semaphore_mem>>) src(%dma_wait3A_28 : memref<3125x32xf32, #tpu.memory_space<vmem_shared>>) dst(%dma_wait3A_26 : memref<3125x32xf32, #tpu.memory_space<hbm>>)
        tpu.yield
      }) : () -> ()
    } else {
    }
    return
  }
}

#map = affine_map<(d0, d1) -> (0, 0)>
module attributes {stable_mosaic.version = 14 : i64} {
  func.func @_sc_agg_body(%arg0: i32, %arg1: i32, %arg2: memref<50000x32xf32, #tpu.memory_space<hbm>>, %arg3: memref<50000x32xf32, #tpu.memory_space<hbm>>, %arg4: memref<6272x128xi32, #tpu.memory_space<hbm>>, %arg5: memref<6272x128xi32, #tpu.memory_space<hbm>>, %arg6: memref<3126x32xf32, #tpu.memory_space<hbm>>, %arg7: memref<50000x32xf32, #tpu.memory_space<hbm>>, %arg8: memref<50000x32xf32, #tpu.memory_space<hbm>>, %arg9: memref<4x128xi32, #tpu.memory_space<vmem>>, %arg10: memref<4x128xi32, #tpu.memory_space<vmem>>, %arg11: memref<512x32xf32, #tpu.memory_space<vmem>>, %arg12: memref<50016x32xf32, #tpu.memory_space<vmem_shared>>, %arg13: memref<!tpu.dma_semaphore, #tpu.memory_space<semaphore_mem>>) attributes {dimension_semantics = [#tpu.dimension_semantics<core_parallel>, #tpu.dimension_semantics<subcore_parallel>], iteration_bounds = array<i64: 2, 16>, scalar_prefetch = 0 : i64, scratch_operands = 5 : i64, tpu.core_type = #tpu.core_type<sc_vector_subcore>, window_params = [{transform_indices = #map}, {transform_indices = #map}, {transform_indices = #map}, {transform_indices = #map}, {transform_indices = #map}, {transform_indices = #map}, {transform_indices = #map}]} {
    %mul3A = arith.constant 3126 : i32
    %mul3A_0 = arith.muli %arg1, %mul3A : i32
    "tpu.region"() ({
      %run_scoped3A = tpu.sem_alloc : memref<!tpu.dma_semaphore, #tpu.memory_space<semaphore_mem>>
      %dma_start3A = arith.constant 0 : i32
      %dma_start3A_19 = tpu.memref_slice %arg12[%mul3A_0, %dma_start3A] : memref<50016x32xf32, #tpu.memory_space<vmem_shared>> -> memref<3126x32xf32, #tpu.memory_space<vmem_shared>>
      tpu.enqueue_dma source(%arg6 : memref<3126x32xf32, #tpu.memory_space<hbm>>) target(%dma_start3A_19 : memref<3126x32xf32, #tpu.memory_space<vmem_shared>>) target_semaphore(%run_scoped3A : memref<!tpu.dma_semaphore, #tpu.memory_space<semaphore_mem>>)
      %dma_wait3A = arith.constant 0 : i32
      %dma_wait3A_20 = tpu.memref_slice %arg12[%mul3A_0, %dma_wait3A] : memref<50016x32xf32, #tpu.memory_space<vmem_shared>> -> memref<3126x32xf32, #tpu.memory_space<vmem_shared>>
      tpu.wait_dma2 semaphore(%run_scoped3A : memref<!tpu.dma_semaphore, #tpu.memory_space<semaphore_mem>>) src(%arg6 : memref<3126x32xf32, #tpu.memory_space<hbm>>) dst(%dma_wait3A_20 : memref<3126x32xf32, #tpu.memory_space<vmem_shared>>)
      tpu.yield
    }) : () -> ()
    %barrier3A = arith.constant 0 : index
    tpu.barrier barrier_id(%barrier3A)
    %eq3A = arith.constant 0 : i32
    %eq3A_1 = arith.cmpi eq, %arg0, %eq3A : i32
    %convert_element_type3A = arith.extui %eq3A_1 : i1 to i32
    %cond3A = arith.constant 0 : i32
    %cond3A_2 = arith.cmpi ne, %convert_element_type3A, %cond3A : i32
    scf.if %cond3A_2 {
      %scan3A = arith.constant 0 : i32
      %scan3A_19 = arith.constant 0 : i32
      %scan3A_20 = arith.constant 98 : i32
      %scan3A_21 = arith.addi %scan3A_19, %scan3A_20 : i32
      %scan3A_22 = arith.constant 1 : i32
      scf.for %scan3A_24 = %scan3A_19 to %scan3A_21 step %scan3A_22  : i32 {
        %mul3A_25 = arith.constant 392 : i32
        %mul3A_26 = arith.muli %arg1, %mul3A_25 : i32
        %mul3A_27 = arith.constant 4 : i32
        %mul3A_28 = arith.muli %scan3A_24, %mul3A_27 : i32
        %add3A = arith.addi %mul3A_26, %mul3A_28 : i32
        "tpu.region"() ({
          %run_scoped3A_110 = tpu.sem_alloc : memref<!tpu.dma_semaphore, #tpu.memory_space<semaphore_mem>>
          %dma_start3A_111 = arith.constant 0 : i32
          %dma_start3A_112 = tpu.memref_slice %arg4[%add3A, %dma_start3A_111] : memref<6272x128xi32, #tpu.memory_space<hbm>> -> memref<4x128xi32, #tpu.memory_space<hbm>>
          %dma_start3A_113 = arith.constant 0 : i32
          %dma_start3A_114 = tpu.memref_slice %arg4[%add3A, %dma_start3A_113] : memref<6272x128xi32, #tpu.memory_space<hbm>> -> memref<4x128xi32, #tpu.memory_space<hbm>>
          tpu.enqueue_dma source(%dma_start3A_114 : memref<4x128xi32, #tpu.memory_space<hbm>>) target(%arg9 : memref<4x128xi32, #tpu.memory_space<vmem>>) target_semaphore(%run_scoped3A_110 : memref<!tpu.dma_semaphore, #tpu.memory_space<semaphore_mem>>)
          %dma_wait3A_115 = arith.constant 0 : i32
          %dma_wait3A_116 = tpu.memref_slice %arg4[%add3A, %dma_wait3A_115] : memref<6272x128xi32, #tpu.memory_space<hbm>> -> memref<4x128xi32, #tpu.memory_space<hbm>>
          %dma_wait3A_117 = arith.constant 0 : i32
          %dma_wait3A_118 = tpu.memref_slice %arg4[%add3A, %dma_wait3A_117] : memref<6272x128xi32, #tpu.memory_space<hbm>> -> memref<4x128xi32, #tpu.memory_space<hbm>>
          tpu.wait_dma2 semaphore(%run_scoped3A_110 : memref<!tpu.dma_semaphore, #tpu.memory_space<semaphore_mem>>) src(%dma_wait3A_118 : memref<4x128xi32, #tpu.memory_space<hbm>>) dst(%arg9 : memref<4x128xi32, #tpu.memory_space<vmem>>)
          tpu.yield
        }) : () -> ()
        "tpu.region"() ({
          %run_scoped3A_110 = tpu.sem_alloc : memref<!tpu.dma_semaphore, #tpu.memory_space<semaphore_mem>>
          %dma_start3A_111 = arith.constant 0 : i32
          %dma_start3A_112 = tpu.memref_slice %arg5[%add3A, %dma_start3A_111] : memref<6272x128xi32, #tpu.memory_space<hbm>> -> memref<4x128xi32, #tpu.memory_space<hbm>>
          %dma_start3A_113 = arith.constant 0 : i32
          %dma_start3A_114 = tpu.memref_slice %arg5[%add3A, %dma_start3A_113] : memref<6272x128xi32, #tpu.memory_space<hbm>> -> memref<4x128xi32, #tpu.memory_space<hbm>>
          tpu.enqueue_dma source(%dma_start3A_114 : memref<4x128xi32, #tpu.memory_space<hbm>>) target(%arg10 : memref<4x128xi32, #tpu.memory_space<vmem>>) target_semaphore(%run_scoped3A_110 : memref<!tpu.dma_semaphore, #tpu.memory_space<semaphore_mem>>)
          %dma_wait3A_115 = arith.constant 0 : i32
          %dma_wait3A_116 = tpu.memref_slice %arg5[%add3A, %dma_wait3A_115] : memref<6272x128xi32, #tpu.memory_space<hbm>> -> memref<4x128xi32, #tpu.memory_space<hbm>>
          %dma_wait3A_117 = arith.constant 0 : i32
          %dma_wait3A_118 = tpu.memref_slice %arg5[%add3A, %dma_wait3A_117] : memref<6272x128xi32, #tpu.memory_space<hbm>> -> memref<4x128xi32, #tpu.memory_space<hbm>>
          tpu.wait_dma2 semaphore(%run_scoped3A_110 : memref<!tpu.dma_semaphore, #tpu.memory_space<semaphore_mem>>) src(%dma_wait3A_118 : memref<4x128xi32, #tpu.memory_space<hbm>>) dst(%arg10 : memref<4x128xi32, #tpu.memory_space<vmem>>)
          tpu.yield
        }) : () -> ()
        %dma_start3A = arith.constant 0 : i32
        %dma_start3A_29 = arith.constant 0 : i32
        %dma_start3A_30 = arith.constant 0 : i32
        %dma_start3A_31 = tpu.memref_slice %arg11[%dma_start3A_29, %dma_start3A_30] : memref<512x32xf32, #tpu.memory_space<vmem>> -> memref<128x32xf32, #tpu.memory_space<vmem>>
        %dma_start3A_32 = arith.constant 0 : i32
        %dma_start3A_33 = tpu.memref_slice %arg9[%dma_start3A, %dma_start3A_32] : memref<4x128xi32, #tpu.memory_space<vmem>> -> memref<1x128xi32, #tpu.memory_space<vmem>>
        %dma_start3A_34 = tpu.memref_squeeze %dma_start3A_33 : memref<1x128xi32, #tpu.memory_space<vmem>> -> memref<128xi32, #tpu.memory_space<vmem>>
        %dma_start3A_35 = arith.constant 0 : i32
        %dma_start3A_36 = arith.constant 0 : i32
        %dma_start3A_37 = tpu.memref_slice %arg2[%dma_start3A_35, %dma_start3A_36] : memref<50000x32xf32, #tpu.memory_space<hbm>> -> memref<50000x32xf32, #tpu.memory_space<hbm>>
        tpu.enqueue_indirect_dma source(%dma_start3A_37 : memref<50000x32xf32, #tpu.memory_space<hbm>>) target(%dma_start3A_31 : memref<128x32xf32, #tpu.memory_space<vmem>>) offsets(%dma_start3A_34 : memref<128xi32, #tpu.memory_space<vmem>>) semaphore(%arg13 : memref<!tpu.dma_semaphore, #tpu.memory_space<semaphore_mem>>)
        %dma_start3A_38 = arith.constant 1 : i32
        %dma_start3A_39 = arith.constant 128 : i32
        %dma_start3A_40 = arith.constant 0 : i32
        %dma_start3A_41 = tpu.memref_slice %arg11[%dma_start3A_39, %dma_start3A_40] : memref<512x32xf32, #tpu.memory_space<vmem>> -> memref<128x32xf32, #tpu.memory_space<vmem>>
        %dma_start3A_42 = arith.constant 0 : i32
        %dma_start3A_43 = tpu.memref_slice %arg9[%dma_start3A_38, %dma_start3A_42] : memref<4x128xi32, #tpu.memory_space<vmem>> -> memref<1x128xi32, #tpu.memory_space<vmem>>
        %dma_start3A_44 = tpu.memref_squeeze %dma_start3A_43 : memref<1x128xi32, #tpu.memory_space<vmem>> -> memref<128xi32, #tpu.memory_space<vmem>>
        %dma_start3A_45 = arith.constant 0 : i32
        %dma_start3A_46 = arith.constant 0 : i32
        %dma_start3A_47 = tpu.memref_slice %arg2[%dma_start3A_45, %dma_start3A_46] : memref<50000x32xf32, #tpu.memory_space<hbm>> -> memref<50000x32xf32, #tpu.memory_space<hbm>>
        tpu.enqueue_indirect_dma source(%dma_start3A_47 : memref<50000x32xf32, #tpu.memory_space<hbm>>) target(%dma_start3A_41 : memref<128x32xf32, #tpu.memory_space<vmem>>) offsets(%dma_start3A_44 : memref<128xi32, #tpu.memory_space<vmem>>) semaphore(%arg13 : memref<!tpu.dma_semaphore, #tpu.memory_space<semaphore_mem>>)
        %dma_start3A_48 = arith.constant 2 : i32
        %dma_start3A_49 = arith.constant 256 : i32
        %dma_start3A_50 = arith.constant 0 : i32
        %dma_start3A_51 = tpu.memref_slice %arg11[%dma_start3A_49, %dma_start3A_50] : memref<512x32xf32, #tpu.memory_space<vmem>> -> memref<128x32xf32, #tpu.memory_space<vmem>>
        %dma_start3A_52 = arith.constant 0 : i32
        %dma_start3A_53 = tpu.memref_slice %arg9[%dma_start3A_48, %dma_start3A_52] : memref<4x128xi32, #tpu.memory_space<vmem>> -> memref<1x128xi32, #tpu.memory_space<vmem>>
        %dma_start3A_54 = tpu.memref_squeeze %dma_start3A_53 : memref<1x128xi32, #tpu.memory_space<vmem>> -> memref<128xi32, #tpu.memory_space<vmem>>
        %dma_start3A_55 = arith.constant 0 : i32
        %dma_start3A_56 = arith.constant 0 : i32
        %dma_start3A_57 = tpu.memref_slice %arg2[%dma_start3A_55, %dma_start3A_56] : memref<50000x32xf32, #tpu.memory_space<hbm>> -> memref<50000x32xf32, #tpu.memory_space<hbm>>
        tpu.enqueue_indirect_dma source(%dma_start3A_57 : memref<50000x32xf32, #tpu.memory_space<hbm>>) target(%dma_start3A_51 : memref<128x32xf32, #tpu.memory_space<vmem>>) offsets(%dma_start3A_54 : memref<128xi32, #tpu.memory_space<vmem>>) semaphore(%arg13 : memref<!tpu.dma_semaphore, #tpu.memory_space<semaphore_mem>>)
        %dma_start3A_58 = arith.constant 3 : i32
        %dma_start3A_59 = arith.constant 384 : i32
        %dma_start3A_60 = arith.constant 0 : i32
        %dma_start3A_61 = tpu.memref_slice %arg11[%dma_start3A_59, %dma_start3A_60] : memref<512x32xf32, #tpu.memory_space<vmem>> -> memref<128x32xf32, #tpu.memory_space<vmem>>
        %dma_start3A_62 = arith.constant 0 : i32
        %dma_start3A_63 = tpu.memref_slice %arg9[%dma_start3A_58, %dma_start3A_62] : memref<4x128xi32, #tpu.memory_space<vmem>> -> memref<1x128xi32, #tpu.memory_space<vmem>>
        %dma_start3A_64 = tpu.memref_squeeze %dma_start3A_63 : memref<1x128xi32, #tpu.memory_space<vmem>> -> memref<128xi32, #tpu.memory_space<vmem>>
        %dma_start3A_65 = arith.constant 0 : i32
        %dma_start3A_66 = arith.constant 0 : i32
        %dma_start3A_67 = tpu.memref_slice %arg2[%dma_start3A_65, %dma_start3A_66] : memref<50000x32xf32, #tpu.memory_space<hbm>> -> memref<50000x32xf32, #tpu.memory_space<hbm>>
        tpu.enqueue_indirect_dma source(%dma_start3A_67 : memref<50000x32xf32, #tpu.memory_space<hbm>>) target(%dma_start3A_61 : memref<128x32xf32, #tpu.memory_space<vmem>>) offsets(%dma_start3A_64 : memref<128xi32, #tpu.memory_space<vmem>>) semaphore(%arg13 : memref<!tpu.dma_semaphore, #tpu.memory_space<semaphore_mem>>)
        %dma_wait3A = arith.constant 0 : i32
        %dma_wait3A_68 = arith.constant 0 : i32
        %dma_wait3A_69 = arith.constant 0 : i32
        %dma_wait3A_70 = tpu.memref_slice %arg11[%dma_wait3A_68, %dma_wait3A_69] : memref<512x32xf32, #tpu.memory_space<vmem>> -> memref<128x32xf32, #tpu.memory_space<vmem>>
        %dma_wait3A_71 = arith.constant 0 : i32
        %dma_wait3A_72 = tpu.memref_slice %arg9[%dma_wait3A, %dma_wait3A_71] : memref<4x128xi32, #tpu.memory_space<vmem>> -> memref<1x128xi32, #tpu.memory_space<vmem>>
        %dma_wait3A_73 = tpu.memref_squeeze %dma_wait3A_72 : memref<1x128xi32, #tpu.memory_space<vmem>> -> memref<128xi32, #tpu.memory_space<vmem>>
        %dma_wait3A_74 = arith.constant 0 : i32
        %dma_wait3A_75 = arith.constant 0 : i32
        %dma_wait3A_76 = tpu.memref_slice %arg2[%dma_wait3A_74, %dma_wait3A_75] : memref<50000x32xf32, #tpu.memory_space<hbm>> -> memref<50000x32xf32, #tpu.memory_space<hbm>>
        tpu.wait_indirect_dma semaphore(%arg13 : memref<!tpu.dma_semaphore, #tpu.memory_space<semaphore_mem>>) src(%dma_wait3A_76 : memref<50000x32xf32, #tpu.memory_space<hbm>>) dst(%dma_wait3A_70 : memref<128x32xf32, #tpu.memory_space<vmem>>)
        %dma_wait3A_77 = arith.constant 1 : i32
        %dma_wait3A_78 = arith.constant 128 : i32
        %dma_wait3A_79 = arith.constant 0 : i32
        %dma_wait3A_80 = tpu.memref_slice %arg11[%dma_wait3A_78, %dma_wait3A_79] : memref<512x32xf32, #tpu.memory_space<vmem>> -> memref<128x32xf32, #tpu.memory_space<vmem>>
        %dma_wait3A_81 = arith.constant 0 : i32
        %dma_wait3A_82 = tpu.memref_slice %arg9[%dma_wait3A_77, %dma_wait3A_81] : memref<4x128xi32, #tpu.memory_space<vmem>> -> memref<1x128xi32, #tpu.memory_space<vmem>>
        %dma_wait3A_83 = tpu.memref_squeeze %dma_wait3A_82 : memref<1x128xi32, #tpu.memory_space<vmem>> -> memref<128xi32, #tpu.memory_space<vmem>>
        %dma_wait3A_84 = arith.constant 0 : i32
        %dma_wait3A_85 = arith.constant 0 : i32
        %dma_wait3A_86 = tpu.memref_slice %arg2[%dma_wait3A_84, %dma_wait3A_85] : memref<50000x32xf32, #tpu.memory_space<hbm>> -> memref<50000x32xf32, #tpu.memory_space<hbm>>
        tpu.wait_indirect_dma semaphore(%arg13 : memref<!tpu.dma_semaphore, #tpu.memory_space<semaphore_mem>>) src(%dma_wait3A_86 : memref<50000x32xf32, #tpu.memory_space<hbm>>) dst(%dma_wait3A_80 : memref<128x32xf32, #tpu.memory_space<vmem>>)
        %dma_wait3A_87 = arith.constant 2 : i32
        %dma_wait3A_88 = arith.constant 256 : i32
        %dma_wait3A_89 = arith.constant 0 : i32
        %dma_wait3A_90 = tpu.memref_slice %arg11[%dma_wait3A_88, %dma_wait3A_89] : memref<512x32xf32, #tpu.memory_space<vmem>> -> memref<128x32xf32, #tpu.memory_space<vmem>>
        %dma_wait3A_91 = arith.constant 0 : i32
        %dma_wait3A_92 = tpu.memref_slice %arg9[%dma_wait3A_87, %dma_wait3A_91] : memref<4x128xi32, #tpu.memory_space<vmem>> -> memref<1x128xi32, #tpu.memory_space<vmem>>
        %dma_wait3A_93 = tpu.memref_squeeze %dma_wait3A_92 : memref<1x128xi32, #tpu.memory_space<vmem>> -> memref<128xi32, #tpu.memory_space<vmem>>
        %dma_wait3A_94 = arith.constant 0 : i32
        %dma_wait3A_95 = arith.constant 0 : i32
        %dma_wait3A_96 = tpu.memref_slice %arg2[%dma_wait3A_94, %dma_wait3A_95] : memref<50000x32xf32, #tpu.memory_space<hbm>> -> memref<50000x32xf32, #tpu.memory_space<hbm>>
        tpu.wait_indirect_dma semaphore(%arg13 : memref<!tpu.dma_semaphore, #tpu.memory_space<semaphore_mem>>) src(%dma_wait3A_96 : memref<50000x32xf32, #tpu.memory_space<hbm>>) dst(%dma_wait3A_90 : memref<128x32xf32, #tpu.memory_space<vmem>>)
        %dma_wait3A_97 = arith.constant 3 : i32
        %dma_wait3A_98 = arith.constant 384 : i32
        %dma_wait3A_99 = arith.constant 0 : i32
        %dma_wait3A_100 = tpu.memref_slice %arg11[%dma_wait3A_98, %dma_wait3A_99] : memref<512x32xf32, #tpu.memory_space<vmem>> -> memref<128x32xf32, #tpu.memory_space<vmem>>
        %dma_wait3A_101 = arith.constant 0 : i32
        %dma_wait3A_102 = tpu.memref_slice %arg9[%dma_wait3A_97, %dma_wait3A_101] : memref<4x128xi32, #tpu.memory_space<vmem>> -> memref<1x128xi32, #tpu.memory_space<vmem>>
        %dma_wait3A_103 = tpu.memref_squeeze %dma_wait3A_102 : memref<1x128xi32, #tpu.memory_space<vmem>> -> memref<128xi32, #tpu.memory_space<vmem>>
        %dma_wait3A_104 = arith.constant 0 : i32
        %dma_wait3A_105 = arith.constant 0 : i32
        %dma_wait3A_106 = tpu.memref_slice %arg2[%dma_wait3A_104, %dma_wait3A_105] : memref<50000x32xf32, #tpu.memory_space<hbm>> -> memref<50000x32xf32, #tpu.memory_space<hbm>>
        tpu.wait_indirect_dma semaphore(%arg13 : memref<!tpu.dma_semaphore, #tpu.memory_space<semaphore_mem>>) src(%dma_wait3A_106 : memref<50000x32xf32, #tpu.memory_space<hbm>>) dst(%dma_wait3A_100 : memref<128x32xf32, #tpu.memory_space<vmem>>)
        %run_scoped3A = arith.constant 0 : i32
        "tpu.region"() ({
          %run_scoped3A_110 = tpu.sem_alloc : memref<!tpu.dma_semaphore, #tpu.memory_space<semaphore_mem>>
          %dma_start3A_111 = arith.constant 0 : i32
          %dma_start3A_112 = arith.constant 0 : i32
          %dma_start3A_113 = tpu.memref_slice %arg11[%dma_start3A_111, %dma_start3A_112] : memref<512x32xf32, #tpu.memory_space<vmem>> -> memref<128x32xf32, #tpu.memory_space<vmem>>
          %dma_start3A_114 = arith.constant 0 : i32
          %dma_start3A_115 = tpu.memref_slice %arg10[%run_scoped3A, %dma_start3A_114] : memref<4x128xi32, #tpu.memory_space<vmem>> -> memref<1x128xi32, #tpu.memory_space<vmem>>
          %dma_start3A_116 = tpu.memref_squeeze %dma_start3A_115 : memref<1x128xi32, #tpu.memory_space<vmem>> -> memref<128xi32, #tpu.memory_space<vmem>>
          %dma_start3A_117 = arith.constant 0 : i32
          %dma_start3A_118 = arith.constant 0 : i32
          %dma_start3A_119 = tpu.memref_slice %arg12[%dma_start3A_117, %dma_start3A_118] : memref<50016x32xf32, #tpu.memory_space<vmem_shared>> -> memref<50016x32xf32, #tpu.memory_space<vmem_shared>>
          tpu.enqueue_indirect_dma source(%dma_start3A_113 : memref<128x32xf32, #tpu.memory_space<vmem>>) target(%dma_start3A_119 : memref<50016x32xf32, #tpu.memory_space<vmem_shared>>) offsets(%dma_start3A_116 : memref<128xi32, #tpu.memory_space<vmem>>) semaphore(%run_scoped3A_110 : memref<!tpu.dma_semaphore, #tpu.memory_space<semaphore_mem>>) {add = true}
          %dma_wait3A_120 = arith.constant 0 : i32
          %dma_wait3A_121 = arith.constant 0 : i32
          %dma_wait3A_122 = tpu.memref_slice %arg11[%dma_wait3A_120, %dma_wait3A_121] : memref<512x32xf32, #tpu.memory_space<vmem>> -> memref<128x32xf32, #tpu.memory_space<vmem>>
          %dma_wait3A_123 = arith.constant 0 : i32
          %dma_wait3A_124 = tpu.memref_slice %arg10[%run_scoped3A, %dma_wait3A_123] : memref<4x128xi32, #tpu.memory_space<vmem>> -> memref<1x128xi32, #tpu.memory_space<vmem>>
          %dma_wait3A_125 = tpu.memref_squeeze %dma_wait3A_124 : memref<1x128xi32, #tpu.memory_space<vmem>> -> memref<128xi32, #tpu.memory_space<vmem>>
          %dma_wait3A_126 = arith.constant 0 : i32
          %dma_wait3A_127 = arith.constant 0 : i32
          %dma_wait3A_128 = tpu.memref_slice %arg12[%dma_wait3A_126, %dma_wait3A_127] : memref<50016x32xf32, #tpu.memory_space<vmem_shared>> -> memref<50016x32xf32, #tpu.memory_space<vmem_shared>>
          tpu.wait_indirect_dma semaphore(%run_scoped3A_110 : memref<!tpu.dma_semaphore, #tpu.memory_space<semaphore_mem>>) src(%dma_wait3A_122 : memref<128x32xf32, #tpu.memory_space<vmem>>) dst(%dma_wait3A_128 : memref<50016x32xf32, #tpu.memory_space<vmem_shared>>)
          tpu.yield
        }) : () -> ()
        %run_scoped3A_107 = arith.constant 1 : i32
        "tpu.region"() ({
          %run_scoped3A_110 = tpu.sem_alloc : memref<!tpu.dma_semaphore, #tpu.memory_space<semaphore_mem>>
          %dma_start3A_111 = arith.constant 128 : i32
          %dma_start3A_112 = arith.constant 0 : i32
          %dma_start3A_113 = tpu.memref_slice %arg11[%dma_start3A_111, %dma_start3A_112] : memref<512x32xf32, #tpu.memory_space<vmem>> -> memref<128x32xf32, #tpu.memory_space<vmem>>
          %dma_start3A_114 = arith.constant 0 : i32
          %dma_start3A_115 = tpu.memref_slice %arg10[%run_scoped3A_107, %dma_start3A_114] : memref<4x128xi32, #tpu.memory_space<vmem>> -> memref<1x128xi32, #tpu.memory_space<vmem>>
          %dma_start3A_116 = tpu.memref_squeeze %dma_start3A_115 : memref<1x128xi32, #tpu.memory_space<vmem>> -> memref<128xi32, #tpu.memory_space<vmem>>
          %dma_start3A_117 = arith.constant 0 : i32
          %dma_start3A_118 = arith.constant 0 : i32
          %dma_start3A_119 = tpu.memref_slice %arg12[%dma_start3A_117, %dma_start3A_118] : memref<50016x32xf32, #tpu.memory_space<vmem_shared>> -> memref<50016x32xf32, #tpu.memory_space<vmem_shared>>
          tpu.enqueue_indirect_dma source(%dma_start3A_113 : memref<128x32xf32, #tpu.memory_space<vmem>>) target(%dma_start3A_119 : memref<50016x32xf32, #tpu.memory_space<vmem_shared>>) offsets(%dma_start3A_116 : memref<128xi32, #tpu.memory_space<vmem>>) semaphore(%run_scoped3A_110 : memref<!tpu.dma_semaphore, #tpu.memory_space<semaphore_mem>>) {add = true}
          %dma_wait3A_120 = arith.constant 128 : i32
          %dma_wait3A_121 = arith.constant 0 : i32
          %dma_wait3A_122 = tpu.memref_slice %arg11[%dma_wait3A_120, %dma_wait3A_121] : memref<512x32xf32, #tpu.memory_space<vmem>> -> memref<128x32xf32, #tpu.memory_space<vmem>>
          %dma_wait3A_123 = arith.constant 0 : i32
          %dma_wait3A_124 = tpu.memref_slice %arg10[%run_scoped3A_107, %dma_wait3A_123] : memref<4x128xi32, #tpu.memory_space<vmem>> -> memref<1x128xi32, #tpu.memory_space<vmem>>
          %dma_wait3A_125 = tpu.memref_squeeze %dma_wait3A_124 : memref<1x128xi32, #tpu.memory_space<vmem>> -> memref<128xi32, #tpu.memory_space<vmem>>
          %dma_wait3A_126 = arith.constant 0 : i32
          %dma_wait3A_127 = arith.constant 0 : i32
          %dma_wait3A_128 = tpu.memref_slice %arg12[%dma_wait3A_126, %dma_wait3A_127] : memref<50016x32xf32, #tpu.memory_space<vmem_shared>> -> memref<50016x32xf32, #tpu.memory_space<vmem_shared>>
          tpu.wait_indirect_dma semaphore(%run_scoped3A_110 : memref<!tpu.dma_semaphore, #tpu.memory_space<semaphore_mem>>) src(%dma_wait3A_122 : memref<128x32xf32, #tpu.memory_space<vmem>>) dst(%dma_wait3A_128 : memref<50016x32xf32, #tpu.memory_space<vmem_shared>>)
          tpu.yield
        }) : () -> ()
        %run_scoped3A_108 = arith.constant 2 : i32
        "tpu.region"() ({
          %run_scoped3A_110 = tpu.sem_alloc : memref<!tpu.dma_semaphore, #tpu.memory_space<semaphore_mem>>
          %dma_start3A_111 = arith.constant 256 : i32
          %dma_start3A_112 = arith.constant 0 : i32
          %dma_start3A_113 = tpu.memref_slice %arg11[%dma_start3A_111, %dma_start3A_112] : memref<512x32xf32, #tpu.memory_space<vmem>> -> memref<128x32xf32, #tpu.memory_space<vmem>>
          %dma_start3A_114 = arith.constant 0 : i32
          %dma_start3A_115 = tpu.memref_slice %arg10[%run_scoped3A_108, %dma_start3A_114] : memref<4x128xi32, #tpu.memory_space<vmem>> -> memref<1x128xi32, #tpu.memory_space<vmem>>
          %dma_start3A_116 = tpu.memref_squeeze %dma_start3A_115 : memref<1x128xi32, #tpu.memory_space<vmem>> -> memref<128xi32, #tpu.memory_space<vmem>>
          %dma_start3A_117 = arith.constant 0 : i32
          %dma_start3A_118 = arith.constant 0 : i32
          %dma_start3A_119 = tpu.memref_slice %arg12[%dma_start3A_117, %dma_start3A_118] : memref<50016x32xf32, #tpu.memory_space<vmem_shared>> -> memref<50016x32xf32, #tpu.memory_space<vmem_shared>>
          tpu.enqueue_indirect_dma source(%dma_start3A_113 : memref<128x32xf32, #tpu.memory_space<vmem>>) target(%dma_start3A_119 : memref<50016x32xf32, #tpu.memory_space<vmem_shared>>) offsets(%dma_start3A_116 : memref<128xi32, #tpu.memory_space<vmem>>) semaphore(%run_scoped3A_110 : memref<!tpu.dma_semaphore, #tpu.memory_space<semaphore_mem>>) {add = true}
          %dma_wait3A_120 = arith.constant 256 : i32
          %dma_wait3A_121 = arith.constant 0 : i32
          %dma_wait3A_122 = tpu.memref_slice %arg11[%dma_wait3A_120, %dma_wait3A_121] : memref<512x32xf32, #tpu.memory_space<vmem>> -> memref<128x32xf32, #tpu.memory_space<vmem>>
          %dma_wait3A_123 = arith.constant 0 : i32
          %dma_wait3A_124 = tpu.memref_slice %arg10[%run_scoped3A_108, %dma_wait3A_123] : memref<4x128xi32, #tpu.memory_space<vmem>> -> memref<1x128xi32, #tpu.memory_space<vmem>>
          %dma_wait3A_125 = tpu.memref_squeeze %dma_wait3A_124 : memref<1x128xi32, #tpu.memory_space<vmem>> -> memref<128xi32, #tpu.memory_space<vmem>>
          %dma_wait3A_126 = arith.constant 0 : i32
          %dma_wait3A_127 = arith.constant 0 : i32
          %dma_wait3A_128 = tpu.memref_slice %arg12[%dma_wait3A_126, %dma_wait3A_127] : memref<50016x32xf32, #tpu.memory_space<vmem_shared>> -> memref<50016x32xf32, #tpu.memory_space<vmem_shared>>
          tpu.wait_indirect_dma semaphore(%run_scoped3A_110 : memref<!tpu.dma_semaphore, #tpu.memory_space<semaphore_mem>>) src(%dma_wait3A_122 : memref<128x32xf32, #tpu.memory_space<vmem>>) dst(%dma_wait3A_128 : memref<50016x32xf32, #tpu.memory_space<vmem_shared>>)
          tpu.yield
        }) : () -> ()
        %run_scoped3A_109 = arith.constant 3 : i32
        "tpu.region"() ({
          %run_scoped3A_110 = tpu.sem_alloc : memref<!tpu.dma_semaphore, #tpu.memory_space<semaphore_mem>>
          %dma_start3A_111 = arith.constant 384 : i32
          %dma_start3A_112 = arith.constant 0 : i32
          %dma_start3A_113 = tpu.memref_slice %arg11[%dma_start3A_111, %dma_start3A_112] : memref<512x32xf32, #tpu.memory_space<vmem>> -> memref<128x32xf32, #tpu.memory_space<vmem>>
          %dma_start3A_114 = arith.constant 0 : i32
          %dma_start3A_115 = tpu.memref_slice %arg10[%run_scoped3A_109, %dma_start3A_114] : memref<4x128xi32, #tpu.memory_space<vmem>> -> memref<1x128xi32, #tpu.memory_space<vmem>>
          %dma_start3A_116 = tpu.memref_squeeze %dma_start3A_115 : memref<1x128xi32, #tpu.memory_space<vmem>> -> memref<128xi32, #tpu.memory_space<vmem>>
          %dma_start3A_117 = arith.constant 0 : i32
          %dma_start3A_118 = arith.constant 0 : i32
          %dma_start3A_119 = tpu.memref_slice %arg12[%dma_start3A_117, %dma_start3A_118] : memref<50016x32xf32, #tpu.memory_space<vmem_shared>> -> memref<50016x32xf32, #tpu.memory_space<vmem_shared>>
          tpu.enqueue_indirect_dma source(%dma_start3A_113 : memref<128x32xf32, #tpu.memory_space<vmem>>) target(%dma_start3A_119 : memref<50016x32xf32, #tpu.memory_space<vmem_shared>>) offsets(%dma_start3A_116 : memref<128xi32, #tpu.memory_space<vmem>>) semaphore(%run_scoped3A_110 : memref<!tpu.dma_semaphore, #tpu.memory_space<semaphore_mem>>) {add = true}
          %dma_wait3A_120 = arith.constant 384 : i32
          %dma_wait3A_121 = arith.constant 0 : i32
          %dma_wait3A_122 = tpu.memref_slice %arg11[%dma_wait3A_120, %dma_wait3A_121] : memref<512x32xf32, #tpu.memory_space<vmem>> -> memref<128x32xf32, #tpu.memory_space<vmem>>
          %dma_wait3A_123 = arith.constant 0 : i32
          %dma_wait3A_124 = tpu.memref_slice %arg10[%run_scoped3A_109, %dma_wait3A_123] : memref<4x128xi32, #tpu.memory_space<vmem>> -> memref<1x128xi32, #tpu.memory_space<vmem>>
          %dma_wait3A_125 = tpu.memref_squeeze %dma_wait3A_124 : memref<1x128xi32, #tpu.memory_space<vmem>> -> memref<128xi32, #tpu.memory_space<vmem>>
          %dma_wait3A_126 = arith.constant 0 : i32
          %dma_wait3A_127 = arith.constant 0 : i32
          %dma_wait3A_128 = tpu.memref_slice %arg12[%dma_wait3A_126, %dma_wait3A_127] : memref<50016x32xf32, #tpu.memory_space<vmem_shared>> -> memref<50016x32xf32, #tpu.memory_space<vmem_shared>>
          tpu.wait_indirect_dma semaphore(%run_scoped3A_110 : memref<!tpu.dma_semaphore, #tpu.memory_space<semaphore_mem>>) src(%dma_wait3A_122 : memref<128x32xf32, #tpu.memory_space<vmem>>) dst(%dma_wait3A_128 : memref<50016x32xf32, #tpu.memory_space<vmem_shared>>)
          tpu.yield
        }) : () -> ()
      }
      %scan3A_23 = arith.constant 98 : i32
    } else {
    }
    %eq3A_3 = arith.constant 1 : i32
    %eq3A_4 = arith.cmpi eq, %arg0, %eq3A_3 : i32
    %convert_element_type3A_5 = arith.extui %eq3A_4 : i1 to i32
    %cond3A_6 = arith.constant 0 : i32
    %cond3A_7 = arith.cmpi ne, %convert_element_type3A_5, %cond3A_6 : i32
    scf.if %cond3A_7 {
      %scan3A = arith.constant 0 : i32
      %scan3A_19 = arith.constant 0 : i32
      %scan3A_20 = arith.constant 98 : i32
      %scan3A_21 = arith.addi %scan3A_19, %scan3A_20 : i32
      %scan3A_22 = arith.constant 1 : i32
      scf.for %scan3A_24 = %scan3A_19 to %scan3A_21 step %scan3A_22  : i32 {
        %mul3A_25 = arith.constant 392 : i32
        %mul3A_26 = arith.muli %arg1, %mul3A_25 : i32
        %mul3A_27 = arith.constant 4 : i32
        %mul3A_28 = arith.muli %scan3A_24, %mul3A_27 : i32
        %add3A = arith.addi %mul3A_26, %mul3A_28 : i32
        "tpu.region"() ({
          %run_scoped3A_110 = tpu.sem_alloc : memref<!tpu.dma_semaphore, #tpu.memory_space<semaphore_mem>>
          %dma_start3A_111 = arith.constant 0 : i32
          %dma_start3A_112 = tpu.memref_slice %arg4[%add3A, %dma_start3A_111] : memref<6272x128xi32, #tpu.memory_space<hbm>> -> memref<4x128xi32, #tpu.memory_space<hbm>>
          %dma_start3A_113 = arith.constant 0 : i32
          %dma_start3A_114 = tpu.memref_slice %arg4[%add3A, %dma_start3A_113] : memref<6272x128xi32, #tpu.memory_space<hbm>> -> memref<4x128xi32, #tpu.memory_space<hbm>>
          tpu.enqueue_dma source(%dma_start3A_114 : memref<4x128xi32, #tpu.memory_space<hbm>>) target(%arg9 : memref<4x128xi32, #tpu.memory_space<vmem>>) target_semaphore(%run_scoped3A_110 : memref<!tpu.dma_semaphore, #tpu.memory_space<semaphore_mem>>)
          %dma_wait3A_115 = arith.constant 0 : i32
          %dma_wait3A_116 = tpu.memref_slice %arg4[%add3A, %dma_wait3A_115] : memref<6272x128xi32, #tpu.memory_space<hbm>> -> memref<4x128xi32, #tpu.memory_space<hbm>>
          %dma_wait3A_117 = arith.constant 0 : i32
          %dma_wait3A_118 = tpu.memref_slice %arg4[%add3A, %dma_wait3A_117] : memref<6272x128xi32, #tpu.memory_space<hbm>> -> memref<4x128xi32, #tpu.memory_space<hbm>>
          tpu.wait_dma2 semaphore(%run_scoped3A_110 : memref<!tpu.dma_semaphore, #tpu.memory_space<semaphore_mem>>) src(%dma_wait3A_118 : memref<4x128xi32, #tpu.memory_space<hbm>>) dst(%arg9 : memref<4x128xi32, #tpu.memory_space<vmem>>)
          tpu.yield
        }) : () -> ()
        "tpu.region"() ({
          %run_scoped3A_110 = tpu.sem_alloc : memref<!tpu.dma_semaphore, #tpu.memory_space<semaphore_mem>>
          %dma_start3A_111 = arith.constant 0 : i32
          %dma_start3A_112 = tpu.memref_slice %arg5[%add3A, %dma_start3A_111] : memref<6272x128xi32, #tpu.memory_space<hbm>> -> memref<4x128xi32, #tpu.memory_space<hbm>>
          %dma_start3A_113 = arith.constant 0 : i32
          %dma_start3A_114 = tpu.memref_slice %arg5[%add3A, %dma_start3A_113] : memref<6272x128xi32, #tpu.memory_space<hbm>> -> memref<4x128xi32, #tpu.memory_space<hbm>>
          tpu.enqueue_dma source(%dma_start3A_114 : memref<4x128xi32, #tpu.memory_space<hbm>>) target(%arg10 : memref<4x128xi32, #tpu.memory_space<vmem>>) target_semaphore(%run_scoped3A_110 : memref<!tpu.dma_semaphore, #tpu.memory_space<semaphore_mem>>)
          %dma_wait3A_115 = arith.constant 0 : i32
          %dma_wait3A_116 = tpu.memref_slice %arg5[%add3A, %dma_wait3A_115] : memref<6272x128xi32, #tpu.memory_space<hbm>> -> memref<4x128xi32, #tpu.memory_space<hbm>>
          %dma_wait3A_117 = arith.constant 0 : i32
          %dma_wait3A_118 = tpu.memref_slice %arg5[%add3A, %dma_wait3A_117] : memref<6272x128xi32, #tpu.memory_space<hbm>> -> memref<4x128xi32, #tpu.memory_space<hbm>>
          tpu.wait_dma2 semaphore(%run_scoped3A_110 : memref<!tpu.dma_semaphore, #tpu.memory_space<semaphore_mem>>) src(%dma_wait3A_118 : memref<4x128xi32, #tpu.memory_space<hbm>>) dst(%arg10 : memref<4x128xi32, #tpu.memory_space<vmem>>)
          tpu.yield
        }) : () -> ()
        %dma_start3A = arith.constant 0 : i32
        %dma_start3A_29 = arith.constant 0 : i32
        %dma_start3A_30 = arith.constant 0 : i32
        %dma_start3A_31 = tpu.memref_slice %arg11[%dma_start3A_29, %dma_start3A_30] : memref<512x32xf32, #tpu.memory_space<vmem>> -> memref<128x32xf32, #tpu.memory_space<vmem>>
        %dma_start3A_32 = arith.constant 0 : i32
        %dma_start3A_33 = tpu.memref_slice %arg9[%dma_start3A, %dma_start3A_32] : memref<4x128xi32, #tpu.memory_space<vmem>> -> memref<1x128xi32, #tpu.memory_space<vmem>>
        %dma_start3A_34 = tpu.memref_squeeze %dma_start3A_33 : memref<1x128xi32, #tpu.memory_space<vmem>> -> memref<128xi32, #tpu.memory_space<vmem>>
        %dma_start3A_35 = arith.constant 0 : i32
        %dma_start3A_36 = arith.constant 0 : i32
        %dma_start3A_37 = tpu.memref_slice %arg3[%dma_start3A_35, %dma_start3A_36] : memref<50000x32xf32, #tpu.memory_space<hbm>> -> memref<50000x32xf32, #tpu.memory_space<hbm>>
        tpu.enqueue_indirect_dma source(%dma_start3A_37 : memref<50000x32xf32, #tpu.memory_space<hbm>>) target(%dma_start3A_31 : memref<128x32xf32, #tpu.memory_space<vmem>>) offsets(%dma_start3A_34 : memref<128xi32, #tpu.memory_space<vmem>>) semaphore(%arg13 : memref<!tpu.dma_semaphore, #tpu.memory_space<semaphore_mem>>)
        %dma_start3A_38 = arith.constant 1 : i32
        %dma_start3A_39 = arith.constant 128 : i32
        %dma_start3A_40 = arith.constant 0 : i32
        %dma_start3A_41 = tpu.memref_slice %arg11[%dma_start3A_39, %dma_start3A_40] : memref<512x32xf32, #tpu.memory_space<vmem>> -> memref<128x32xf32, #tpu.memory_space<vmem>>
        %dma_start3A_42 = arith.constant 0 : i32
        %dma_start3A_43 = tpu.memref_slice %arg9[%dma_start3A_38, %dma_start3A_42] : memref<4x128xi32, #tpu.memory_space<vmem>> -> memref<1x128xi32, #tpu.memory_space<vmem>>
        %dma_start3A_44 = tpu.memref_squeeze %dma_start3A_43 : memref<1x128xi32, #tpu.memory_space<vmem>> -> memref<128xi32, #tpu.memory_space<vmem>>
        %dma_start3A_45 = arith.constant 0 : i32
        %dma_start3A_46 = arith.constant 0 : i32
        %dma_start3A_47 = tpu.memref_slice %arg3[%dma_start3A_45, %dma_start3A_46] : memref<50000x32xf32, #tpu.memory_space<hbm>> -> memref<50000x32xf32, #tpu.memory_space<hbm>>
        tpu.enqueue_indirect_dma source(%dma_start3A_47 : memref<50000x32xf32, #tpu.memory_space<hbm>>) target(%dma_start3A_41 : memref<128x32xf32, #tpu.memory_space<vmem>>) offsets(%dma_start3A_44 : memref<128xi32, #tpu.memory_space<vmem>>) semaphore(%arg13 : memref<!tpu.dma_semaphore, #tpu.memory_space<semaphore_mem>>)
        %dma_start3A_48 = arith.constant 2 : i32
        %dma_start3A_49 = arith.constant 256 : i32
        %dma_start3A_50 = arith.constant 0 : i32
        %dma_start3A_51 = tpu.memref_slice %arg11[%dma_start3A_49, %dma_start3A_50] : memref<512x32xf32, #tpu.memory_space<vmem>> -> memref<128x32xf32, #tpu.memory_space<vmem>>
        %dma_start3A_52 = arith.constant 0 : i32
        %dma_start3A_53 = tpu.memref_slice %arg9[%dma_start3A_48, %dma_start3A_52] : memref<4x128xi32, #tpu.memory_space<vmem>> -> memref<1x128xi32, #tpu.memory_space<vmem>>
        %dma_start3A_54 = tpu.memref_squeeze %dma_start3A_53 : memref<1x128xi32, #tpu.memory_space<vmem>> -> memref<128xi32, #tpu.memory_space<vmem>>
        %dma_start3A_55 = arith.constant 0 : i32
        %dma_start3A_56 = arith.constant 0 : i32
        %dma_start3A_57 = tpu.memref_slice %arg3[%dma_start3A_55, %dma_start3A_56] : memref<50000x32xf32, #tpu.memory_space<hbm>> -> memref<50000x32xf32, #tpu.memory_space<hbm>>
        tpu.enqueue_indirect_dma source(%dma_start3A_57 : memref<50000x32xf32, #tpu.memory_space<hbm>>) target(%dma_start3A_51 : memref<128x32xf32, #tpu.memory_space<vmem>>) offsets(%dma_start3A_54 : memref<128xi32, #tpu.memory_space<vmem>>) semaphore(%arg13 : memref<!tpu.dma_semaphore, #tpu.memory_space<semaphore_mem>>)
        %dma_start3A_58 = arith.constant 3 : i32
        %dma_start3A_59 = arith.constant 384 : i32
        %dma_start3A_60 = arith.constant 0 : i32
        %dma_start3A_61 = tpu.memref_slice %arg11[%dma_start3A_59, %dma_start3A_60] : memref<512x32xf32, #tpu.memory_space<vmem>> -> memref<128x32xf32, #tpu.memory_space<vmem>>
        %dma_start3A_62 = arith.constant 0 : i32
        %dma_start3A_63 = tpu.memref_slice %arg9[%dma_start3A_58, %dma_start3A_62] : memref<4x128xi32, #tpu.memory_space<vmem>> -> memref<1x128xi32, #tpu.memory_space<vmem>>
        %dma_start3A_64 = tpu.memref_squeeze %dma_start3A_63 : memref<1x128xi32, #tpu.memory_space<vmem>> -> memref<128xi32, #tpu.memory_space<vmem>>
        %dma_start3A_65 = arith.constant 0 : i32
        %dma_start3A_66 = arith.constant 0 : i32
        %dma_start3A_67 = tpu.memref_slice %arg3[%dma_start3A_65, %dma_start3A_66] : memref<50000x32xf32, #tpu.memory_space<hbm>> -> memref<50000x32xf32, #tpu.memory_space<hbm>>
        tpu.enqueue_indirect_dma source(%dma_start3A_67 : memref<50000x32xf32, #tpu.memory_space<hbm>>) target(%dma_start3A_61 : memref<128x32xf32, #tpu.memory_space<vmem>>) offsets(%dma_start3A_64 : memref<128xi32, #tpu.memory_space<vmem>>) semaphore(%arg13 : memref<!tpu.dma_semaphore, #tpu.memory_space<semaphore_mem>>)
        %dma_wait3A = arith.constant 0 : i32
        %dma_wait3A_68 = arith.constant 0 : i32
        %dma_wait3A_69 = arith.constant 0 : i32
        %dma_wait3A_70 = tpu.memref_slice %arg11[%dma_wait3A_68, %dma_wait3A_69] : memref<512x32xf32, #tpu.memory_space<vmem>> -> memref<128x32xf32, #tpu.memory_space<vmem>>
        %dma_wait3A_71 = arith.constant 0 : i32
        %dma_wait3A_72 = tpu.memref_slice %arg9[%dma_wait3A, %dma_wait3A_71] : memref<4x128xi32, #tpu.memory_space<vmem>> -> memref<1x128xi32, #tpu.memory_space<vmem>>
        %dma_wait3A_73 = tpu.memref_squeeze %dma_wait3A_72 : memref<1x128xi32, #tpu.memory_space<vmem>> -> memref<128xi32, #tpu.memory_space<vmem>>
        %dma_wait3A_74 = arith.constant 0 : i32
        %dma_wait3A_75 = arith.constant 0 : i32
        %dma_wait3A_76 = tpu.memref_slice %arg3[%dma_wait3A_74, %dma_wait3A_75] : memref<50000x32xf32, #tpu.memory_space<hbm>> -> memref<50000x32xf32, #tpu.memory_space<hbm>>
        tpu.wait_indirect_dma semaphore(%arg13 : memref<!tpu.dma_semaphore, #tpu.memory_space<semaphore_mem>>) src(%dma_wait3A_76 : memref<50000x32xf32, #tpu.memory_space<hbm>>) dst(%dma_wait3A_70 : memref<128x32xf32, #tpu.memory_space<vmem>>)
        %dma_wait3A_77 = arith.constant 1 : i32
        %dma_wait3A_78 = arith.constant 128 : i32
        %dma_wait3A_79 = arith.constant 0 : i32
        %dma_wait3A_80 = tpu.memref_slice %arg11[%dma_wait3A_78, %dma_wait3A_79] : memref<512x32xf32, #tpu.memory_space<vmem>> -> memref<128x32xf32, #tpu.memory_space<vmem>>
        %dma_wait3A_81 = arith.constant 0 : i32
        %dma_wait3A_82 = tpu.memref_slice %arg9[%dma_wait3A_77, %dma_wait3A_81] : memref<4x128xi32, #tpu.memory_space<vmem>> -> memref<1x128xi32, #tpu.memory_space<vmem>>
        %dma_wait3A_83 = tpu.memref_squeeze %dma_wait3A_82 : memref<1x128xi32, #tpu.memory_space<vmem>> -> memref<128xi32, #tpu.memory_space<vmem>>
        %dma_wait3A_84 = arith.constant 0 : i32
        %dma_wait3A_85 = arith.constant 0 : i32
        %dma_wait3A_86 = tpu.memref_slice %arg3[%dma_wait3A_84, %dma_wait3A_85] : memref<50000x32xf32, #tpu.memory_space<hbm>> -> memref<50000x32xf32, #tpu.memory_space<hbm>>
        tpu.wait_indirect_dma semaphore(%arg13 : memref<!tpu.dma_semaphore, #tpu.memory_space<semaphore_mem>>) src(%dma_wait3A_86 : memref<50000x32xf32, #tpu.memory_space<hbm>>) dst(%dma_wait3A_80 : memref<128x32xf32, #tpu.memory_space<vmem>>)
        %dma_wait3A_87 = arith.constant 2 : i32
        %dma_wait3A_88 = arith.constant 256 : i32
        %dma_wait3A_89 = arith.constant 0 : i32
        %dma_wait3A_90 = tpu.memref_slice %arg11[%dma_wait3A_88, %dma_wait3A_89] : memref<512x32xf32, #tpu.memory_space<vmem>> -> memref<128x32xf32, #tpu.memory_space<vmem>>
        %dma_wait3A_91 = arith.constant 0 : i32
        %dma_wait3A_92 = tpu.memref_slice %arg9[%dma_wait3A_87, %dma_wait3A_91] : memref<4x128xi32, #tpu.memory_space<vmem>> -> memref<1x128xi32, #tpu.memory_space<vmem>>
        %dma_wait3A_93 = tpu.memref_squeeze %dma_wait3A_92 : memref<1x128xi32, #tpu.memory_space<vmem>> -> memref<128xi32, #tpu.memory_space<vmem>>
        %dma_wait3A_94 = arith.constant 0 : i32
        %dma_wait3A_95 = arith.constant 0 : i32
        %dma_wait3A_96 = tpu.memref_slice %arg3[%dma_wait3A_94, %dma_wait3A_95] : memref<50000x32xf32, #tpu.memory_space<hbm>> -> memref<50000x32xf32, #tpu.memory_space<hbm>>
        tpu.wait_indirect_dma semaphore(%arg13 : memref<!tpu.dma_semaphore, #tpu.memory_space<semaphore_mem>>) src(%dma_wait3A_96 : memref<50000x32xf32, #tpu.memory_space<hbm>>) dst(%dma_wait3A_90 : memref<128x32xf32, #tpu.memory_space<vmem>>)
        %dma_wait3A_97 = arith.constant 3 : i32
        %dma_wait3A_98 = arith.constant 384 : i32
        %dma_wait3A_99 = arith.constant 0 : i32
        %dma_wait3A_100 = tpu.memref_slice %arg11[%dma_wait3A_98, %dma_wait3A_99] : memref<512x32xf32, #tpu.memory_space<vmem>> -> memref<128x32xf32, #tpu.memory_space<vmem>>
        %dma_wait3A_101 = arith.constant 0 : i32
        %dma_wait3A_102 = tpu.memref_slice %arg9[%dma_wait3A_97, %dma_wait3A_101] : memref<4x128xi32, #tpu.memory_space<vmem>> -> memref<1x128xi32, #tpu.memory_space<vmem>>
        %dma_wait3A_103 = tpu.memref_squeeze %dma_wait3A_102 : memref<1x128xi32, #tpu.memory_space<vmem>> -> memref<128xi32, #tpu.memory_space<vmem>>
        %dma_wait3A_104 = arith.constant 0 : i32
        %dma_wait3A_105 = arith.constant 0 : i32
        %dma_wait3A_106 = tpu.memref_slice %arg3[%dma_wait3A_104, %dma_wait3A_105] : memref<50000x32xf32, #tpu.memory_space<hbm>> -> memref<50000x32xf32, #tpu.memory_space<hbm>>
        tpu.wait_indirect_dma semaphore(%arg13 : memref<!tpu.dma_semaphore, #tpu.memory_space<semaphore_mem>>) src(%dma_wait3A_106 : memref<50000x32xf32, #tpu.memory_space<hbm>>) dst(%dma_wait3A_100 : memref<128x32xf32, #tpu.memory_space<vmem>>)
        %run_scoped3A = arith.constant 0 : i32
        "tpu.region"() ({
          %run_scoped3A_110 = tpu.sem_alloc : memref<!tpu.dma_semaphore, #tpu.memory_space<semaphore_mem>>
          %dma_start3A_111 = arith.constant 0 : i32
          %dma_start3A_112 = arith.constant 0 : i32
          %dma_start3A_113 = tpu.memref_slice %arg11[%dma_start3A_111, %dma_start3A_112] : memref<512x32xf32, #tpu.memory_space<vmem>> -> memref<128x32xf32, #tpu.memory_space<vmem>>
          %dma_start3A_114 = arith.constant 0 : i32
          %dma_start3A_115 = tpu.memref_slice %arg10[%run_scoped3A, %dma_start3A_114] : memref<4x128xi32, #tpu.memory_space<vmem>> -> memref<1x128xi32, #tpu.memory_space<vmem>>
          %dma_start3A_116 = tpu.memref_squeeze %dma_start3A_115 : memref<1x128xi32, #tpu.memory_space<vmem>> -> memref<128xi32, #tpu.memory_space<vmem>>
          %dma_start3A_117 = arith.constant 0 : i32
          %dma_start3A_118 = arith.constant 0 : i32
          %dma_start3A_119 = tpu.memref_slice %arg12[%dma_start3A_117, %dma_start3A_118] : memref<50016x32xf32, #tpu.memory_space<vmem_shared>> -> memref<50016x32xf32, #tpu.memory_space<vmem_shared>>
          tpu.enqueue_indirect_dma source(%dma_start3A_113 : memref<128x32xf32, #tpu.memory_space<vmem>>) target(%dma_start3A_119 : memref<50016x32xf32, #tpu.memory_space<vmem_shared>>) offsets(%dma_start3A_116 : memref<128xi32, #tpu.memory_space<vmem>>) semaphore(%run_scoped3A_110 : memref<!tpu.dma_semaphore, #tpu.memory_space<semaphore_mem>>) {add = true}
          %dma_wait3A_120 = arith.constant 0 : i32
          %dma_wait3A_121 = arith.constant 0 : i32
          %dma_wait3A_122 = tpu.memref_slice %arg11[%dma_wait3A_120, %dma_wait3A_121] : memref<512x32xf32, #tpu.memory_space<vmem>> -> memref<128x32xf32, #tpu.memory_space<vmem>>
          %dma_wait3A_123 = arith.constant 0 : i32
          %dma_wait3A_124 = tpu.memref_slice %arg10[%run_scoped3A, %dma_wait3A_123] : memref<4x128xi32, #tpu.memory_space<vmem>> -> memref<1x128xi32, #tpu.memory_space<vmem>>
          %dma_wait3A_125 = tpu.memref_squeeze %dma_wait3A_124 : memref<1x128xi32, #tpu.memory_space<vmem>> -> memref<128xi32, #tpu.memory_space<vmem>>
          %dma_wait3A_126 = arith.constant 0 : i32
          %dma_wait3A_127 = arith.constant 0 : i32
          %dma_wait3A_128 = tpu.memref_slice %arg12[%dma_wait3A_126, %dma_wait3A_127] : memref<50016x32xf32, #tpu.memory_space<vmem_shared>> -> memref<50016x32xf32, #tpu.memory_space<vmem_shared>>
          tpu.wait_indirect_dma semaphore(%run_scoped3A_110 : memref<!tpu.dma_semaphore, #tpu.memory_space<semaphore_mem>>) src(%dma_wait3A_122 : memref<128x32xf32, #tpu.memory_space<vmem>>) dst(%dma_wait3A_128 : memref<50016x32xf32, #tpu.memory_space<vmem_shared>>)
          tpu.yield
        }) : () -> ()
        %run_scoped3A_107 = arith.constant 1 : i32
        "tpu.region"() ({
          %run_scoped3A_110 = tpu.sem_alloc : memref<!tpu.dma_semaphore, #tpu.memory_space<semaphore_mem>>
          %dma_start3A_111 = arith.constant 128 : i32
          %dma_start3A_112 = arith.constant 0 : i32
          %dma_start3A_113 = tpu.memref_slice %arg11[%dma_start3A_111, %dma_start3A_112] : memref<512x32xf32, #tpu.memory_space<vmem>> -> memref<128x32xf32, #tpu.memory_space<vmem>>
          %dma_start3A_114 = arith.constant 0 : i32
          %dma_start3A_115 = tpu.memref_slice %arg10[%run_scoped3A_107, %dma_start3A_114] : memref<4x128xi32, #tpu.memory_space<vmem>> -> memref<1x128xi32, #tpu.memory_space<vmem>>
          %dma_start3A_116 = tpu.memref_squeeze %dma_start3A_115 : memref<1x128xi32, #tpu.memory_space<vmem>> -> memref<128xi32, #tpu.memory_space<vmem>>
          %dma_start3A_117 = arith.constant 0 : i32
          %dma_start3A_118 = arith.constant 0 : i32
          %dma_start3A_119 = tpu.memref_slice %arg12[%dma_start3A_117, %dma_start3A_118] : memref<50016x32xf32, #tpu.memory_space<vmem_shared>> -> memref<50016x32xf32, #tpu.memory_space<vmem_shared>>
          tpu.enqueue_indirect_dma source(%dma_start3A_113 : memref<128x32xf32, #tpu.memory_space<vmem>>) target(%dma_start3A_119 : memref<50016x32xf32, #tpu.memory_space<vmem_shared>>) offsets(%dma_start3A_116 : memref<128xi32, #tpu.memory_space<vmem>>) semaphore(%run_scoped3A_110 : memref<!tpu.dma_semaphore, #tpu.memory_space<semaphore_mem>>) {add = true}
          %dma_wait3A_120 = arith.constant 128 : i32
          %dma_wait3A_121 = arith.constant 0 : i32
          %dma_wait3A_122 = tpu.memref_slice %arg11[%dma_wait3A_120, %dma_wait3A_121] : memref<512x32xf32, #tpu.memory_space<vmem>> -> memref<128x32xf32, #tpu.memory_space<vmem>>
          %dma_wait3A_123 = arith.constant 0 : i32
          %dma_wait3A_124 = tpu.memref_slice %arg10[%run_scoped3A_107, %dma_wait3A_123] : memref<4x128xi32, #tpu.memory_space<vmem>> -> memref<1x128xi32, #tpu.memory_space<vmem>>
          %dma_wait3A_125 = tpu.memref_squeeze %dma_wait3A_124 : memref<1x128xi32, #tpu.memory_space<vmem>> -> memref<128xi32, #tpu.memory_space<vmem>>
          %dma_wait3A_126 = arith.constant 0 : i32
          %dma_wait3A_127 = arith.constant 0 : i32
          %dma_wait3A_128 = tpu.memref_slice %arg12[%dma_wait3A_126, %dma_wait3A_127] : memref<50016x32xf32, #tpu.memory_space<vmem_shared>> -> memref<50016x32xf32, #tpu.memory_space<vmem_shared>>
          tpu.wait_indirect_dma semaphore(%run_scoped3A_110 : memref<!tpu.dma_semaphore, #tpu.memory_space<semaphore_mem>>) src(%dma_wait3A_122 : memref<128x32xf32, #tpu.memory_space<vmem>>) dst(%dma_wait3A_128 : memref<50016x32xf32, #tpu.memory_space<vmem_shared>>)
          tpu.yield
        }) : () -> ()
        %run_scoped3A_108 = arith.constant 2 : i32
        "tpu.region"() ({
          %run_scoped3A_110 = tpu.sem_alloc : memref<!tpu.dma_semaphore, #tpu.memory_space<semaphore_mem>>
          %dma_start3A_111 = arith.constant 256 : i32
          %dma_start3A_112 = arith.constant 0 : i32
          %dma_start3A_113 = tpu.memref_slice %arg11[%dma_start3A_111, %dma_start3A_112] : memref<512x32xf32, #tpu.memory_space<vmem>> -> memref<128x32xf32, #tpu.memory_space<vmem>>
          %dma_start3A_114 = arith.constant 0 : i32
          %dma_start3A_115 = tpu.memref_slice %arg10[%run_scoped3A_108, %dma_start3A_114] : memref<4x128xi32, #tpu.memory_space<vmem>> -> memref<1x128xi32, #tpu.memory_space<vmem>>
          %dma_start3A_116 = tpu.memref_squeeze %dma_start3A_115 : memref<1x128xi32, #tpu.memory_space<vmem>> -> memref<128xi32, #tpu.memory_space<vmem>>
          %dma_start3A_117 = arith.constant 0 : i32
          %dma_start3A_118 = arith.constant 0 : i32
          %dma_start3A_119 = tpu.memref_slice %arg12[%dma_start3A_117, %dma_start3A_118] : memref<50016x32xf32, #tpu.memory_space<vmem_shared>> -> memref<50016x32xf32, #tpu.memory_space<vmem_shared>>
          tpu.enqueue_indirect_dma source(%dma_start3A_113 : memref<128x32xf32, #tpu.memory_space<vmem>>) target(%dma_start3A_119 : memref<50016x32xf32, #tpu.memory_space<vmem_shared>>) offsets(%dma_start3A_116 : memref<128xi32, #tpu.memory_space<vmem>>) semaphore(%run_scoped3A_110 : memref<!tpu.dma_semaphore, #tpu.memory_space<semaphore_mem>>) {add = true}
          %dma_wait3A_120 = arith.constant 256 : i32
          %dma_wait3A_121 = arith.constant 0 : i32
          %dma_wait3A_122 = tpu.memref_slice %arg11[%dma_wait3A_120, %dma_wait3A_121] : memref<512x32xf32, #tpu.memory_space<vmem>> -> memref<128x32xf32, #tpu.memory_space<vmem>>
          %dma_wait3A_123 = arith.constant 0 : i32
          %dma_wait3A_124 = tpu.memref_slice %arg10[%run_scoped3A_108, %dma_wait3A_123] : memref<4x128xi32, #tpu.memory_space<vmem>> -> memref<1x128xi32, #tpu.memory_space<vmem>>
          %dma_wait3A_125 = tpu.memref_squeeze %dma_wait3A_124 : memref<1x128xi32, #tpu.memory_space<vmem>> -> memref<128xi32, #tpu.memory_space<vmem>>
          %dma_wait3A_126 = arith.constant 0 : i32
          %dma_wait3A_127 = arith.constant 0 : i32
          %dma_wait3A_128 = tpu.memref_slice %arg12[%dma_wait3A_126, %dma_wait3A_127] : memref<50016x32xf32, #tpu.memory_space<vmem_shared>> -> memref<50016x32xf32, #tpu.memory_space<vmem_shared>>
          tpu.wait_indirect_dma semaphore(%run_scoped3A_110 : memref<!tpu.dma_semaphore, #tpu.memory_space<semaphore_mem>>) src(%dma_wait3A_122 : memref<128x32xf32, #tpu.memory_space<vmem>>) dst(%dma_wait3A_128 : memref<50016x32xf32, #tpu.memory_space<vmem_shared>>)
          tpu.yield
        }) : () -> ()
        %run_scoped3A_109 = arith.constant 3 : i32
        "tpu.region"() ({
          %run_scoped3A_110 = tpu.sem_alloc : memref<!tpu.dma_semaphore, #tpu.memory_space<semaphore_mem>>
          %dma_start3A_111 = arith.constant 384 : i32
          %dma_start3A_112 = arith.constant 0 : i32
          %dma_start3A_113 = tpu.memref_slice %arg11[%dma_start3A_111, %dma_start3A_112] : memref<512x32xf32, #tpu.memory_space<vmem>> -> memref<128x32xf32, #tpu.memory_space<vmem>>
          %dma_start3A_114 = arith.constant 0 : i32
          %dma_start3A_115 = tpu.memref_slice %arg10[%run_scoped3A_109, %dma_start3A_114] : memref<4x128xi32, #tpu.memory_space<vmem>> -> memref<1x128xi32, #tpu.memory_space<vmem>>
          %dma_start3A_116 = tpu.memref_squeeze %dma_start3A_115 : memref<1x128xi32, #tpu.memory_space<vmem>> -> memref<128xi32, #tpu.memory_space<vmem>>
          %dma_start3A_117 = arith.constant 0 : i32
          %dma_start3A_118 = arith.constant 0 : i32
          %dma_start3A_119 = tpu.memref_slice %arg12[%dma_start3A_117, %dma_start3A_118] : memref<50016x32xf32, #tpu.memory_space<vmem_shared>> -> memref<50016x32xf32, #tpu.memory_space<vmem_shared>>
          tpu.enqueue_indirect_dma source(%dma_start3A_113 : memref<128x32xf32, #tpu.memory_space<vmem>>) target(%dma_start3A_119 : memref<50016x32xf32, #tpu.memory_space<vmem_shared>>) offsets(%dma_start3A_116 : memref<128xi32, #tpu.memory_space<vmem>>) semaphore(%run_scoped3A_110 : memref<!tpu.dma_semaphore, #tpu.memory_space<semaphore_mem>>) {add = true}
          %dma_wait3A_120 = arith.constant 384 : i32
          %dma_wait3A_121 = arith.constant 0 : i32
          %dma_wait3A_122 = tpu.memref_slice %arg11[%dma_wait3A_120, %dma_wait3A_121] : memref<512x32xf32, #tpu.memory_space<vmem>> -> memref<128x32xf32, #tpu.memory_space<vmem>>
          %dma_wait3A_123 = arith.constant 0 : i32
          %dma_wait3A_124 = tpu.memref_slice %arg10[%run_scoped3A_109, %dma_wait3A_123] : memref<4x128xi32, #tpu.memory_space<vmem>> -> memref<1x128xi32, #tpu.memory_space<vmem>>
          %dma_wait3A_125 = tpu.memref_squeeze %dma_wait3A_124 : memref<1x128xi32, #tpu.memory_space<vmem>> -> memref<128xi32, #tpu.memory_space<vmem>>
          %dma_wait3A_126 = arith.constant 0 : i32
          %dma_wait3A_127 = arith.constant 0 : i32
          %dma_wait3A_128 = tpu.memref_slice %arg12[%dma_wait3A_126, %dma_wait3A_127] : memref<50016x32xf32, #tpu.memory_space<vmem_shared>> -> memref<50016x32xf32, #tpu.memory_space<vmem_shared>>
          tpu.wait_indirect_dma semaphore(%run_scoped3A_110 : memref<!tpu.dma_semaphore, #tpu.memory_space<semaphore_mem>>) src(%dma_wait3A_122 : memref<128x32xf32, #tpu.memory_space<vmem>>) dst(%dma_wait3A_128 : memref<50016x32xf32, #tpu.memory_space<vmem_shared>>)
          tpu.yield
        }) : () -> ()
      }
      %scan3A_23 = arith.constant 98 : i32
    } else {
    }
    %barrier3A_8 = arith.constant 0 : index
    tpu.barrier barrier_id(%barrier3A_8)
    %eq3A_9 = arith.constant 0 : i32
    %eq3A_10 = arith.cmpi eq, %arg0, %eq3A_9 : i32
    %convert_element_type3A_11 = arith.extui %eq3A_10 : i1 to i32
    %cond3A_12 = arith.constant 0 : i32
    %cond3A_13 = arith.cmpi ne, %convert_element_type3A_11, %cond3A_12 : i32
    scf.if %cond3A_13 {
      %mul3A_19 = arith.constant 3125 : i32
      %mul3A_20 = arith.muli %arg1, %mul3A_19 : i32
      %mul3A_21 = arith.constant 3125 : i32
      %mul3A_22 = arith.muli %arg1, %mul3A_21 : i32
      "tpu.region"() ({
        %run_scoped3A = tpu.sem_alloc : memref<!tpu.dma_semaphore, #tpu.memory_space<semaphore_mem>>
        %dma_start3A = arith.constant 0 : i32
        %dma_start3A_23 = tpu.memref_slice %arg7[%mul3A_22, %dma_start3A] : memref<50000x32xf32, #tpu.memory_space<hbm>> -> memref<3125x32xf32, #tpu.memory_space<hbm>>
        %dma_start3A_24 = arith.constant 0 : i32
        %dma_start3A_25 = tpu.memref_slice %arg12[%mul3A_20, %dma_start3A_24] : memref<50016x32xf32, #tpu.memory_space<vmem_shared>> -> memref<3125x32xf32, #tpu.memory_space<vmem_shared>>
        tpu.enqueue_dma source(%dma_start3A_25 : memref<3125x32xf32, #tpu.memory_space<vmem_shared>>) target(%dma_start3A_23 : memref<3125x32xf32, #tpu.memory_space<hbm>>) target_semaphore(%run_scoped3A : memref<!tpu.dma_semaphore, #tpu.memory_space<semaphore_mem>>)
        %dma_wait3A = arith.constant 0 : i32
        %dma_wait3A_26 = tpu.memref_slice %arg7[%mul3A_22, %dma_wait3A] : memref<50000x32xf32, #tpu.memory_space<hbm>> -> memref<3125x32xf32, #tpu.memory_space<hbm>>
        %dma_wait3A_27 = arith.constant 0 : i32
        %dma_wait3A_28 = tpu.memref_slice %arg12[%mul3A_20, %dma_wait3A_27] : memref<50016x32xf32, #tpu.memory_space<vmem_shared>> -> memref<3125x32xf32, #tpu.memory_space<vmem_shared>>
        tpu.wait_dma2 semaphore(%run_scoped3A : memref<!tpu.dma_semaphore, #tpu.memory_space<semaphore_mem>>) src(%dma_wait3A_28 : memref<3125x32xf32, #tpu.memory_space<vmem_shared>>) dst(%dma_wait3A_26 : memref<3125x32xf32, #tpu.memory_space<hbm>>)
        tpu.yield
      }) : () -> ()
    } else {
    }
    %eq3A_14 = arith.constant 1 : i32
    %eq3A_15 = arith.cmpi eq, %arg0, %eq3A_14 : i32
    %convert_element_type3A_16 = arith.extui %eq3A_15 : i1 to i32
    %cond3A_17 = arith.constant 0 : i32
    %cond3A_18 = arith.cmpi ne, %convert_element_type3A_16, %cond3A_17 : i32
    scf.if %cond3A_18 {
      %mul3A_19 = arith.constant 3125 : i32
      %mul3A_20 = arith.muli %arg1, %mul3A_19 : i32
      %mul3A_21 = arith.constant 3125 : i32
      %mul3A_22 = arith.muli %arg1, %mul3A_21 : i32
      "tpu.region"() ({
        %run_scoped3A = tpu.sem_alloc : memref<!tpu.dma_semaphore, #tpu.memory_space<semaphore_mem>>
        %dma_start3A = arith.constant 0 : i32
        %dma_start3A_23 = tpu.memref_slice %arg8[%mul3A_22, %dma_start3A] : memref<50000x32xf32, #tpu.memory_space<hbm>> -> memref<3125x32xf32, #tpu.memory_space<hbm>>
        %dma_start3A_24 = arith.constant 0 : i32
        %dma_start3A_25 = tpu.memref_slice %arg12[%mul3A_20, %dma_start3A_24] : memref<50016x32xf32, #tpu.memory_space<vmem_shared>> -> memref<3125x32xf32, #tpu.memory_space<vmem_shared>>
        tpu.enqueue_dma source(%dma_start3A_25 : memref<3125x32xf32, #tpu.memory_space<vmem_shared>>) target(%dma_start3A_23 : memref<3125x32xf32, #tpu.memory_space<hbm>>) target_semaphore(%run_scoped3A : memref<!tpu.dma_semaphore, #tpu.memory_space<semaphore_mem>>)
        %dma_wait3A = arith.constant 0 : i32
        %dma_wait3A_26 = tpu.memref_slice %arg8[%mul3A_22, %dma_wait3A] : memref<50000x32xf32, #tpu.memory_space<hbm>> -> memref<3125x32xf32, #tpu.memory_space<hbm>>
        %dma_wait3A_27 = arith.constant 0 : i32
        %dma_wait3A_28 = tpu.memref_slice %arg12[%mul3A_20, %dma_wait3A_27] : memref<50016x32xf32, #tpu.memory_space<vmem_shared>> -> memref<3125x32xf32, #tpu.memory_space<vmem_shared>>
        tpu.wait_dma2 semaphore(%run_scoped3A : memref<!tpu.dma_semaphore, #tpu.memory_space<semaphore_mem>>) src(%dma_wait3A_28 : memref<3125x32xf32, #tpu.memory_space<vmem_shared>>) dst(%dma_wait3A_26 : memref<3125x32xf32, #tpu.memory_space<hbm>>)
        tpu.yield
      }) : () -> ()
    } else {
    }
    return
  }
}

module attributes {stable_mosaic.version = 14 : i64} {
  func.func @_tc_mid_body(%arg0: i32, %arg1: memref<2000x32xf32, #tpu.memory_space<vmem>>, %arg2: memref<2000x32xf32, #tpu.memory_space<vmem>>, %arg3: memref<2000x32xf32, #tpu.memory_space<vmem>>, %arg4: memref<2000x1xf32, #tpu.memory_space<vmem>>, %arg5: memref<2000x1xf32, #tpu.memory_space<vmem>>, %arg6: memref<32x64xf32, #tpu.memory_space<vmem>>, %arg7: memref<32x64xf32, #tpu.memory_space<vmem>>, %arg8: memref<32x64xf32, #tpu.memory_space<vmem>>, %arg9: memref<2000x32xf32, #tpu.memory_space<vmem>>, %arg10: memref<2000x32xf32, #tpu.memory_space<vmem>>, %arg11: memref<2000x1xf32, #tpu.memory_space<vmem>>) attributes {dimension_semantics = [#tpu.dimension_semantics<arbitrary>], iteration_bounds = array<i64: 25>, scalar_prefetch = 0 : i64, scratch_operands = 0 : i64, tpu.core_type = #tpu.core_type<tc>, window_params = [{transform_indices = @transform_0, window_bounds = array<i64: 2000, 32>}, {transform_indices = @transform_1, window_bounds = array<i64: 2000, 32>}, {transform_indices = @transform_2, window_bounds = array<i64: 2000, 32>}, {transform_indices = @transform_3, window_bounds = array<i64: 2000, 1>}, {transform_indices = @transform_4, window_bounds = array<i64: 2000, 1>}, {pipeline_mode = #tpu.pipeline_mode<synchronous>, transform_indices = @transform_5, window_bounds = array<i64: 32, 64>}, {pipeline_mode = #tpu.pipeline_mode<synchronous>, transform_indices = @transform_6, window_bounds = array<i64: 32, 64>}, {pipeline_mode = #tpu.pipeline_mode<synchronous>, transform_indices = @transform_7, window_bounds = array<i64: 32, 64>}, {transform_indices = @transform_8, window_bounds = array<i64: 2000, 32>}, {transform_indices = @transform_9, window_bounds = array<i64: 2000, 32>}, {transform_indices = @transform_10, window_bounds = array<i64: 2000, 1>}]} {
    %get3A = arith.constant 0 : index
    %get3A_0 = arith.constant 0 : index
    %get3A_1 = vector.load %arg4[%get3A, %get3A_0] : memref<2000x1xf32, #tpu.memory_space<vmem>>, vector<2000x1xf32>
    %add3A = arith.constant 1.000000e+00 : f32
    %add3A_2 = vector.broadcast %add3A : f32 to vector<2000x1xf32>
    %add3A_3 = arith.addf %add3A_2, %get3A_1 : vector<2000x1xf32>
    %get3A_4 = arith.constant 0 : index
    %get3A_5 = arith.constant 0 : index
    %get3A_6 = vector.load %arg5[%get3A_4, %get3A_5] : memref<2000x1xf32, #tpu.memory_space<vmem>>, vector<2000x1xf32>
    %add3A_7 = arith.addf %add3A_3, %get3A_6 : vector<2000x1xf32>
    %rsqrt3A = math.rsqrt %add3A_7 : vector<2000x1xf32>
    %get3A_8 = arith.constant 0 : index
    %get3A_9 = arith.constant 0 : index
    %get3A_10 = vector.load %arg2[%get3A_8, %get3A_9] : memref<2000x32xf32, #tpu.memory_space<vmem>>, vector<2000x32xf32>
    %get3A_11 = arith.constant 0 : index
    %get3A_12 = arith.constant 0 : index
    %get3A_13 = vector.load %arg6[%get3A_11, %get3A_12] : memref<32x64xf32, #tpu.memory_space<vmem>>, vector<32x64xf32>
    %dot_general3A = arith.constant dense<0.000000e+00> : vector<2000x64xf32>
    %dot_general3A_14 = tpu.matmul %get3A_10, %get3A_13, %dot_general3A {dimension_numbers = #tpu.dot_dimension_numbers<[1], [0], [0], [1], [0, 0, 1, 1], [], []>, transpose_lhs_hint = false} : vector<2000x32xf32>, vector<32x64xf32>, vector<2000x64xf32> -> vector<2000x64xf32>
    %get3A_15 = arith.constant 0 : index
    %get3A_16 = arith.constant 0 : index
    %get3A_17 = vector.load %arg1[%get3A_15, %get3A_16] : memref<2000x32xf32, #tpu.memory_space<vmem>>, vector<2000x32xf32>
    %get3A_18 = arith.constant 0 : index
    %get3A_19 = arith.constant 0 : index
    %get3A_20 = vector.load %arg7[%get3A_18, %get3A_19] : memref<32x64xf32, #tpu.memory_space<vmem>>, vector<32x64xf32>
    %dot_general3A_21 = arith.constant dense<0.000000e+00> : vector<2000x64xf32>
    %dot_general3A_22 = tpu.matmul %get3A_17, %get3A_20, %dot_general3A_21 {dimension_numbers = #tpu.dot_dimension_numbers<[1], [0], [0], [1], [0, 0, 1, 1], [], []>, transpose_lhs_hint = false} : vector<2000x32xf32>, vector<32x64xf32>, vector<2000x64xf32> -> vector<2000x64xf32>
    %add3A_23 = arith.addf %dot_general3A_14, %dot_general3A_22 : vector<2000x64xf32>
    %get3A_24 = arith.constant 0 : index
    %get3A_25 = arith.constant 0 : index
    %get3A_26 = vector.load %arg3[%get3A_24, %get3A_25] : memref<2000x32xf32, #tpu.memory_space<vmem>>, vector<2000x32xf32>
    %get3A_27 = arith.constant 0 : index
    %get3A_28 = arith.constant 0 : index
    %get3A_29 = vector.load %arg8[%get3A_27, %get3A_28] : memref<32x64xf32, #tpu.memory_space<vmem>>, vector<32x64xf32>
    %dot_general3A_30 = arith.constant dense<0.000000e+00> : vector<2000x64xf32>
    %dot_general3A_31 = tpu.matmul %get3A_26, %get3A_29, %dot_general3A_30 {dimension_numbers = #tpu.dot_dimension_numbers<[1], [0], [0], [1], [0, 0, 1, 1], [], []>, transpose_lhs_hint = false} : vector<2000x32xf32>, vector<32x64xf32>, vector<2000x64xf32> -> vector<2000x64xf32>
    %add3A_32 = arith.addf %add3A_23, %dot_general3A_31 : vector<2000x64xf32>
    %mul3A = vector.broadcast %rsqrt3A : vector<2000x1xf32> to vector<2000x64xf32>
    %mul3A_33 = arith.mulf %add3A_32, %mul3A : vector<2000x64xf32>
    %slice3A = vector.extract_strided_slice %mul3A_33 {offsets = [0, 0], sizes = [2000, 32], strides = [1, 1]} : vector<2000x64xf32> to vector<2000x32xf32>
    %swap3A = arith.constant 0 : index
    %swap3A_34 = arith.constant 0 : index
    %swap3A_35 = vector.load %arg9[%swap3A, %swap3A_34] : memref<2000x32xf32, #tpu.memory_space<vmem>>, vector<2000x32xf32>
    tpu.vector_store %arg9[%swap3A, %swap3A_34], %slice3A {strides = array<i32>} : memref<2000x32xf32, #tpu.memory_space<vmem>>, vector<2000x32xf32>,
    %slice3A_36 = vector.extract_strided_slice %mul3A_33 {offsets = [0, 32], sizes = [2000, 32], strides = [1, 1]} : vector<2000x64xf32> to vector<2000x32xf32>
    %swap3A_37 = arith.constant 0 : index
    %swap3A_38 = arith.constant 0 : index
    %swap3A_39 = vector.load %arg10[%swap3A_37, %swap3A_38] : memref<2000x32xf32, #tpu.memory_space<vmem>>, vector<2000x32xf32>
    tpu.vector_store %arg10[%swap3A_37, %swap3A_38], %slice3A_36 {strides = array<i32>} : memref<2000x32xf32, #tpu.memory_space<vmem>>, vector<2000x32xf32>,
    %swap3A_40 = arith.constant 0 : index
    %swap3A_41 = arith.constant 0 : index
    %swap3A_42 = vector.load %arg11[%swap3A_40, %swap3A_41] : memref<2000x1xf32, #tpu.memory_space<vmem>>, vector<2000x1xf32>
    tpu.vector_store %arg11[%swap3A_40, %swap3A_41], %rsqrt3A {strides = array<i32>} : memref<2000x1xf32, #tpu.memory_space<vmem>>, vector<2000x1xf32>,
    return
  }
  func.func @transform_0(%arg0: i32) -> (i32, i32) {
    %c0_i32 = arith.constant 0 : i32
    %c0_i32_0 = arith.constant 0 : i32
    return %arg0, %c0_i32 : i32, i32
  }
  func.func @transform_1(%arg0: i32) -> (i32, i32) {
    %c0_i32 = arith.constant 0 : i32
    %c0_i32_0 = arith.constant 0 : i32
    return %arg0, %c0_i32 : i32, i32
  }
  func.func @transform_2(%arg0: i32) -> (i32, i32) {
    %c0_i32 = arith.constant 0 : i32
    %c0_i32_0 = arith.constant 0 : i32
    return %arg0, %c0_i32 : i32, i32
  }
  func.func @transform_3(%arg0: i32) -> (i32, i32) {
    %c0_i32 = arith.constant 0 : i32
    %c0_i32_0 = arith.constant 0 : i32
    return %arg0, %c0_i32 : i32, i32
  }
  func.func @transform_4(%arg0: i32) -> (i32, i32) {
    %c0_i32 = arith.constant 0 : i32
    %c0_i32_0 = arith.constant 0 : i32
    return %arg0, %c0_i32 : i32, i32
  }
  func.func @transform_5(%arg0: i32) -> (i32, i32) {
    %c0_i32 = arith.constant 0 : i32
    %c0_i32_0 = arith.constant 0 : i32
    %c0_i32_1 = arith.constant 0 : i32
    return %c0_i32, %c0_i32_0 : i32, i32
  }
  func.func @transform_6(%arg0: i32) -> (i32, i32) {
    %c0_i32 = arith.constant 0 : i32
    %c0_i32_0 = arith.constant 0 : i32
    %c0_i32_1 = arith.constant 0 : i32
    return %c0_i32, %c0_i32_0 : i32, i32
  }
  func.func @transform_7(%arg0: i32) -> (i32, i32) {
    %c0_i32 = arith.constant 0 : i32
    %c0_i32_0 = arith.constant 0 : i32
    %c0_i32_1 = arith.constant 0 : i32
    return %c0_i32, %c0_i32_0 : i32, i32
  }
  func.func @transform_8(%arg0: i32) -> (i32, i32) {
    %c0_i32 = arith.constant 0 : i32
    %c0_i32_0 = arith.constant 0 : i32
    return %arg0, %c0_i32 : i32, i32
  }
  func.func @transform_9(%arg0: i32) -> (i32, i32) {
    %c0_i32 = arith.constant 0 : i32
    %c0_i32_0 = arith.constant 0 : i32
    return %arg0, %c0_i32 : i32, i32
  }
  func.func @transform_10(%arg0: i32) -> (i32, i32) {
    %c0_i32 = arith.constant 0 : i32
    %c0_i32_0 = arith.constant 0 : i32
    return %arg0, %c0_i32 : i32, i32
  }
}

module attributes {stable_mosaic.version = 14 : i64} {
  func.func @_tc_layer2_body(%arg0: i32, %arg1: memref<2000x32xf32, #tpu.memory_space<vmem>>, %arg2: memref<2000x32xf32, #tpu.memory_space<vmem>>, %arg3: memref<2000x32xf32, #tpu.memory_space<vmem>>, %arg4: memref<2000x32xf32, #tpu.memory_space<vmem>>, %arg5: memref<2000x1xf32, #tpu.memory_space<vmem>>, %arg6: memref<1x64xf32, #tpu.memory_space<vmem>>, %arg7: memref<64x64xf32, #tpu.memory_space<vmem>>, %arg8: memref<2000x32xf32, #tpu.memory_space<vmem>>, %arg9: memref<2000x32xf32, #tpu.memory_space<vmem>>) attributes {dimension_semantics = [#tpu.dimension_semantics<arbitrary>], iteration_bounds = array<i64: 25>, scalar_prefetch = 0 : i64, scratch_operands = 0 : i64, tpu.core_type = #tpu.core_type<tc>, window_params = [{transform_indices = @transform_0, window_bounds = array<i64: 2000, 32>}, {transform_indices = @transform_1, window_bounds = array<i64: 2000, 32>}, {transform_indices = @transform_2, window_bounds = array<i64: 2000, 32>}, {transform_indices = @transform_3, window_bounds = array<i64: 2000, 32>}, {transform_indices = @transform_4, window_bounds = array<i64: 2000, 1>}, {pipeline_mode = #tpu.pipeline_mode<synchronous>, transform_indices = @transform_5, window_bounds = array<i64: 1, 64>}, {pipeline_mode = #tpu.pipeline_mode<synchronous>, transform_indices = @transform_6, window_bounds = array<i64: 64, 64>}, {transform_indices = @transform_7, window_bounds = array<i64: 2000, 32>}, {transform_indices = @transform_8, window_bounds = array<i64: 2000, 32>}]} {
    %get3A = arith.constant 0 : index
    %get3A_0 = arith.constant 0 : index
    %get3A_1 = vector.load %arg1[%get3A, %get3A_0] : memref<2000x32xf32, #tpu.memory_space<vmem>>, vector<2000x32xf32>
    %get3A_2 = arith.constant 0 : index
    %get3A_3 = arith.constant 0 : index
    %get3A_4 = vector.load %arg3[%get3A_2, %get3A_3] : memref<2000x32xf32, #tpu.memory_space<vmem>>, vector<2000x32xf32>
    %add3A = arith.addf %get3A_1, %get3A_4 : vector<2000x32xf32>
    %get3A_5 = arith.constant 0 : index
    %get3A_6 = arith.constant 0 : index
    %get3A_7 = vector.load %arg2[%get3A_5, %get3A_6] : memref<2000x32xf32, #tpu.memory_space<vmem>>, vector<2000x32xf32>
    %get3A_8 = arith.constant 0 : index
    %get3A_9 = arith.constant 0 : index
    %get3A_10 = vector.load %arg4[%get3A_8, %get3A_9] : memref<2000x32xf32, #tpu.memory_space<vmem>>, vector<2000x32xf32>
    %add3A_11 = arith.addf %get3A_7, %get3A_10 : vector<2000x32xf32>
    %concatenate3A = tpu.concatenate %add3A, %add3A_11 in 1 : vector<2000x32xf32>, vector<2000x32xf32> -> vector<2000x64xf32>
    %get3A_12 = arith.constant 0 : index
    %get3A_13 = arith.constant 0 : index
    %get3A_14 = vector.load %arg5[%get3A_12, %get3A_13] : memref<2000x1xf32, #tpu.memory_space<vmem>>, vector<2000x1xf32>
    %mul3A = vector.broadcast %get3A_14 : vector<2000x1xf32> to vector<2000x64xf32>
    %mul3A_15 = arith.mulf %mul3A, %concatenate3A : vector<2000x64xf32>
    %get3A_16 = arith.constant 0 : index
    %get3A_17 = arith.constant 0 : index
    %get3A_18 = vector.load %arg6[%get3A_16, %get3A_17] : memref<1x64xf32, #tpu.memory_space<vmem>>, vector<1x64xf32>
    %add3A_19 = vector.broadcast %get3A_18 : vector<1x64xf32> to vector<2000x64xf32>
    %add3A_20 = arith.addf %mul3A_15, %add3A_19 : vector<2000x64xf32>
    %max3A = arith.constant 0.000000e+00 : f32
    %max3A_21 = vector.broadcast %max3A : f32 to vector<2000x64xf32>
    %max3A_22 = arith.maximumf %add3A_20, %max3A_21 : vector<2000x64xf32>
    %get3A_23 = arith.constant 0 : index
    %get3A_24 = arith.constant 0 : index
    %get3A_25 = vector.load %arg7[%get3A_23, %get3A_24] : memref<64x64xf32, #tpu.memory_space<vmem>>, vector<64x64xf32>
    %dot_general3A = arith.constant dense<0.000000e+00> : vector<2000x64xf32>
    %dot_general3A_26 = tpu.matmul %max3A_22, %get3A_25, %dot_general3A {dimension_numbers = #tpu.dot_dimension_numbers<[1], [0], [0], [1], [0, 0, 1, 1], [], []>, transpose_lhs_hint = false} : vector<2000x64xf32>, vector<64x64xf32>, vector<2000x64xf32> -> vector<2000x64xf32>
    %get3A_27 = arith.constant 0 : index
    %get3A_28 = arith.constant 0 : index
    %get3A_29 = vector.load %arg5[%get3A_27, %get3A_28] : memref<2000x1xf32, #tpu.memory_space<vmem>>, vector<2000x1xf32>
    %mul3A_30 = vector.broadcast %get3A_29 : vector<2000x1xf32> to vector<2000x64xf32>
    %mul3A_31 = arith.mulf %dot_general3A_26, %mul3A_30 : vector<2000x64xf32>
    %slice3A = vector.extract_strided_slice %mul3A_31 {offsets = [0, 0], sizes = [2000, 32], strides = [1, 1]} : vector<2000x64xf32> to vector<2000x32xf32>
    %swap3A = arith.constant 0 : index
    %swap3A_32 = arith.constant 0 : index
    %swap3A_33 = vector.load %arg8[%swap3A, %swap3A_32] : memref<2000x32xf32, #tpu.memory_space<vmem>>, vector<2000x32xf32>
    tpu.vector_store %arg8[%swap3A, %swap3A_32], %slice3A {strides = array<i32>} : memref<2000x32xf32, #tpu.memory_space<vmem>>, vector<2000x32xf32>,
    %slice3A_34 = vector.extract_strided_slice %mul3A_31 {offsets = [0, 32], sizes = [2000, 32], strides = [1, 1]} : vector<2000x64xf32> to vector<2000x32xf32>
    %swap3A_35 = arith.constant 0 : index
    %swap3A_36 = arith.constant 0 : index
    %swap3A_37 = vector.load %arg9[%swap3A_35, %swap3A_36] : memref<2000x32xf32, #tpu.memory_space<vmem>>, vector<2000x32xf32>
    tpu.vector_store %arg9[%swap3A_35, %swap3A_36], %slice3A_34 {strides = array<i32>} : memref<2000x32xf32, #tpu.memory_space<vmem>>, vector<2000x32xf32>,
    return
  }
  func.func @transform_0(%arg0: i32) -> (i32, i32) {
    %c0_i32 = arith.constant 0 : i32
    %c0_i32_0 = arith.constant 0 : i32
    return %arg0, %c0_i32 : i32, i32
  }
  func.func @transform_1(%arg0: i32) -> (i32, i32) {
    %c0_i32 = arith.constant 0 : i32
    %c0_i32_0 = arith.constant 0 : i32
    return %arg0, %c0_i32 : i32, i32
  }
  func.func @transform_2(%arg0: i32) -> (i32, i32) {
    %c0_i32 = arith.constant 0 : i32
    %c0_i32_0 = arith.constant 0 : i32
    return %arg0, %c0_i32 : i32, i32
  }
  func.func @transform_3(%arg0: i32) -> (i32, i32) {
    %c0_i32 = arith.constant 0 : i32
    %c0_i32_0 = arith.constant 0 : i32
    return %arg0, %c0_i32 : i32, i32
  }
  func.func @transform_4(%arg0: i32) -> (i32, i32) {
    %c0_i32 = arith.constant 0 : i32
    %c0_i32_0 = arith.constant 0 : i32
    return %arg0, %c0_i32 : i32, i32
  }
  func.func @transform_5(%arg0: i32) -> (i32, i32) {
    %c0_i32 = arith.constant 0 : i32
    %c0_i32_0 = arith.constant 0 : i32
    %c0_i32_1 = arith.constant 0 : i32
    return %c0_i32, %c0_i32_0 : i32, i32
  }
  func.func @transform_6(%arg0: i32) -> (i32, i32) {
    %c0_i32 = arith.constant 0 : i32
    %c0_i32_0 = arith.constant 0 : i32
    %c0_i32_1 = arith.constant 0 : i32
    return %c0_i32, %c0_i32_0 : i32, i32
  }
  func.func @transform_7(%arg0: i32) -> (i32, i32) {
    %c0_i32 = arith.constant 0 : i32
    %c0_i32_0 = arith.constant 0 : i32
    return %arg0, %c0_i32 : i32, i32
  }
  func.func @transform_8(%arg0: i32) -> (i32, i32) {
    %c0_i32 = arith.constant 0 : i32
    %c0_i32_0 = arith.constant 0 : i32
    return %arg0, %c0_i32 : i32, i32
  }
}

module attributes {stable_mosaic.version = 14 : i64} {
  func.func @_tc_final_body(%arg0: i32, %arg1: memref<2000x32xf32, #tpu.memory_space<vmem>>, %arg2: memref<2000x32xf32, #tpu.memory_space<vmem>>, %arg3: memref<2000x32xf32, #tpu.memory_space<vmem>>, %arg4: memref<2000x32xf32, #tpu.memory_space<vmem>>, %arg5: memref<2000x1xf32, #tpu.memory_space<vmem>>, %arg6: memref<1x64xf32, #tpu.memory_space<vmem>>, %arg7: memref<2000x1xi32, #tpu.memory_space<vmem>>, %arg8: memref<64x64xf32, #tpu.memory_space<vmem>>, %arg9: memref<1x64xf32, #tpu.memory_space<vmem>>, %arg10: memref<64x1xf32, #tpu.memory_space<vmem>>, %arg11: memref<1x1xf32, #tpu.memory_space<vmem>>, %arg12: memref<8x1xf32, #tpu.memory_space<vmem>>, %arg13: memref<8x64xf32, #tpu.memory_space<vmem>>, %arg14: memref<8x1xf32, #tpu.memory_space<vmem>>) attributes {dimension_semantics = [#tpu.dimension_semantics<arbitrary>], iteration_bounds = array<i64: 25>, scalar_prefetch = 0 : i64, scratch_operands = 2 : i64, tpu.core_type = #tpu.core_type<tc>, window_params = [{transform_indices = @transform_0, window_bounds = array<i64: 2000, 32>}, {transform_indices = @transform_1, window_bounds = array<i64: 2000, 32>}, {transform_indices = @transform_2, window_bounds = array<i64: 2000, 32>}, {transform_indices = @transform_3, window_bounds = array<i64: 2000, 32>}, {transform_indices = @transform_4, window_bounds = array<i64: 2000, 1>}, {pipeline_mode = #tpu.pipeline_mode<synchronous>, transform_indices = @transform_5, window_bounds = array<i64: 1, 64>}, {transform_indices = @transform_6, window_bounds = array<i64: 2000, 1>}, {pipeline_mode = #tpu.pipeline_mode<synchronous>, transform_indices = @transform_7, window_bounds = array<i64: 64, 64>}, {pipeline_mode = #tpu.pipeline_mode<synchronous>, transform_indices = @transform_8, window_bounds = array<i64: 1, 64>}, {pipeline_mode = #tpu.pipeline_mode<synchronous>, transform_indices = @transform_9, window_bounds = array<i64: 64, 1>}, {pipeline_mode = #tpu.pipeline_mode<synchronous>, transform_indices = @transform_10, window_bounds = array<i64: 1, 1>}, {pipeline_mode = #tpu.pipeline_mode<synchronous>, transform_indices = @transform_11, window_bounds = array<i64: 8, 1>}]} {
    %eq3A = arith.constant 0 : i32
    %eq3A_0 = arith.cmpi eq, %arg0, %eq3A : i32
    %convert_element_type3A = arith.extui %eq3A_0 : i1 to i32
    %cond3A = arith.constant 0 : i32
    %cond3A_1 = arith.cmpi ne, %convert_element_type3A, %cond3A : i32
    scf.if %cond3A_1 {
      %broadcast_in_dim3A_53 = arith.constant 0.000000e+00 : f32
      %broadcast_in_dim3A_54 = vector.broadcast %broadcast_in_dim3A_53 : f32 to vector<8x64xf32>
      %swap3A_55 = arith.constant 0 : index
      %swap3A_56 = arith.constant 0 : index
      %swap3A_57 = vector.load %arg13[%swap3A_55, %swap3A_56] : memref<8x64xf32, #tpu.memory_space<vmem>>, vector<8x64xf32>
      tpu.vector_store %arg13[%swap3A_55, %swap3A_56], %broadcast_in_dim3A_54 {strides = array<i32>} : memref<8x64xf32, #tpu.memory_space<vmem>>, vector<8x64xf32>,
      %broadcast_in_dim3A_58 = arith.constant 0.000000e+00 : f32
      %broadcast_in_dim3A_59 = vector.broadcast %broadcast_in_dim3A_58 : f32 to vector<8x1xf32>
      %swap3A_60 = arith.constant 0 : index
      %swap3A_61 = arith.constant 0 : index
      %swap3A_62 = vector.load %arg14[%swap3A_60, %swap3A_61] : memref<8x1xf32, #tpu.memory_space<vmem>>, vector<8x1xf32>
      tpu.vector_store %arg14[%swap3A_60, %swap3A_61], %broadcast_in_dim3A_59 {strides = array<i32>} : memref<8x1xf32, #tpu.memory_space<vmem>>, vector<8x1xf32>,
    } else {
    }
    %get3A = arith.constant 0 : index
    %get3A_2 = arith.constant 0 : index
    %get3A_3 = vector.load %arg1[%get3A, %get3A_2] : memref<2000x32xf32, #tpu.memory_space<vmem>>, vector<2000x32xf32>
    %get3A_4 = arith.constant 0 : index
    %get3A_5 = arith.constant 0 : index
    %get3A_6 = vector.load %arg3[%get3A_4, %get3A_5] : memref<2000x32xf32, #tpu.memory_space<vmem>>, vector<2000x32xf32>
    %add3A = arith.addf %get3A_3, %get3A_6 : vector<2000x32xf32>
    %get3A_7 = arith.constant 0 : index
    %get3A_8 = arith.constant 0 : index
    %get3A_9 = vector.load %arg2[%get3A_7, %get3A_8] : memref<2000x32xf32, #tpu.memory_space<vmem>>, vector<2000x32xf32>
    %get3A_10 = arith.constant 0 : index
    %get3A_11 = arith.constant 0 : index
    %get3A_12 = vector.load %arg4[%get3A_10, %get3A_11] : memref<2000x32xf32, #tpu.memory_space<vmem>>, vector<2000x32xf32>
    %add3A_13 = arith.addf %get3A_9, %get3A_12 : vector<2000x32xf32>
    %concatenate3A = tpu.concatenate %add3A, %add3A_13 in 1 : vector<2000x32xf32>, vector<2000x32xf32> -> vector<2000x64xf32>
    %get3A_14 = arith.constant 0 : index
    %get3A_15 = arith.constant 0 : index
    %get3A_16 = vector.load %arg5[%get3A_14, %get3A_15] : memref<2000x1xf32, #tpu.memory_space<vmem>>, vector<2000x1xf32>
    %mul3A = vector.broadcast %get3A_16 : vector<2000x1xf32> to vector<2000x64xf32>
    %mul3A_17 = arith.mulf %mul3A, %concatenate3A : vector<2000x64xf32>
    %get3A_18 = arith.constant 0 : index
    %get3A_19 = arith.constant 0 : index
    %get3A_20 = vector.load %arg6[%get3A_18, %get3A_19] : memref<1x64xf32, #tpu.memory_space<vmem>>, vector<1x64xf32>
    %add3A_21 = vector.broadcast %get3A_20 : vector<1x64xf32> to vector<2000x64xf32>
    %add3A_22 = arith.addf %mul3A_17, %add3A_21 : vector<2000x64xf32>
    %iota3A = tpu.iota {dimensions = array<i32: 1>} : vector<1x8xi32>
    %get3A_23 = arith.constant 0 : index
    %get3A_24 = arith.constant 0 : index
    %get3A_25 = vector.load %arg7[%get3A_23, %get3A_24] : memref<2000x1xi32, #tpu.memory_space<vmem>>, vector<2000x1xi32>
    %eq3A_26 = vector.broadcast %get3A_25 : vector<2000x1xi32> to vector<2000x8xi32>
    %eq3A_27 = vector.broadcast %iota3A : vector<1x8xi32> to vector<2000x8xi32>
    %eq3A_28 = arith.cmpi eq, %eq3A_26, %eq3A_27 : vector<2000x8xi32>
    %convert_element_type3A_29 = arith.extui %eq3A_28 : vector<2000x8xi1> to vector<2000x8xi32>
    %convert_element_type3A_30 = arith.sitofp %convert_element_type3A_29 : vector<2000x8xi32> to vector<2000x8xf32>
    %get3A_31 = arith.constant 0 : index
    %get3A_32 = arith.constant 0 : index
    %get3A_33 = vector.load %arg13[%get3A_31, %get3A_32] : memref<8x64xf32, #tpu.memory_space<vmem>>, vector<8x64xf32>
    %dot_general3A = arith.constant dense<0.000000e+00> : vector<8x64xf32>
    %dot_general3A_34 = tpu.matmul %convert_element_type3A_30, %add3A_22, %dot_general3A {dimension_numbers = #tpu.dot_dimension_numbers<[0], [0], [1], [1], [0, 1, 1, 1], [], []>, transpose_lhs_hint = false} : vector<2000x8xf32>, vector<2000x64xf32>, vector<8x64xf32> -> vector<8x64xf32>
    %add3A_35 = arith.addf %get3A_33, %dot_general3A_34 : vector<8x64xf32>
    %swap3A = arith.constant 0 : index
    %swap3A_36 = arith.constant 0 : index
    %swap3A_37 = vector.load %arg13[%swap3A, %swap3A_36] : memref<8x64xf32, #tpu.memory_space<vmem>>, vector<8x64xf32>
    tpu.vector_store %arg13[%swap3A, %swap3A_36], %add3A_35 {strides = array<i32>} : memref<8x64xf32, #tpu.memory_space<vmem>>, vector<8x64xf32>,
    %get3A_38 = arith.constant 0 : index
    %get3A_39 = arith.constant 0 : index
    %get3A_40 = vector.load %arg14[%get3A_38, %get3A_39] : memref<8x1xf32, #tpu.memory_space<vmem>>, vector<8x1xf32>
    %broadcast_in_dim3A = arith.constant 1.000000e+00 : f32
    %broadcast_in_dim3A_41 = vector.broadcast %broadcast_in_dim3A : f32 to vector<2000x1xf32>
    %dot_general3A_42 = arith.constant dense<0.000000e+00> : vector<8x1xf32>
    %dot_general3A_43 = tpu.matmul %convert_element_type3A_30, %broadcast_in_dim3A_41, %dot_general3A_42 {dimension_numbers = #tpu.dot_dimension_numbers<[0], [0], [1], [1], [0, 1, 1, 1], [], []>, transpose_lhs_hint = false} : vector<2000x8xf32>, vector<2000x1xf32>, vector<8x1xf32> -> vector<8x1xf32>
    %add3A_44 = arith.addf %get3A_40, %dot_general3A_43 : vector<8x1xf32>
    %swap3A_45 = arith.constant 0 : index
    %swap3A_46 = arith.constant 0 : index
    %swap3A_47 = vector.load %arg14[%swap3A_45, %swap3A_46] : memref<8x1xf32, #tpu.memory_space<vmem>>, vector<8x1xf32>
    tpu.vector_store %arg14[%swap3A_45, %swap3A_46], %add3A_44 {strides = array<i32>} : memref<8x1xf32, #tpu.memory_space<vmem>>, vector<8x1xf32>,
    %eq3A_48 = arith.constant 24 : i32
    %eq3A_49 = arith.cmpi eq, %arg0, %eq3A_48 : i32
    %convert_element_type3A_50 = arith.extui %eq3A_49 : i1 to i32
    %cond3A_51 = arith.constant 0 : i32
    %cond3A_52 = arith.cmpi ne, %convert_element_type3A_50, %cond3A_51 : i32
    scf.if %cond3A_52 {
      %get3A_53 = arith.constant 0 : index
      %get3A_54 = arith.constant 0 : index
      %get3A_55 = vector.load %arg13[%get3A_53, %get3A_54] : memref<8x64xf32, #tpu.memory_space<vmem>>, vector<8x64xf32>
      %get3A_56 = arith.constant 0 : index
      %get3A_57 = arith.constant 0 : index
      %get3A_58 = vector.load %arg14[%get3A_56, %get3A_57] : memref<8x1xf32, #tpu.memory_space<vmem>>, vector<8x1xf32>
      %max3A = arith.constant 1.000000e+00 : f32
      %max3A_59 = vector.broadcast %max3A : f32 to vector<8x1xf32>
      %max3A_60 = arith.maximumf %get3A_58, %max3A_59 : vector<8x1xf32>
      %div3A = vector.broadcast %max3A_60 : vector<8x1xf32> to vector<8x64xf32>
      %div3A_61 = arith.divf %get3A_55, %div3A : vector<8x64xf32>
      %get3A_62 = arith.constant 0 : index
      %get3A_63 = arith.constant 0 : index
      %get3A_64 = vector.load %arg8[%get3A_62, %get3A_63] : memref<64x64xf32, #tpu.memory_space<vmem>>, vector<64x64xf32>
      %dot_general3A_65 = arith.constant dense<0.000000e+00> : vector<8x64xf32>
      %dot_general3A_66 = tpu.matmul %div3A_61, %get3A_64, %dot_general3A_65 {dimension_numbers = #tpu.dot_dimension_numbers<[1], [0], [0], [1], [0, 0, 1, 1], [], []>, transpose_lhs_hint = false} : vector<8x64xf32>, vector<64x64xf32>, vector<8x64xf32> -> vector<8x64xf32>
      %get3A_67 = arith.constant 0 : index
      %get3A_68 = arith.constant 0 : index
      %get3A_69 = vector.load %arg9[%get3A_67, %get3A_68] : memref<1x64xf32, #tpu.memory_space<vmem>>, vector<1x64xf32>
      %add3A_70 = vector.broadcast %get3A_69 : vector<1x64xf32> to vector<8x64xf32>
      %add3A_71 = arith.addf %dot_general3A_66, %add3A_70 : vector<8x64xf32>
      %max3A_72 = arith.constant 0.000000e+00 : f32
      %max3A_73 = vector.broadcast %max3A_72 : f32 to vector<8x64xf32>
      %max3A_74 = arith.maximumf %add3A_71, %max3A_73 : vector<8x64xf32>
      %get3A_75 = arith.constant 0 : index
      %get3A_76 = arith.constant 0 : index
      %get3A_77 = vector.load %arg10[%get3A_75, %get3A_76] : memref<64x1xf32, #tpu.memory_space<vmem>>, vector<64x1xf32>
      %dot_general3A_78 = arith.constant dense<0.000000e+00> : vector<8x1xf32>
      %dot_general3A_79 = tpu.matmul %max3A_74, %get3A_77, %dot_general3A_78 {dimension_numbers = #tpu.dot_dimension_numbers<[1], [0], [0], [1], [0, 0, 1, 1], [], []>, transpose_lhs_hint = false} : vector<8x64xf32>, vector<64x1xf32>, vector<8x1xf32> -> vector<8x1xf32>
      %get3A_80 = arith.constant 0 : index
      %get3A_81 = arith.constant 0 : index
      %get3A_82 = vector.load %arg11[%get3A_80, %get3A_81] : memref<1x1xf32, #tpu.memory_space<vmem>>, vector<1x1xf32>
      %add3A_83 = vector.broadcast %get3A_82 : vector<1x1xf32> to vector<8x1xf32>
      %add3A_84 = arith.addf %dot_general3A_79, %add3A_83 : vector<8x1xf32>
      %neg3A = arith.constant 0.000000e+00 : f32
      %neg3A_85 = vector.broadcast %neg3A : f32 to vector<8x1xf32>
      %neg3A_86 = arith.subf %neg3A_85, %add3A_84 : vector<8x1xf32>
      %exp3A = math.exp %neg3A_86 : vector<8x1xf32>
      %add3A_87 = arith.constant 1.000000e+00 : f32
      %add3A_88 = vector.broadcast %add3A_87 : f32 to vector<8x1xf32>
      %add3A_89 = arith.addf %add3A_88, %exp3A : vector<8x1xf32>
      %div3A_90 = arith.constant 1.000000e+00 : f32
      %div3A_91 = vector.broadcast %div3A_90 : f32 to vector<8x1xf32>
      %div3A_92 = arith.divf %div3A_91, %add3A_89 : vector<8x1xf32>
      %swap3A_93 = arith.constant 0 : index
      %swap3A_94 = arith.constant 0 : index
      %swap3A_95 = vector.load %arg12[%swap3A_93, %swap3A_94] : memref<8x1xf32, #tpu.memory_space<vmem>>, vector<8x1xf32>
      tpu.vector_store %arg12[%swap3A_93, %swap3A_94], %div3A_92 {strides = array<i32>} : memref<8x1xf32, #tpu.memory_space<vmem>>, vector<8x1xf32>,
    } else {
    }
    return
  }
  func.func @transform_0(%arg0: i32) -> (i32, i32) {
    %c0_i32 = arith.constant 0 : i32
    %c0_i32_0 = arith.constant 0 : i32
    return %arg0, %c0_i32 : i32, i32
  }
  func.func @transform_1(%arg0: i32) -> (i32, i32) {
    %c0_i32 = arith.constant 0 : i32
    %c0_i32_0 = arith.constant 0 : i32
    return %arg0, %c0_i32 : i32, i32
  }
  func.func @transform_2(%arg0: i32) -> (i32, i32) {
    %c0_i32 = arith.constant 0 : i32
    %c0_i32_0 = arith.constant 0 : i32
    return %arg0, %c0_i32 : i32, i32
  }
  func.func @transform_3(%arg0: i32) -> (i32, i32) {
    %c0_i32 = arith.constant 0 : i32
    %c0_i32_0 = arith.constant 0 : i32
    return %arg0, %c0_i32 : i32, i32
  }
  func.func @transform_4(%arg0: i32) -> (i32, i32) {
    %c0_i32 = arith.constant 0 : i32
    %c0_i32_0 = arith.constant 0 : i32
    return %arg0, %c0_i32 : i32, i32
  }
  func.func @transform_5(%arg0: i32) -> (i32, i32) {
    %c0_i32 = arith.constant 0 : i32
    %c0_i32_0 = arith.constant 0 : i32
    %c0_i32_1 = arith.constant 0 : i32
    return %c0_i32, %c0_i32_0 : i32, i32
  }
  func.func @transform_6(%arg0: i32) -> (i32, i32) {
    %c0_i32 = arith.constant 0 : i32
    %c0_i32_0 = arith.constant 0 : i32
    return %arg0, %c0_i32 : i32, i32
  }
  func.func @transform_7(%arg0: i32) -> (i32, i32) {
    %c0_i32 = arith.constant 0 : i32
    %c0_i32_0 = arith.constant 0 : i32
    %c0_i32_1 = arith.constant 0 : i32
    return %c0_i32, %c0_i32_0 : i32, i32
  }
  func.func @transform_8(%arg0: i32) -> (i32, i32) {
    %c0_i32 = arith.constant 0 : i32
    %c0_i32_0 = arith.constant 0 : i32
    %c0_i32_1 = arith.constant 0 : i32
    return %c0_i32, %c0_i32_0 : i32, i32
  }
  func.func @transform_9(%arg0: i32) -> (i32, i32) {
    %c0_i32 = arith.constant 0 : i32
    %c0_i32_0 = arith.constant 0 : i32
    %c0_i32_1 = arith.constant 0 : i32
    return %c0_i32, %c0_i32_0 : i32, i32
  }
  func.func @transform_10(%arg0: i32) -> (i32, i32) {
    %c0_i32 = arith.constant 0 : i32
    %c0_i32_0 = arith.constant 0 : i32
    %c0_i32_1 = arith.constant 0 : i32
    return %c0_i32, %c0_i32_0 : i32, i32
  }
  func.func @transform_11(%arg0: i32) -> (i32, i32) {
    %c0_i32 = arith.constant 0 : i32
    %c0_i32_0 = arith.constant 0 : i32
    %c0_i32_1 = arith.constant 0 : i32
    return %c0_i32, %c0_i32_0 : i32, i32
  }
}

</mosaic_0001>

<sc_bundles>
// kernel: kernel.11.cloned.1.call-start
scs
__scs_entry_jumppad:
0x0: {  	(pc) =	sbr.rel $0x88, $3  }
0x1: {  	(tag) =	ssettag $0x0;
	lr =	simm.s32 $0x1  }
0x2: {  	[smem:$0x3F95] =	sst lr;
	_ =	strace $0xD0000000  }
0x3: {  	_ = 	snop  }
0x4: {  	_ = 	snop  }
0x5: {  	_ = 	snop  }
0x6: {  	_ = 	snop  }
0x7: {  	_ = 	snop  }
__scs_overlays_trampoline_lowered:
0x8: {  	[smem:$0x3FA4] =	sst s0  }
0x9: {  	[smem:$0x3FA5] =	sst s1  }
0xa: {  	[smem:$0x3FA6] =	sst s2  }
0xb: {  	[smem:$0x3FA7] =	sst s3  }
0xc: {  	[smem:$0x3FA8] =	sst s4  }
0xd: {  	[smem:$0x3FA9] =	sst s5  }
0xe: {  	[smem:$0x3FAA] =	sst s6  }
0xf: {  	[smem:$0x3FAB] =	sst s7  }
0x10: {  	[smem:$0x3FAC] =	sst s8  }
0x11: {  	[smem:$0x3FAD] =	sst s9;
	s0 =	simm.s32 @!p0 $0x0  }
0x12: {  	s1 =	sld [smem:$0x3F93];
	s0 =	simm.s32 @p0 $0x1  }
0x13: {  	[smem:$0x3FAE] =	sst s0;
	s0 =	simm.s32 @!p1 $0x0  }
0x14: {  	s2 =	sld [smem:$0x3F92];
	s0 =	simm.s32 @p1 $0x1  }
0x15: {  	[smem:$0x3FAF] =	sst s0;
	s0 =	simm.s32 @!p2 $0x0  }
0x16: {  	s3 =	sld [smem:$0x3FDB];
	s0 =	simm.s32 @p2 $0x1  }
0x17: {  	s4 =	simm.s32 $0x1BF5;
	[smem:$0x3FB1] =	sst s0  }
0x18: {  	s0 =	sld [smem:$0x3F94];
	_ =	swait.ge [sflag:s4], $0x0  }
0x19: {  	s7 =	sld [smem:$0x3F95]  }
0x1a: {  	s8 =	sadd.s32 $0xFFFFE003, lr  }
0x1b: {  	s9 =	sadd.s32 $0xFFFFFEF7, lr;
	s5 =	simm.s32 $0xFFFFFFFF;
	p2 =	slt.u32 s8, $0xFFFFF086  }
0x1c: {  	p1 =	slt.u32 s9, $0xF7A;
	s5 =	simm.s32 @!p2 $0x0  }
0x1d: {  	s5 =	simm.s32 @p1 $0x1;
	p0 =	seq.s32 s7, s2  }
0x1e: {  	s7 =	smul.u32 @!p0 $0xF7A, s2;
	p2 =	seq.s32 @!p0 s5, $0x0  }
0x1f: {  	s9 =	smul.u32 $0xF7A, s1;
	s8 =	simm.s32 @!p0 $0x1BF5;
	p2 =	por !p2, p0  }
0x20: {  	[sflag:s8] =	ssyncset.s32 @!p0 $0xFFFFF086;
	s6 =	sadd.s32 @!p0 s3, s7;
	s7 =	simm.s32 @!p0 $0x108  }
0x21: {  	s3 =	sadd.s32 s3, s9;
	s6 =	sadd.s32 @!p0 $0x88, s6;
	s7 =	simm.s32 @p2 $0x1082  }
0x22: {  	[simem:s7], [sflag:s8] =	dma.local @!p0 [hbm:s6], $0xF7A  }
0x23: {  	s9 =	sor.u32 $0xD0000000, s2;
	s6 =	simm.s32 $0x108;
	_ =	swait.ge @!p0 [sflag:s8], $0x0  }
0x24: {  	s3 =	sadd.s32 $0x88, s3;
	s6 =	simm.s32 @!p1 $0x1082;
	[sflag:s4] =	ssyncset.s32 $0xFFFFF086  }
0x25: {  	[simem:s6], [sflag:s4] =	dma.local [hbm:s3], $0xF7A  }
0x26: {  	[smem:$0x3F95] =	sst s1;
	(tag) =	ssettag s2;
	_ =	strace s9  }
0x27: {  	s1 =	sld [smem:$0x3FA5]  }
0x28: {  	s2 =	sld [smem:$0x3FA6]  }
0x29: {  	s4 =	sld [smem:$0x3FA8]  }
0x2a: {  	p0 =	seq.s32 s5, $0x0;
	s5 =	sld [smem:$0x3FA9]  }
0x2b: {  	s6 =	sld [smem:$0x3FAA]  }
0x2c: {  	s7 =	sld [smem:$0x3FAB]  }
0x2d: {  	s3 =	simm.s32 $0x108;
	s8 =	sld [smem:$0x3FAC]  }
0x2e: {  	s3 =	simm.s32 @!p0 $0x1082;
	s9 =	sld [smem:$0x3FAD]  }
0x2f: {  	lr =	sadd.s32 s0, s3;
	s0 =	sld [smem:$0x3FA4]  }
0x30: {  	s3 =	sld [smem:$0x3FA7]  }
0x31: {  	[smem:$0x3FB0] =	sst s10  }
0x32: {  	s10 =	sld [smem:$0x3FAE];
	_ =	sdelay $0x3  }
0x33: {  	p0 =	seq.s32 s10, $0x1;
	s10 =	sld [smem:$0x3FB0];
	_ =	sdelay $0x3  }
0x34: {  	[smem:$0x3FB0] =	sst s10  }
0x35: {  	s10 =	sld [smem:$0x3FAF];
	_ =	sdelay $0x3  }
0x36: {  	p1 =	seq.s32 s10, $0x1;
	s10 =	sld [smem:$0x3FB0];
	_ =	sdelay $0x3  }
0x37: {  	[smem:$0x3FB0] =	sst s10  }
0x38: {  	s10 =	sld [smem:$0x3FB1]  }
0x39: {  	_ = 	snop;
	(pc) =	sbr.ind lr, $3  }
0x3a: {  	_ = 	snop  }
0x3b: {  	_ = 	snop  }
0x3c: {  	p2 =	seq.s32 s10, $0x1;
	s10 =	sld [smem:$0x3FB0]  }
0x3d: {  	_ =	shalt  }
0x3e: {  	_ =	shalt  }
0x3f: {  	_ =	shalt  }
0x40: {  	_ =	shalt  }
0x41: {  	_ =	shalt  }
0x42: {  	_ =	shalt  }
0x43: {  	_ =	shalt  }
0x44: {  	_ =	shalt  }
0x45: {  	_ =	shalt  }
0x46: {  	_ =	shalt  }
0x47: {  	_ =	shalt  }
0x48: {  	_ =	shalt  }
0x49: {  	_ =	shalt  }
0x4a: {  	_ =	shalt  }
0x4b: {  	_ =	shalt  }
0x4c: {  	_ =	shalt  }
0x4d: {  	_ =	shalt  }
0x4e: {  	_ =	shalt  }
0x4f: {  	_ =	shalt  }
0x50: {  	_ =	shalt  }
0x51: {  	_ =	shalt  }
0x52: {  	_ =	shalt  }
0x53: {  	_ =	shalt  }
0x54: {  	_ =	shalt  }
0x55: {  	_ =	shalt  }
0x56: {  	_ =	shalt  }
0x57: {  	_ =	shalt  }
0x58: {  	_ =	shalt  }
0x59: {  	_ =	shalt  }
0x5a: {  	_ =	shalt  }
0x5b: {  	_ =	shalt  }
0x5c: {  	_ =	shalt  }
0x5d: {  	_ =	shalt  }
0x5e: {  	_ =	shalt  }
0x5f: {  	_ =	shalt  }
0x60: {  	_ =	shalt  }
0x61: {  	_ =	shalt  }
0x62: {  	_ =	shalt  }
0x63: {  	_ =	shalt  }
0x64: {  	_ =	shalt  }
0x65: {  	_ =	shalt  }
0x66: {  	_ =	shalt  }
0x67: {  	_ =	shalt  }
0x68: {  	_ =	shalt  }
0x69: {  	_ =	shalt  }
0x6a: {  	_ =	shalt  }
0x6b: {  	_ =	shalt  }
0x6c: {  	_ =	shalt  }
0x6d: {  	_ =	shalt  }
0x6e: {  	_ =	shalt  }
0x6f: {  	_ =	shalt  }
0x70: {  	_ =	shalt  }
0x71: {  	_ =	shalt  }
0x72: {  	_ =	shalt  }
0x73: {  	_ =	shalt  }
0x74: {  	_ =	shalt  }
0x75: {  	_ =	shalt  }
0x76: {  	_ =	shalt  }
0x77: {  	_ =	shalt  }
0x78: {  	_ =	shalt  }
0x79: {  	_ =	shalt  }
0x7a: {  	_ =	shalt  }
0x7b: {  	_ =	shalt  }
0x7c: {  	_ =	shalt  }
0x7d: {  	_ =	shalt  }
0x7e: {  	_ =	shalt  }
0x7f: {  	_ =	shalt  }
0x80: {  	_ =	shalt  }
0x81: {  	_ =	shalt  }
0x82: {  	_ =	shalt  }
0x83: {  	_ =	shalt  }
0x84: {  	_ =	shalt  }
0x85: {  	_ =	shalt  }
0x86: {  	_ =	shalt  }
0x87: {  	_ =	shalt  }
.Lfunc_end0:
.L_simem_size_0:
called_computation.1_lowered:
.L_overlay_start_0:
0x88: {  	s2 =	sld [smem:$0x3FD9]  }
0x89: {  	s3 =	sld [smem:$0x3FFE];
	_ =	sdelay $0x1  }
0x8a: {  	s1 =	srdreg.scid  }
0x8b: {  	s0 =	sand.u32 $0x1, s1  }
0x8c: {  	s16 =	sshll.u32 s0, $0xA;
	s2 =	sadd.s32 s3, s2  }
0x8d: {  	s2 =	sadd.s32 s2, s16  }
0x8e: {  	[smem:$0x3FBC] =	sst s2  }
0x8f: {  	_ = 	snop  }
0x90: {  	(tm) =	ssettm $0x1  }
0x91: {  	s17 =	sld [smem:$0x3FFB];
	_ =	sdelay $0x3  }
0x92: {  	_ =	strace s17  }
0x93: {  	s2 =	sld [smem:$0x3FFC];
	_ =	sdelay $0x3  }
0x94: {  	_ =	strace s2  }
0x95: {  	s2 =	sld [smem:$0x3FFD];
	_ =	sdelay $0x3  }
0x96: {  	_ =	strace s2  }
0x97: {  	_ =	strace $0x8FFFFFFF  }
0x98: {  	s18 =	sld [smem:$0x3FDB];
	_ =	sdelay $0x1  }
0x99: {  	s19 =	simm.s32 $_scs_section_size  }
0x9a: {  	s4 =	simm.s32 $_size__tile_overlayer_lowered;
	s5 =	simm.s32 $_tile_overlayer_lowered  }
0x9b: {  	s22 =	simm.s32 $0x1BFF;
	s21 =	sshll.u32 s5, $0x1;
	s2 =	sadd.s32 s19, s18  }
0x9c: {  	s6 =	simm.s32 $0x0;
	s20 =	sshll.u32 s4, $0x1;
	s4 =	sadd.s32 s21, s2  }
0x9d: {  	[timem:s6], [sflag:s22] =	dma.local [hbm:s4], s20  }
0x9e: {  	_ =	swait.ge [sflag:s22], s20  }
0x9f: {  	s3 =	ssub.s32 $0x0, s20;
	[sflag:s22] =	ssyncset.done $0x0  }
0xa0: {  	[sflag:s22] =	ssyncadd.s32 s3;
	_ =	sdelay $0x1  }
0xa1: {  	s23 =	simm.s32 $0x1B8B  }
0xa2: {  	_ =	swait.ge [sflag:s23], $0x1  }
0xa3: {  	[sflag:s23] =	ssyncset.done $0x0  }
0xa4: {  	s25 =	simm.s32 $0x1B8E;
	s24 =	sld [smem:$0x3FFE];
	[sflag:s23] =	ssyncadd.s32 $0xFFFFFFFF  }
0xa5: {  	s26 =	simm.s32 $execute0_lowered;
	[smem:$0x3FD2] =	sst s25  }
0xa6: {  	s4 =	sshll.u32 s26, $0x1;
	_ =	strace $0x80000049;
	[dreg:$0x1] =	wrdreg $0xFFFFFFFF  }
0xa7: {  	s28 =	simm.s32 $_size_execute0_lowered;
	s2 =	sadd.s32 s2, s4;
	[dreg:$0x0] =	wrdreg $0x0  }
0xa8: {  	s4 =	sshll.u32 s28, $0x1;
	[dreg:$0x2] =	wrdreg s2  }
0xa9: {  	[dreg:$0x3] =	wrdreg s4  }
0xaa: {  	[dreg:$0x4] =	wrdreg $0xC0  }
0xab: {  	_ =	task [dreg:s6], $0x5FFFF  }
0xac: {  	[dreg:$0x1] =	wrdreg $0xFFFFFFFF  }
0xad: {  	[dreg:$0x0] =	wrdreg $0x60  }
0xae: {  	[dreg:$0x2] =	wrdreg s24  }
0xaf: {  	[dreg:$0x3] =	wrdreg $0x44000  }
0xb0: {  	[dreg:$0x4] =	wrdreg $0x9  }
0xb1: {  	_ =	task.clear_ibuf [dreg:s6], $0x5FFFF;
	_ =	strace $0x90000049  }
0xb2: {  	s29 =	simm.s32 $0x9;
	_ =	strace $0x8000004B  }
0xb3: {  	_ =	swait.ge [sflag:s29], $0x1  }
0xb4: {  	[sflag:s29] =	ssyncadd.s32 $0xFFFFFFFF  }
0xb5: {  	_ =	strace $0x9000004B  }
0xb6: {  	_ =	sfence  }
0xb7: {  	s30 =	sld [smem:$0x0];
	_ =	sdelay $0x2  }
0xb8: {  	s31 =	sshll.u32 s1, $0xD;
	s1 =	sshrl.u32 s1, $0x2  }
0xb9: {  	s3 =	sand.u32 $0x4000, s31;
	s1 =	sadd.s32 s1, s30  }
0xba: {  	s0 =	sor.u32 s3, s0;
	s1 =	sshll.u32 s1, $0x11  }
0xbb: {  	s0 =	sor.u32 s1, s0  }
0xbc: {  	s0 =	sadd.s32 $0x8F2B, s0  }
0xbd: {  	[sflag:s0] =	ssyncadd.remote.s32 $0x1  }
0xbe: {  	_ =	sfence.sel $0xFFFF  }
0xbf: {  	[dreg:$0x0] =	wrdreg $0xFFFFFFFF;
	(pc) =	sbr.abs _section_cstart, $3  }
0xc0: {  	[dreg:$0x1] =	wrdreg $0xFFFFFFFF  }
0xc1: {  	_ =	task.clear_ibuf [dreg:s6], $0x2FFFF;
	_ =	strace $0x9FFFFFFF  }
0xc2: {  	(tm) =	ssettm $0x7FFFFFFF  }
0xc3: {  	_ =	shalt  }
tec
execute0_lowered:
.L_overlay_start_1:
0x0: {  	(tag) =	ssettag $0x1  }
0x1: {  	s0 =	rddreg [dreg:$0x0]  }
0x2: {  	s2 =	rddreg [dreg:$0x1];
	s3 =	simm.s32 $0x0;
	s8 =	stileid.u32  }
0x3: {  	s7 =	srdreg.scid;
	s16 =	simm.s32 $0x200;
	s17 =	simm.s32 $0x80  }
0x4: {  	s18 =	simm.s32 $0x400;
	s19 =	simm.s32 $0x1400;
	s20 =	simm.s32 $0x100  }
0x5: {  	s21 =	simm.s32 $0x2400;
	s22 =	simm.s32 $0x180;
	s23 =	simm.s32 $0x3400  }
0x6: {  	s28 =	simm.s32 $0x300;
	s29 =	simm.s32 $0x380;
	s1 =	smul.u32 $0x1880, s8  }
0x7: {  	s30 =	simm.s32 $0x0;
	s4 =	sadd.s32 $0x143C00, s0;
	s5 =	sadd.s32 $0x112E00, s0  }
0x8: {  	[smem:$0x7FF] =	sst s3;
	s6 =	sadd.s32 $0x174A00, s0;
	s10 =	smul.u32 $0x61B00, s8  }
0x9: {  	s14 =	sand.u32 $0x1, s7;
	s24 =	sadd.s32 $0x33C00, s0;
	s11 =	smul.u32 $0x186A0, s8  }
0xa: {  	s31 =	sshll.u32 s8, $0x6;
	_ =	strace $0x8000004A;
	[dreg:$0x3] =	wrdreg s24  }
0xb: {  	s9 =	ssub.s32 $0x2, s14;
	p0 =	sne.s32 s14, $0x0;
	s24 =	simm.s32 $0x1  }
0xc: {  	s1 =	sadd.s32 s1, s0;
	s0 =	sadd.s32 $0x2E00, s0;
	s25 =	sshrl.u32 s9, $0x1  }
.Ltmp0:
0xd: {  	s26 =	sshrl.u32 s10, $0x2;
	s10 =	sshrl.u32 s11, $0x3;
	(pc) =	sbr.rel .LBB2_1-.Ltmp0, $4  }
0xe: {  	[dreg:$0x4] =	wrdreg s0;
	s0 =	ssub.s32 s9, s25;
	s15 =	sadd.s32 s26, s2  }
0xf: {  	s9 =	sor.u32 $0x1C02, s31;
	s25 =	sadd.s32 s11, s2;
	s12 =	sadd.s32 $0xFA600, s1  }
0x10: {  	s13 =	sadd.s32 $0x17E200, s1;
	s26 =	simm.s32 $0x280;
	s11 =	smax.u32 s0, $0x1  }
0x11: {  	s14 =	sshrl.u32 s15, $0x3;
	s15 =	simm.s32 $0x2;
	s25 =	sshrl.u32 s25, $0x3  }
.LBB2_7:
0x12: {  	s0 =	sadd.s32 s31, s13;
	[sflag:s15] =	ssyncadd.s32 $0xFFFFF000  }
0x13: {  	[tilespmem:s3], [sflag:$0x2] =	stream.linear.gather [hbm4b:s0+s3], $0x200, $0x38;
	[tilespmem:$0x1CAC0] =	vst v63  }
0x14: {  	_ =	swait.ge [sflag:s15], $0x200  }
0x15: {  	[sflag:s15] =	ssyncset.done $0x0  }
0x16: {  	s31 =	sadd.s32 s31, s12;
	[sflag:s15] =	ssyncadd.s32 $0xFFFFFE00  }
0x17: {  	[tilespmem:s16], [sflag:$0x2] =	stream.linear.gather [hbm4b:s31+s3], $0x200, $0x38;
	[tilespmem:$0x1CAC0] =	vst v63  }
0x18: {  	_ =	swait.ge [sflag:s15], $0x200  }
0x19: {  	[sflag:s15] =	ssyncset.done $0x0  }
0x1a: {  	[sflag:s15] =	ssyncadd.s32 $0xFFFFFE00  }
0x1b: {  	[tilespmem:s18], [sflag:$0x1] =	stream.indirect.gather [hbm4b:s5+s17], $0x20, s3, s17, $0xb8;
	[tilespmem:$0x1CAC0] =	vst v63  }
0x1c: {  	_ = 	snop  }
0x1d: {  	[tilespmem:s19], [sflag:$0x1] =	stream.indirect.gather [hbm4b:s5+s17], $0x20, s17, s17, $0xb8;
	[tilespmem:$0x1CAC0] =	vst v63  }
0x1e: {  	_ = 	snop  }
0x1f: {  	[tilespmem:s21], [sflag:$0x1] =	stream.indirect.gather [hbm4b:s5+s17], $0x20, s20, s17, $0xb8;
	[tilespmem:$0x1CAC0] =	vst v63  }
0x20: {  	_ = 	snop  }
0x21: {  	[tilespmem:s23], [sflag:$0x1] =	stream.indirect.gather [hbm4b:s5+s17], $0x20, s22, s17, $0xb8;
	[tilespmem:$0x1CAC0] =	vst v63  }
0x22: {  	_ =	swait.ge [sflag:s24], $0x1000  }
0x23: {  	[sflag:s24] =	ssyncset.done $0x0  }
0x24: {  	[sflag:s24] =	ssyncadd.s32 $0xFFFFF000  }
0x25: {  	_ =	swait.ge [sflag:s24], $0x1000  }
0x26: {  	[sflag:s24] =	ssyncset.done $0x0  }
0x27: {  	[sflag:s24] =	ssyncadd.s32 $0xFFFFF000  }
0x28: {  	_ =	swait.ge [sflag:s24], $0x1000  }
0x29: {  	[sflag:s24] =	ssyncset.done $0x0  }
0x2a: {  	[sflag:s24] =	ssyncadd.s32 $0xFFFFF000  }
0x2b: {  	_ =	swait.ge [sflag:s24], $0x1000  }
0x2c: {  	[sflag:s24] =	ssyncset.done $0x0  }
0x2d: {  	[sflag:s24] =	ssyncadd.s32 $0xFFFFF000  }
0x2e: {  	[spmem:s2] =	stream.indirect.scatter.add.f32 [tilespmem:s18], [sflag:$0x2], $0x20, s16, s17, $0xb8;
	[tilespmem:$0x1CAC0] =	vst v63  }
0x2f: {  	_ =	swait.ge [sflag:s15], $0x1000  }
0x30: {  	[sflag:s15] =	ssyncset.done $0x0  }
0x31: {  	[sflag:s15] =	ssyncadd.s32 $0xFFFFF000  }
0x32: {  	[spmem:s2] =	stream.indirect.scatter.add.f32 [tilespmem:s19], [sflag:$0x2], $0x20, s26, s17, $0xb8;
	[tilespmem:$0x1CAC0] =	vst v63  }
0x33: {  	_ =	swait.ge [sflag:s15], $0x1000  }
0x34: {  	[sflag:s15] =	ssyncset.done $0x0  }
0x35: {  	[sflag:s15] =	ssyncadd.s32 $0xFFFFF000  }
0x36: {  	[spmem:s2] =	stream.indirect.scatter.add.f32 [tilespmem:s21], [sflag:$0x2], $0x20, s28, s17, $0xb8;
	[tilespmem:$0x1CAC0] =	vst v63  }
0x37: {  	_ =	swait.ge [sflag:s15], $0x1000  }
0x38: {  	[sflag:s15] =	ssyncset.done $0x0  }
0x39: {  	[sflag:s15] =	ssyncadd.s32 $0xFFFFF000  }
0x3a: {  	[spmem:s2] =	stream.indirect.scatter.add.f32 [tilespmem:s23], [sflag:$0x2], $0x20, s29, s17, $0xb8;
	[tilespmem:$0x1CAC0] =	vst v63  }
0x3b: {  	_ =	swait.ge [sflag:s15], $0x1000  }
0x3c: {  	[sflag:s15] =	ssyncset.done $0x0  }
0x3d: {  	s0 =	rddreg [dreg:$0x4];
	[sflag:s15] =	ssyncadd.s32 $0xFFFFF000  }
.LBB2_8:
0x3e: {  	s30 =	sadd.s32 $0x1, s30  }
0x3f: {  	p1 =	sne.s32 s30, s11  }
.Ltmp1:
0x40: {  	s0 =	sadd.s32 s0, s10;
	[bflag:$0x0] =	sbarrier.arrive $0xFFFF;
	(pc) =	sbr.rel @!p1 .LBB2_9-.Ltmp1, $4  }
0x41: {  	[hbm:s0], [sflag:s9] =	dma.local [spmem:s25], $0x30D4  }
0x42: {  	_ =	swait.ge [sflag:s15], $0x30D4  }
0x43: {  	[sflag:s15] =	ssyncset.done $0x0  }
0x44: {  	[sflag:s15] =	ssyncadd.s32 $0xFFFFCF2C  }
.LBB2_1:
0x45: {  	[spmem:s14], [sflag:s9] =	dma.local [hbm:s6], $0x30D8  }
.Ltmp2:
0x46: {  	_ =	swait.ge [sflag:s15], $0x30D8;
	(pc) =	sbr.rel @p0 .LBB2_5-.Ltmp2, $4  }
0x47: {  	[sflag:s15] =	ssyncset.done $0x0  }
0x48: {  	[sflag:s15] =	ssyncadd.s32 $0xFFFFCF28  }
0x49: {  	[bflag:$0x0] =	sbarrier.arrive $0xFFFF  }
0x4a: {  	s0 =	sadd.s32 $0x0, s13  }
0x4b: {  	[tilespmem:s3], [sflag:$0x2] =	stream.linear.gather [hbm4b:s0+s3], $0x200, $0x38;
	[tilespmem:$0x1CAC0] =	vst v63  }
0x4c: {  	_ =	swait.ge [sflag:s15], $0x200  }
0x4d: {  	[sflag:s15] =	ssyncset.done $0x0  }
0x4e: {  	s8 =	sadd.s32 $0x0, s12;
	[sflag:s15] =	ssyncadd.s32 $0xFFFFFE00  }
0x4f: {  	[tilespmem:s16], [sflag:$0x2] =	stream.linear.gather [hbm4b:s8+s3], $0x200, $0x38;
	[tilespmem:$0x1CAC0] =	vst v63  }
0x50: {  	_ =	swait.ge [sflag:s15], $0x200  }
0x51: {  	[sflag:s15] =	ssyncset.done $0x0  }
0x52: {  	[sflag:s15] =	ssyncadd.s32 $0xFFFFFE00  }
0x53: {  	[tilespmem:s18], [sflag:$0x1] =	stream.indirect.gather [hbm4b:s4+s17], $0x20, s3, s17, $0xb8;
	[tilespmem:$0x1CAC0] =	vst v63  }
0x54: {  	_ = 	snop  }
0x55: {  	[tilespmem:s19], [sflag:$0x1] =	stream.indirect.gather [hbm4b:s4+s17], $0x20, s17, s17, $0xb8;
	[tilespmem:$0x1CAC0] =	vst v63  }
0x56: {  	_ = 	snop  }
0x57: {  	[tilespmem:s21], [sflag:$0x1] =	stream.indirect.gather [hbm4b:s4+s17], $0x20, s20, s17, $0xb8;
	[tilespmem:$0x1CAC0] =	vst v63  }
0x58: {  	_ = 	snop  }
0x59: {  	[tilespmem:s23], [sflag:$0x1] =	stream.indirect.gather [hbm4b:s4+s17], $0x20, s22, s17, $0xb8;
	[tilespmem:$0x1CAC0] =	vst v63  }
0x5a: {  	_ =	swait.ge [sflag:s24], $0x1000  }
0x5b: {  	[sflag:s24] =	ssyncset.done $0x0  }
0x5c: {  	[sflag:s24] =	ssyncadd.s32 $0xFFFFF000  }
0x5d: {  	_ =	swait.ge [sflag:s24], $0x1000  }
0x5e: {  	[sflag:s24] =	ssyncset.done $0x0  }
0x5f: {  	[sflag:s24] =	ssyncadd.s32 $0xFFFFF000  }
0x60: {  	_ =	swait.ge [sflag:s24], $0x1000  }
0x61: {  	[sflag:s24] =	ssyncset.done $0x0  }
0x62: {  	[sflag:s24] =	ssyncadd.s32 $0xFFFFF000  }
0x63: {  	_ =	swait.ge [sflag:s24], $0x1000  }
0x64: {  	[sflag:s24] =	ssyncset.done $0x0  }
0x65: {  	[sflag:s24] =	ssyncadd.s32 $0xFFFFF000  }
0x66: {  	[spmem:s2] =	stream.indirect.scatter.add.f32 [tilespmem:s18], [sflag:$0x2], $0x20, s16, s17, $0xb8;
	[tilespmem:$0x1CAC0] =	vst v63  }
0x67: {  	_ =	swait.ge [sflag:s15], $0x1000  }
0x68: {  	[sflag:s15] =	ssyncset.done $0x0  }
0x69: {  	[sflag:s15] =	ssyncadd.s32 $0xFFFFF000  }
0x6a: {  	[spmem:s2] =	stream.indirect.scatter.add.f32 [tilespmem:s19], [sflag:$0x2], $0x20, s26, s17, $0xb8;
	[tilespmem:$0x1CAC0] =	vst v63  }
0x6b: {  	_ =	swait.ge [sflag:s15], $0x1000  }
0x6c: {  	[sflag:s15] =	ssyncset.done $0x0  }
0x6d: {  	[sflag:s15] =	ssyncadd.s32 $0xFFFFF000  }
0x6e: {  	[spmem:s2] =	stream.indirect.scatter.add.f32 [tilespmem:s21], [sflag:$0x2], $0x20, s28, s17, $0xb8;
	[tilespmem:$0x1CAC0] =	vst v63  }
0x6f: {  	_ =	swait.ge [sflag:s15], $0x1000  }
0x70: {  	[sflag:s15] =	ssyncset.done $0x0  }
0x71: {  	[sflag:s15] =	ssyncadd.s32 $0xFFFFF000  }
0x72: {  	[spmem:s2] =	stream.indirect.scatter.add.f32 [tilespmem:s23], [sflag:$0x2], $0x20, s29, s17, $0xb8;
	[tilespmem:$0x1CAC0] =	vst v63  }
0x73: {  	_ =	swait.ge [sflag:s15], $0x1000  }
0x74: {  	s31 =	simm.s32 $0x40;
	s0 =	simm.s32 $0x80;
	[sflag:s15] =	ssyncset.done $0x0  }
.LBB2_3:
0x75: {  	s7 =	sadd.s32 s31, s13  }
0x76: {  	[sflag:s15] =	ssyncadd.s32 $0xFFFFF000;
	s8 =	smov.u32 s0;
	s1 =	sadd.s32 $0x40, s0  }
0x77: {  	[tilespmem:s3], [sflag:$0x2] =	stream.linear.gather [hbm4b:s7+s3], $0x200, $0x38;
	[tilespmem:$0x1CAC0] =	vst v63  }
0x78: {  	p1 =	seq.s32 s0, $0x1840;
	_ =	swait.ge [sflag:s15], $0x200  }
0x79: {  	[sflag:s15] =	ssyncset.done $0x0  }
0x7a: {  	s0 =	sadd.s32 s31, s12;
	s31 =	smov.u32 s8;
	[sflag:s15] =	ssyncadd.s32 $0xFFFFFE00  }
0x7b: {  	[tilespmem:s16], [sflag:$0x2] =	stream.linear.gather [hbm4b:s0+s3], $0x200, $0x38;
	[tilespmem:$0x1CAC0] =	vst v63  }
0x7c: {  	_ =	swait.ge [sflag:s15], $0x200  }
0x7d: {  	[sflag:s15] =	ssyncset.done $0x0  }
0x7e: {  	[sflag:s15] =	ssyncadd.s32 $0xFFFFFE00  }
0x7f: {  	[tilespmem:s18], [sflag:$0x1] =	stream.indirect.gather [hbm4b:s4+s17], $0x20, s3, s17, $0xb8;
	[tilespmem:$0x1CAC0] =	vst v63  }
0x80: {  	_ = 	snop  }
0x81: {  	[tilespmem:s19], [sflag:$0x1] =	stream.indirect.gather [hbm4b:s4+s17], $0x20, s17, s17, $0xb8;
	[tilespmem:$0x1CAC0] =	vst v63  }
0x82: {  	_ = 	snop  }
0x83: {  	[tilespmem:s21], [sflag:$0x1] =	stream.indirect.gather [hbm4b:s4+s17], $0x20, s20, s17, $0xb8;
	[tilespmem:$0x1CAC0] =	vst v63  }
0x84: {  	_ = 	snop  }
0x85: {  	[tilespmem:s23], [sflag:$0x1] =	stream.indirect.gather [hbm4b:s4+s17], $0x20, s22, s17, $0xb8;
	[tilespmem:$0x1CAC0] =	vst v63  }
0x86: {  	_ =	swait.ge [sflag:s24], $0x1000  }
0x87: {  	[sflag:s24] =	ssyncset.done $0x0  }
0x88: {  	[sflag:s24] =	ssyncadd.s32 $0xFFFFF000  }
0x89: {  	_ =	swait.ge [sflag:s24], $0x1000  }
0x8a: {  	[sflag:s24] =	ssyncset.done $0x0  }
0x8b: {  	[sflag:s24] =	ssyncadd.s32 $0xFFFFF000  }
0x8c: {  	_ =	swait.ge [sflag:s24], $0x1000  }
0x8d: {  	[sflag:s24] =	ssyncset.done $0x0  }
0x8e: {  	[sflag:s24] =	ssyncadd.s32 $0xFFFFF000  }
0x8f: {  	_ =	swait.ge [sflag:s24], $0x1000  }
0x90: {  	[sflag:s24] =	ssyncset.done $0x0  }
0x91: {  	[sflag:s24] =	ssyncadd.s32 $0xFFFFF000  }
0x92: {  	[spmem:s2] =	stream.indirect.scatter.add.f32 [tilespmem:s18], [sflag:$0x2], $0x20, s16, s17, $0xb8;
	[tilespmem:$0x1CAC0] =	vst v63  }
0x93: {  	_ =	swait.ge [sflag:s15], $0x1000  }
0x94: {  	[sflag:s15] =	ssyncset.done $0x0  }
0x95: {  	[sflag:s15] =	ssyncadd.s32 $0xFFFFF000  }
0x96: {  	[spmem:s2] =	stream.indirect.scatter.add.f32 [tilespmem:s19], [sflag:$0x2], $0x20, s26, s17, $0xb8;
	[tilespmem:$0x1CAC0] =	vst v63  }
0x97: {  	_ =	swait.ge [sflag:s15], $0x1000  }
0x98: {  	[sflag:s15] =	ssyncset.done $0x0  }
0x99: {  	[sflag:s15] =	ssyncadd.s32 $0xFFFFF000  }
0x9a: {  	[spmem:s2] =	stream.indirect.scatter.add.f32 [tilespmem:s21], [sflag:$0x2], $0x20, s28, s17, $0xb8;
	[tilespmem:$0x1CAC0] =	vst v63  }
0x9b: {  	_ =	swait.ge [sflag:s15], $0x1000  }
.Ltmp3:
0x9c: {  	[sflag:s15] =	ssyncset.done $0x0;
	(pc) =	sbr.rel @!p1 .LBB2_3-.Ltmp3, $4  }
0x9d: {  	[sflag:s15] =	ssyncadd.s32 $0xFFFFF000  }
0x9e: {  	[spmem:s2] =	stream.indirect.scatter.add.f32 [tilespmem:s23], [sflag:$0x2], $0x20, s29, s17, $0xb8;
	[tilespmem:$0x1CAC0] =	vst v63  }
0x9f: {  	_ =	swait.ge [sflag:s15], $0x1000  }
0xa0: {  	s0 =	smov.u32 s1;
	[sflag:s15] =	ssyncset.done $0x0  }
0xa1: {  	s0 =	sadd.s32 s31, s13;
	[sflag:s15] =	ssyncadd.s32 $0xFFFFF000  }
0xa2: {  	[tilespmem:s3], [sflag:$0x2] =	stream.linear.gather [hbm4b:s0+s3], $0x200, $0x38;
	[tilespmem:$0x1CAC0] =	vst v63  }
0xa3: {  	_ =	swait.ge [sflag:s15], $0x200  }
0xa4: {  	[sflag:s15] =	ssyncset.done $0x0  }
0xa5: {  	s31 =	sadd.s32 s31, s12;
	[sflag:s15] =	ssyncadd.s32 $0xFFFFFE00  }
0xa6: {  	[tilespmem:s16], [sflag:$0x2] =	stream.linear.gather [hbm4b:s31+s3], $0x200, $0x38;
	[tilespmem:$0x1CAC0] =	vst v63  }
0xa7: {  	_ =	swait.ge [sflag:s15], $0x200  }
0xa8: {  	[sflag:s15] =	ssyncset.done $0x0  }
0xa9: {  	[sflag:s15] =	ssyncadd.s32 $0xFFFFFE00  }
0xaa: {  	[tilespmem:s18], [sflag:$0x1] =	stream.indirect.gather [hbm4b:s4+s17], $0x20, s3, s17, $0xb8;
	[tilespmem:$0x1CAC0] =	vst v63  }
0xab: {  	_ = 	snop  }
0xac: {  	[tilespmem:s19], [sflag:$0x1] =	stream.indirect.gather [hbm4b:s4+s17], $0x20, s17, s17, $0xb8;
	[tilespmem:$0x1CAC0] =	vst v63  }
0xad: {  	_ = 	snop  }
0xae: {  	[tilespmem:s21], [sflag:$0x1] =	stream.indirect.gather [hbm4b:s4+s17], $0x20, s20, s17, $0xb8;
	[tilespmem:$0x1CAC0] =	vst v63  }
0xaf: {  	_ = 	snop  }
0xb0: {  	[tilespmem:s23], [sflag:$0x1] =	stream.indirect.gather [hbm4b:s4+s17], $0x20, s22, s17, $0xb8;
	[tilespmem:$0x1CAC0] =	vst v63  }
0xb1: {  	_ =	swait.ge [sflag:s24], $0x1000  }
0xb2: {  	[sflag:s24] =	ssyncset.done $0x0  }
0xb3: {  	[sflag:s24] =	ssyncadd.s32 $0xFFFFF000  }
0xb4: {  	_ =	swait.ge [sflag:s24], $0x1000  }
0xb5: {  	[sflag:s24] =	ssyncset.done $0x0  }
0xb6: {  	[sflag:s24] =	ssyncadd.s32 $0xFFFFF000  }
0xb7: {  	_ =	swait.ge [sflag:s24], $0x1000  }
0xb8: {  	[sflag:s24] =	ssyncset.done $0x0  }
0xb9: {  	[sflag:s24] =	ssyncadd.s32 $0xFFFFF000  }
0xba: {  	_ =	swait.ge [sflag:s24], $0x1000  }
0xbb: {  	[sflag:s24] =	ssyncset.done $0x0  }
0xbc: {  	[sflag:s24] =	ssyncadd.s32 $0xFFFFF000  }
0xbd: {  	[spmem:s2] =	stream.indirect.scatter.add.f32 [tilespmem:s18], [sflag:$0x2], $0x20, s16, s17, $0xb8;
	[tilespmem:$0x1CAC0] =	vst v63  }
0xbe: {  	_ =	swait.ge [sflag:s15], $0x1000  }
0xbf: {  	[sflag:s15] =	ssyncset.done $0x0  }
0xc0: {  	[sflag:s15] =	ssyncadd.s32 $0xFFFFF000  }
0xc1: {  	[spmem:s2] =	stream.indirect.scatter.add.f32 [tilespmem:s19], [sflag:$0x2], $0x20, s26, s17, $0xb8;
	[tilespmem:$0x1CAC0] =	vst v63  }
0xc2: {  	_ =	swait.ge [sflag:s15], $0x1000  }
0xc3: {  	[sflag:s15] =	ssyncset.done $0x0  }
0xc4: {  	[sflag:s15] =	ssyncadd.s32 $0xFFFFF000  }
0xc5: {  	[spmem:s2] =	stream.indirect.scatter.add.f32 [tilespmem:s21], [sflag:$0x2], $0x20, s28, s17, $0xb8;
	[tilespmem:$0x1CAC0] =	vst v63  }
0xc6: {  	_ =	swait.ge [sflag:s15], $0x1000  }
0xc7: {  	[sflag:s15] =	ssyncset.done $0x0  }
.Ltmp4:
0xc8: {  	[sflag:s15] =	ssyncadd.s32 $0xFFFFF000;
	(pc) =	sbr.rel .LBB2_8-.Ltmp4, $4  }
0xc9: {  	[spmem:s2] =	stream.indirect.scatter.add.f32 [tilespmem:s23], [sflag:$0x2], $0x20, s29, s17, $0xb8;
	[tilespmem:$0x1CAC0] =	vst v63  }
0xca: {  	_ =	swait.ge [sflag:s15], $0x1000  }
0xcb: {  	[sflag:s15] =	ssyncset.done $0x0  }
0xcc: {  	s0 =	rddreg [dreg:$0x3];
	[sflag:s15] =	ssyncadd.s32 $0xFFFFF000  }
.LBB2_5:
0xcd: {  	[tilespmem:s3], [sflag:$0x2] =	stream.linear.gather [hbm4b:s0+s3], $0x200, $0x38;
	[tilespmem:$0x1CAC0] =	vst v63  }
0xce: {  	_ =	swait.ge [sflag:s15], $0x200  }
0xcf: {  	[sflag:s15] =	ssyncset.done $0x0  }
0xd0: {  	s8 =	sadd.s32 $0x0, s12;
	[sflag:s15] =	ssyncadd.s32 $0xFFFFFE00  }
0xd1: {  	[tilespmem:s16], [sflag:$0x2] =	stream.linear.gather [hbm4b:s8+s3], $0x200, $0x38;
	[tilespmem:$0x1CAC0] =	vst v63  }
0xd2: {  	_ =	swait.ge [sflag:s15], $0x200  }
0xd3: {  	[sflag:s15] =	ssyncset.done $0x0  }
0xd4: {  	[sflag:s15] =	ssyncadd.s32 $0xFFFFFE00  }
0xd5: {  	[tilespmem:s18], [sflag:$0x1] =	stream.indirect.gather [hbm4b:s5+s17], $0x20, s3, s17, $0xb8;
	[tilespmem:$0x1CAC0] =	vst v63  }
0xd6: {  	_ = 	snop  }
0xd7: {  	[tilespmem:s19], [sflag:$0x1] =	stream.indirect.gather [hbm4b:s5+s17], $0x20, s17, s17, $0xb8;
	[tilespmem:$0x1CAC0] =	vst v63  }
0xd8: {  	_ = 	snop  }
0xd9: {  	[tilespmem:s21], [sflag:$0x1] =	stream.indirect.gather [hbm4b:s5+s17], $0x20, s20, s17, $0xb8;
	[tilespmem:$0x1CAC0] =	vst v63  }
0xda: {  	_ = 	snop  }
0xdb: {  	[tilespmem:s23], [sflag:$0x1] =	stream.indirect.gather [hbm4b:s5+s17], $0x20, s22, s17, $0xb8;
	[tilespmem:$0x1CAC0] =	vst v63  }
0xdc: {  	_ =	swait.ge [sflag:s24], $0x1000  }
0xdd: {  	[sflag:s24] =	ssyncset.done $0x0  }
0xde: {  	[sflag:s24] =	ssyncadd.s32 $0xFFFFF000  }
0xdf: {  	_ =	swait.ge [sflag:s24], $0x1000  }
0xe0: {  	[sflag:s24] =	ssyncset.done $0x0  }
0xe1: {  	[sflag:s24] =	ssyncadd.s32 $0xFFFFF000  }
0xe2: {  	_ =	swait.ge [sflag:s24], $0x1000  }
0xe3: {  	[sflag:s24] =	ssyncset.done $0x0  }
0xe4: {  	[sflag:s24] =	ssyncadd.s32 $0xFFFFF000  }
0xe5: {  	_ =	swait.ge [sflag:s24], $0x1000  }
0xe6: {  	[sflag:s24] =	ssyncset.done $0x0  }
0xe7: {  	[sflag:s24] =	ssyncadd.s32 $0xFFFFF000  }
0xe8: {  	[spmem:s2] =	stream.indirect.scatter.add.f32 [tilespmem:s18], [sflag:$0x2], $0x20, s16, s17, $0xb8;
	[tilespmem:$0x1CAC0] =	vst v63  }
0xe9: {  	_ =	swait.ge [sflag:s15], $0x1000  }
0xea: {  	[sflag:s15] =	ssyncset.done $0x0  }
0xeb: {  	[sflag:s15] =	ssyncadd.s32 $0xFFFFF000  }
0xec: {  	[spmem:s2] =	stream.indirect.scatter.add.f32 [tilespmem:s19], [sflag:$0x2], $0x20, s26, s17, $0xb8;
	[tilespmem:$0x1CAC0] =	vst v63  }
0xed: {  	_ =	swait.ge [sflag:s15], $0x1000  }
0xee: {  	[sflag:s15] =	ssyncset.done $0x0  }
0xef: {  	[sflag:s15] =	ssyncadd.s32 $0xFFFFF000  }
0xf0: {  	[spmem:s2] =	stream.indirect.scatter.add.f32 [tilespmem:s21], [sflag:$0x2], $0x20, s28, s17, $0xb8;
	[tilespmem:$0x1CAC0] =	vst v63  }
0xf1: {  	_ =	swait.ge [sflag:s15], $0x1000  }
0xf2: {  	[sflag:s15] =	ssyncset.done $0x0  }
0xf3: {  	[sflag:s15] =	ssyncadd.s32 $0xFFFFF000  }
0xf4: {  	[spmem:s2] =	stream.indirect.scatter.add.f32 [tilespmem:s23], [sflag:$0x2], $0x20, s29, s17, $0xb8;
	[tilespmem:$0x1CAC0] =	vst v63  }
0xf5: {  	_ =	swait.ge [sflag:s15], $0x1000  }
0xf6: {  	s31 =	simm.s32 $0x40;
	s1 =	simm.s32 $0x80;
	[sflag:s15] =	ssyncset.done $0x0  }
.LBB2_6:
0xf7: {  	s7 =	sadd.s32 s31, s13  }
0xf8: {  	[sflag:s15] =	ssyncadd.s32 $0xFFFFF000;
	s8 =	smov.u32 s1;
	s0 =	sadd.s32 $0x40, s1  }
0xf9: {  	[tilespmem:s3], [sflag:$0x2] =	stream.linear.gather [hbm4b:s7+s3], $0x200, $0x38;
	[tilespmem:$0x1CAC0] =	vst v63  }
0xfa: {  	p1 =	sne.s32 s1, $0x1840;
	_ =	swait.ge [sflag:s15], $0x200  }
0xfb: {  	[sflag:s15] =	ssyncset.done $0x0  }
0xfc: {  	s1 =	sadd.s32 s31, s12;
	s31 =	smov.u32 s8;
	[sflag:s15] =	ssyncadd.s32 $0xFFFFFE00  }
0xfd: {  	[tilespmem:s16], [sflag:$0x2] =	stream.linear.gather [hbm4b:s1+s3], $0x200, $0x38;
	[tilespmem:$0x1CAC0] =	vst v63  }
0xfe: {  	_ =	swait.ge [sflag:s15], $0x200  }
0xff: {  	[sflag:s15] =	ssyncset.done $0x0  }
0x100: {  	[sflag:s15] =	ssyncadd.s32 $0xFFFFFE00  }
0x101: {  	[tilespmem:s18], [sflag:$0x1] =	stream.indirect.gather [hbm4b:s5+s17], $0x20, s3, s17, $0xb8;
	[tilespmem:$0x1CAC0] =	vst v63  }
0x102: {  	_ = 	snop  }
0x103: {  	[tilespmem:s19], [sflag:$0x1] =	stream.indirect.gather [hbm4b:s5+s17], $0x20, s17, s17, $0xb8;
	[tilespmem:$0x1CAC0] =	vst v63  }
0x104: {  	_ = 	snop  }
0x105: {  	[tilespmem:s21], [sflag:$0x1] =	stream.indirect.gather [hbm4b:s5+s17], $0x20, s20, s17, $0xb8;
	[tilespmem:$0x1CAC0] =	vst v63  }
0x106: {  	_ = 	snop  }
0x107: {  	[tilespmem:s23], [sflag:$0x1] =	stream.indirect.gather [hbm4b:s5+s17], $0x20, s22, s17, $0xb8;
	[tilespmem:$0x1CAC0] =	vst v63  }
0x108: {  	_ =	swait.ge [sflag:s24], $0x1000  }
0x109: {  	[sflag:s24] =	ssyncset.done $0x0  }
0x10a: {  	[sflag:s24] =	ssyncadd.s32 $0xFFFFF000  }
0x10b: {  	_ =	swait.ge [sflag:s24], $0x1000  }
0x10c: {  	[sflag:s24] =	ssyncset.done $0x0  }
0x10d: {  	[sflag:s24] =	ssyncadd.s32 $0xFFFFF000  }
0x10e: {  	_ =	swait.ge [sflag:s24], $0x1000  }
0x10f: {  	[sflag:s24] =	ssyncset.done $0x0  }
0x110: {  	[sflag:s24] =	ssyncadd.s32 $0xFFFFF000  }
0x111: {  	_ =	swait.ge [sflag:s24], $0x1000  }
0x112: {  	[sflag:s24] =	ssyncset.done $0x0  }
0x113: {  	[sflag:s24] =	ssyncadd.s32 $0xFFFFF000  }
0x114: {  	[spmem:s2] =	stream.indirect.scatter.add.f32 [tilespmem:s18], [sflag:$0x2], $0x20, s16, s17, $0xb8;
	[tilespmem:$0x1CAC0] =	vst v63  }
0x115: {  	_ =	swait.ge [sflag:s15], $0x1000  }
0x116: {  	[sflag:s15] =	ssyncset.done $0x0  }
0x117: {  	[sflag:s15] =	ssyncadd.s32 $0xFFFFF000  }
0x118: {  	[spmem:s2] =	stream.indirect.scatter.add.f32 [tilespmem:s19], [sflag:$0x2], $0x20, s26, s17, $0xb8;
	[tilespmem:$0x1CAC0] =	vst v63  }
0x119: {  	_ =	swait.ge [sflag:s15], $0x1000  }
0x11a: {  	[sflag:s15] =	ssyncset.done $0x0  }
0x11b: {  	[sflag:s15] =	ssyncadd.s32 $0xFFFFF000  }
0x11c: {  	[spmem:s2] =	stream.indirect.scatter.add.f32 [tilespmem:s21], [sflag:$0x2], $0x20, s28, s17, $0xb8;
	[tilespmem:$0x1CAC0] =	vst v63  }
0x11d: {  	_ =	swait.ge [sflag:s15], $0x1000  }
.Ltmp5:
0x11e: {  	[sflag:s15] =	ssyncset.done $0x0;
	(pc) =	sbr.rel @p1 .LBB2_6-.Ltmp5, $4  }
0x11f: {  	[sflag:s15] =	ssyncadd.s32 $0xFFFFF000  }
0x120: {  	[spmem:s2] =	stream.indirect.scatter.add.f32 [tilespmem:s23], [sflag:$0x2], $0x20, s29, s17, $0xb8;
	[tilespmem:$0x1CAC0] =	vst v63  }
0x121: {  	_ =	swait.ge [sflag:s15], $0x1000  }
0x122: {  	s1 =	smov.u32 s0;
	[sflag:s15] =	ssyncset.done $0x0  }
.Ltmp6:
0x123: {  	_ = 	snop;
	(pc) =	sbr.rel .LBB2_7-.Ltmp6, $1  }
0x124: {  	_ =	sdelay $0x3  }
.LBB2_9:
0x125: {  	_ =	sfence.sel $0x180000  }
0x126: {  	[bflag:$0x0] =	sbarrier.arrive $0xFFFF  }
0x127: {  	_ =	strace $0x9000004A  }
0x128: {  	s0 =	stileid.u32;
	[bflag:$0x2] =	sbarrier.arrive $0xFFFF  }
0x129: {  	p0 =	sne.s32 s0, $0x0;
	s0 =	rddreg [dreg:$0x2]  }
0x12a: {  	s0 =	sadd.s32 @!p0 $0x100000, s0  }
0x12b: {  	[sflag:s0] =	ssyncadd.tile.s32 @!p0 $0x1;
	_ =	shalt  }
.Lfunc_end2:
_tile_overlayer_lowered:
.L_overlay_start_2:
0x12c: {  	(tag) =	ssettag $0x2  }
0x12d: {  	s0 =	rddreg [dreg:$0x0];
	s2 =	stileid.u32  }
0x12e: {  	s1 =	rddreg [dreg:$0x1];
	p0 =	sne.s32 s2, $0x0  }
0x12f: {  	s3 =	rddreg [dreg:$0x2];
	[bflag:$0x3] =	sbarrier.arrive $0xFFFF;
	s2 =	simm.s32 @!p0 $0x1C02  }
0x130: {  	[timem:s3], [sflag:s2] =	dma.local @!p0 [hbm:s0], s1  }
0x131: {  	s0 =	simm.s32 @!p0 $0x2  }
0x132: {  	_ =	swait.ge @!p0 [sflag:s0], s1  }
0x133: {  	s1 =	ssub.s32 @!p0 $0x0, s1;
	[sflag:s0] =	ssyncset.done @!p0 $0x0  }
0x134: {  	[sflag:s0] =	ssyncadd.s32 @!p0 s1  }
0x135: {  	[bflag:$0x3] =	sbarrier.arrive $0xFFFF  }
0x136: {  	_ =	shalt  }

// kernel: kernel.14.cloned.1.call-start
scs
__scs_entry_jumppad:
0x0: {  	(pc) =	sbr.rel $0x88, $3  }
0x1: {  	(tag) =	ssettag $0x0;
	lr =	simm.s32 $0x1  }
0x2: {  	[smem:$0x3F95] =	sst lr;
	_ =	strace $0xD0000000  }
0x3: {  	_ = 	snop  }
0x4: {  	_ = 	snop  }
0x5: {  	_ = 	snop  }
0x6: {  	_ = 	snop  }
0x7: {  	_ = 	snop  }
__scs_overlays_trampoline_lowered:
0x8: {  	[smem:$0x3FA4] =	sst s0  }
0x9: {  	[smem:$0x3FA5] =	sst s1  }
0xa: {  	[smem:$0x3FA6] =	sst s2  }
0xb: {  	[smem:$0x3FA7] =	sst s3  }
0xc: {  	[smem:$0x3FA8] =	sst s4  }
0xd: {  	[smem:$0x3FA9] =	sst s5  }
0xe: {  	[smem:$0x3FAA] =	sst s6  }
0xf: {  	[smem:$0x3FAB] =	sst s7  }
0x10: {  	[smem:$0x3FAC] =	sst s8  }
0x11: {  	[smem:$0x3FAD] =	sst s9;
	s0 =	simm.s32 @!p0 $0x0  }
0x12: {  	s1 =	sld [smem:$0x3F93];
	s0 =	simm.s32 @p0 $0x1  }
0x13: {  	[smem:$0x3FAE] =	sst s0;
	s0 =	simm.s32 @!p1 $0x0  }
0x14: {  	s2 =	sld [smem:$0x3F92];
	s0 =	simm.s32 @p1 $0x1  }
0x15: {  	[smem:$0x3FAF] =	sst s0;
	s0 =	simm.s32 @!p2 $0x0  }
0x16: {  	s3 =	sld [smem:$0x3FDB];
	s0 =	simm.s32 @p2 $0x1  }
0x17: {  	s4 =	simm.s32 $0x1BF5;
	[smem:$0x3FB1] =	sst s0  }
0x18: {  	s0 =	sld [smem:$0x3F94];
	_ =	swait.ge [sflag:s4], $0x0  }
0x19: {  	s7 =	sld [smem:$0x3F95]  }
0x1a: {  	s8 =	sadd.s32 $0xFFFFE003, lr  }
0x1b: {  	s9 =	sadd.s32 $0xFFFFFEF7, lr;
	s5 =	simm.s32 $0xFFFFFFFF;
	p2 =	slt.u32 s8, $0xFFFFF086  }
0x1c: {  	p1 =	slt.u32 s9, $0xF7A;
	s5 =	simm.s32 @!p2 $0x0  }
0x1d: {  	s5 =	simm.s32 @p1 $0x1;
	p0 =	seq.s32 s7, s2  }
0x1e: {  	s7 =	smul.u32 @!p0 $0xF7A, s2;
	p2 =	seq.s32 @!p0 s5, $0x0  }
0x1f: {  	s9 =	smul.u32 $0xF7A, s1;
	s8 =	simm.s32 @!p0 $0x1BF5;
	p2 =	por !p2, p0  }
0x20: {  	[sflag:s8] =	ssyncset.s32 @!p0 $0xFFFFF086;
	s6 =	sadd.s32 @!p0 s3, s7;
	s7 =	simm.s32 @!p0 $0x108  }
0x21: {  	s3 =	sadd.s32 s3, s9;
	s6 =	sadd.s32 @!p0 $0x88, s6;
	s7 =	simm.s32 @p2 $0x1082  }
0x22: {  	[simem:s7], [sflag:s8] =	dma.local @!p0 [hbm:s6], $0xF7A  }
0x23: {  	s9 =	sor.u32 $0xD0000000, s2;
	s6 =	simm.s32 $0x108;
	_ =	swait.ge @!p0 [sflag:s8], $0x0  }
0x24: {  	s3 =	sadd.s32 $0x88, s3;
	s6 =	simm.s32 @!p1 $0x1082;
	[sflag:s4] =	ssyncset.s32 $0xFFFFF086  }
0x25: {  	[simem:s6], [sflag:s4] =	dma.local [hbm:s3], $0xF7A  }
0x26: {  	[smem:$0x3F95] =	sst s1;
	(tag) =	ssettag s2;
	_ =	strace s9  }
0x27: {  	s1 =	sld [smem:$0x3FA5]  }
0x28: {  	s2 =	sld [smem:$0x3FA6]  }
0x29: {  	s4 =	sld [smem:$0x3FA8]  }
0x2a: {  	p0 =	seq.s32 s5, $0x0;
	s5 =	sld [smem:$0x3FA9]  }
0x2b: {  	s6 =	sld [smem:$0x3FAA]  }
0x2c: {  	s7 =	sld [smem:$0x3FAB]  }
0x2d: {  	s3 =	simm.s32 $0x108;
	s8 =	sld [smem:$0x3FAC]  }
0x2e: {  	s3 =	simm.s32 @!p0 $0x1082;
	s9 =	sld [smem:$0x3FAD]  }
0x2f: {  	lr =	sadd.s32 s0, s3;
	s0 =	sld [smem:$0x3FA4]  }
0x30: {  	s3 =	sld [smem:$0x3FA7]  }
0x31: {  	[smem:$0x3FB0] =	sst s10  }
0x32: {  	s10 =	sld [smem:$0x3FAE];
	_ =	sdelay $0x3  }
0x33: {  	p0 =	seq.s32 s10, $0x1;
	s10 =	sld [smem:$0x3FB0];
	_ =	sdelay $0x3  }
0x34: {  	[smem:$0x3FB0] =	sst s10  }
0x35: {  	s10 =	sld [smem:$0x3FAF];
	_ =	sdelay $0x3  }
0x36: {  	p1 =	seq.s32 s10, $0x1;
	s10 =	sld [smem:$0x3FB0];
	_ =	sdelay $0x3  }
0x37: {  	[smem:$0x3FB0] =	sst s10  }
0x38: {  	s10 =	sld [smem:$0x3FB1]  }
0x39: {  	_ = 	snop;
	(pc) =	sbr.ind lr, $3  }
0x3a: {  	_ = 	snop  }
0x3b: {  	_ = 	snop  }
0x3c: {  	p2 =	seq.s32 s10, $0x1;
	s10 =	sld [smem:$0x3FB0]  }
0x3d: {  	_ =	shalt  }
0x3e: {  	_ =	shalt  }
0x3f: {  	_ =	shalt  }
0x40: {  	_ =	shalt  }
0x41: {  	_ =	shalt  }
0x42: {  	_ =	shalt  }
0x43: {  	_ =	shalt  }
0x44: {  	_ =	shalt  }
0x45: {  	_ =	shalt  }
0x46: {  	_ =	shalt  }
0x47: {  	_ =	shalt  }
0x48: {  	_ =	shalt  }
0x49: {  	_ =	shalt  }
0x4a: {  	_ =	shalt  }
0x4b: {  	_ =	shalt  }
0x4c: {  	_ =	shalt  }
0x4d: {  	_ =	shalt  }
0x4e: {  	_ =	shalt  }
0x4f: {  	_ =	shalt  }
0x50: {  	_ =	shalt  }
0x51: {  	_ =	shalt  }
0x52: {  	_ =	shalt  }
0x53: {  	_ =	shalt  }
0x54: {  	_ =	shalt  }
0x55: {  	_ =	shalt  }
0x56: {  	_ =	shalt  }
0x57: {  	_ =	shalt  }
0x58: {  	_ =	shalt  }
0x59: {  	_ =	shalt  }
0x5a: {  	_ =	shalt  }
0x5b: {  	_ =	shalt  }
0x5c: {  	_ =	shalt  }
0x5d: {  	_ =	shalt  }
0x5e: {  	_ =	shalt  }
0x5f: {  	_ =	shalt  }
0x60: {  	_ =	shalt  }
0x61: {  	_ =	shalt  }
0x62: {  	_ =	shalt  }
0x63: {  	_ =	shalt  }
0x64: {  	_ =	shalt  }
0x65: {  	_ =	shalt  }
0x66: {  	_ =	shalt  }
0x67: {  	_ =	shalt  }
0x68: {  	_ =	shalt  }
0x69: {  	_ =	shalt  }
0x6a: {  	_ =	shalt  }
0x6b: {  	_ =	shalt  }
0x6c: {  	_ =	shalt  }
0x6d: {  	_ =	shalt  }
0x6e: {  	_ =	shalt  }
0x6f: {  	_ =	shalt  }
0x70: {  	_ =	shalt  }
0x71: {  	_ =	shalt  }
0x72: {  	_ =	shalt  }
0x73: {  	_ =	shalt  }
0x74: {  	_ =	shalt  }
0x75: {  	_ =	shalt  }
0x76: {  	_ =	shalt  }
0x77: {  	_ =	shalt  }
0x78: {  	_ =	shalt  }
0x79: {  	_ =	shalt  }
0x7a: {  	_ =	shalt  }
0x7b: {  	_ =	shalt  }
0x7c: {  	_ =	shalt  }
0x7d: {  	_ =	shalt  }
0x7e: {  	_ =	shalt  }
0x7f: {  	_ =	shalt  }
0x80: {  	_ =	shalt  }
0x81: {  	_ =	shalt  }
0x82: {  	_ =	shalt  }
0x83: {  	_ =	shalt  }
0x84: {  	_ =	shalt  }
0x85: {  	_ =	shalt  }
0x86: {  	_ =	shalt  }
0x87: {  	_ =	shalt  }
.Lfunc_end0:
.L_simem_size_0:
called_computation.2_lowered:
.L_overlay_start_0:
0x88: {  	s2 =	sld [smem:$0x3FD9]  }
0x89: {  	s3 =	sld [smem:$0x3FFE];
	_ =	sdelay $0x1  }
0x8a: {  	s1 =	srdreg.scid  }
0x8b: {  	s0 =	sand.u32 $0x1, s1  }
0x8c: {  	s16 =	sshll.u32 s0, $0xA;
	s2 =	sadd.s32 s3, s2  }
0x8d: {  	s2 =	sadd.s32 s2, s16  }
0x8e: {  	[smem:$0x3FBC] =	sst s2  }
0x8f: {  	_ = 	snop  }
0x90: {  	(tm) =	ssettm $0x1  }
0x91: {  	s17 =	sld [smem:$0x3FFB];
	_ =	sdelay $0x3  }
0x92: {  	_ =	strace s17  }
0x93: {  	s2 =	sld [smem:$0x3FFC];
	_ =	sdelay $0x3  }
0x94: {  	_ =	strace s2  }
0x95: {  	s2 =	sld [smem:$0x3FFD];
	_ =	sdelay $0x3  }
0x96: {  	_ =	strace s2  }
0x97: {  	_ =	strace $0x8FFFFFFF  }
0x98: {  	s18 =	sld [smem:$0x3FDB];
	_ =	sdelay $0x1  }
0x99: {  	s19 =	simm.s32 $_scs_section_size  }
0x9a: {  	s4 =	simm.s32 $_size__tile_overlayer_lowered;
	s5 =	simm.s32 $_tile_overlayer_lowered  }
0x9b: {  	s22 =	simm.s32 $0x1BFF;
	s21 =	sshll.u32 s5, $0x1;
	s2 =	sadd.s32 s19, s18  }
0x9c: {  	s6 =	simm.s32 $0x0;
	s20 =	sshll.u32 s4, $0x1;
	s4 =	sadd.s32 s21, s2  }
0x9d: {  	[timem:s6], [sflag:s22] =	dma.local [hbm:s4], s20  }
0x9e: {  	_ =	swait.ge [sflag:s22], s20  }
0x9f: {  	s3 =	ssub.s32 $0x0, s20;
	[sflag:s22] =	ssyncset.done $0x0  }
0xa0: {  	[sflag:s22] =	ssyncadd.s32 s3;
	_ =	sdelay $0x1  }
0xa1: {  	s23 =	simm.s32 $0x1B8B  }
0xa2: {  	_ =	swait.ge [sflag:s23], $0x1  }
0xa3: {  	[sflag:s23] =	ssyncset.done $0x0  }
0xa4: {  	s25 =	simm.s32 $0x1B8E;
	s24 =	sld [smem:$0x3FFE];
	[sflag:s23] =	ssyncadd.s32 $0xFFFFFFFF  }
0xa5: {  	s26 =	simm.s32 $execute0_lowered;
	[smem:$0x3FD2] =	sst s25  }
0xa6: {  	s4 =	sshll.u32 s26, $0x1;
	_ =	strace $0x8000004C;
	[dreg:$0x1] =	wrdreg $0xFFFFFFFF  }
0xa7: {  	s28 =	simm.s32 $_size_execute0_lowered;
	s2 =	sadd.s32 s2, s4;
	[dreg:$0x0] =	wrdreg $0x0  }
0xa8: {  	s4 =	sshll.u32 s28, $0x1;
	[dreg:$0x2] =	wrdreg s2  }
0xa9: {  	[dreg:$0x3] =	wrdreg s4  }
0xaa: {  	[dreg:$0x4] =	wrdreg $0xC0  }
0xab: {  	_ =	task [dreg:s6], $0x5FFFF  }
0xac: {  	[dreg:$0x1] =	wrdreg $0xFFFFFFFF  }
0xad: {  	[dreg:$0x0] =	wrdreg $0x60  }
0xae: {  	[dreg:$0x2] =	wrdreg s24  }
0xaf: {  	[dreg:$0x3] =	wrdreg $0x44000  }
0xb0: {  	[dreg:$0x4] =	wrdreg $0x9  }
0xb1: {  	_ =	task.clear_ibuf [dreg:s6], $0x5FFFF;
	_ =	strace $0x9000004C  }
0xb2: {  	s29 =	simm.s32 $0x9;
	_ =	strace $0x8000004E  }
0xb3: {  	_ =	swait.ge [sflag:s29], $0x1  }
0xb4: {  	[sflag:s29] =	ssyncadd.s32 $0xFFFFFFFF  }
0xb5: {  	_ =	strace $0x9000004E  }
0xb6: {  	_ =	sfence  }
0xb7: {  	s30 =	sld [smem:$0x0];
	_ =	sdelay $0x2  }
0xb8: {  	s31 =	sshll.u32 s1, $0xD;
	s1 =	sshrl.u32 s1, $0x2  }
0xb9: {  	s3 =	sand.u32 $0x4000, s31;
	s1 =	sadd.s32 s1, s30  }
0xba: {  	s0 =	sor.u32 s3, s0;
	s1 =	sshll.u32 s1, $0x11  }
0xbb: {  	s0 =	sor.u32 s1, s0  }
0xbc: {  	s0 =	sadd.s32 $0x8F2B, s0  }
0xbd: {  	[sflag:s0] =	ssyncadd.remote.s32 $0x1  }
0xbe: {  	_ =	sfence.sel $0xFFFF  }
0xbf: {  	[dreg:$0x0] =	wrdreg $0xFFFFFFFF;
	(pc) =	sbr.abs _section_cstart, $3  }
0xc0: {  	[dreg:$0x1] =	wrdreg $0xFFFFFFFF  }
0xc1: {  	_ =	task.clear_ibuf [dreg:s6], $0x2FFFF;
	_ =	strace $0x9FFFFFFF  }
0xc2: {  	(tm) =	ssettm $0x7FFFFFFF  }
0xc3: {  	_ =	shalt  }
tec
execute0_lowered:
.L_overlay_start_1:
0x0: {  	(tag) =	ssettag $0x1  }
0x1: {  	s0 =	rddreg [dreg:$0x0]  }
0x2: {  	s2 =	rddreg [dreg:$0x1];
	s3 =	simm.s32 $0x0;
	s8 =	stileid.u32  }
0x3: {  	s7 =	srdreg.scid;
	s16 =	simm.s32 $0x200;
	s17 =	simm.s32 $0x80  }
0x4: {  	s18 =	simm.s32 $0x400;
	s19 =	simm.s32 $0x1400;
	s20 =	simm.s32 $0x100  }
0x5: {  	s21 =	simm.s32 $0x2400;
	s22 =	simm.s32 $0x180;
	s23 =	simm.s32 $0x3400  }
0x6: {  	s28 =	simm.s32 $0x300;
	s29 =	simm.s32 $0x380;
	s1 =	smul.u32 $0x1880, s8  }
0x7: {  	s30 =	simm.s32 $0x0;
	s4 =	sadd.s32 $0x143C00, s0;
	s5 =	sadd.s32 $0x112E00, s0  }
0x8: {  	[smem:$0x7FF] =	sst s3;
	s6 =	sadd.s32 $0x174A00, s0;
	s10 =	smul.u32 $0x61B00, s8  }
0x9: {  	s14 =	sand.u32 $0x1, s7;
	s24 =	sadd.s32 $0x1C7800, s0;
	s11 =	smul.u32 $0x186A0, s8  }
0xa: {  	s31 =	sshll.u32 s8, $0x6;
	_ =	strace $0x8000004D;
	[dreg:$0x3] =	wrdreg s24  }
0xb: {  	s9 =	ssub.s32 $0x2, s14;
	p0 =	sne.s32 s14, $0x0;
	s24 =	simm.s32 $0x1  }
0xc: {  	s1 =	sadd.s32 s1, s0;
	s0 =	sadd.s32 $0x196A00, s0;
	s25 =	sshrl.u32 s9, $0x1  }
.Ltmp0:
0xd: {  	s26 =	sshrl.u32 s10, $0x2;
	s10 =	sshrl.u32 s11, $0x3;
	(pc) =	sbr.rel .LBB2_1-.Ltmp0, $4  }
0xe: {  	[dreg:$0x4] =	wrdreg s0;
	s0 =	ssub.s32 s9, s25;
	s15 =	sadd.s32 s26, s2  }
0xf: {  	s9 =	sor.u32 $0x1C02, s31;
	s25 =	sadd.s32 s11, s2;
	s12 =	sadd.s32 $0xFA600, s1  }
0x10: {  	s13 =	sadd.s32 $0x17E200, s1;
	s26 =	simm.s32 $0x280;
	s11 =	smax.u32 s0, $0x1  }
0x11: {  	s14 =	sshrl.u32 s15, $0x3;
	s15 =	simm.s32 $0x2;
	s25 =	sshrl.u32 s25, $0x3  }
.LBB2_7:
0x12: {  	s0 =	sadd.s32 s31, s13;
	[sflag:s15] =	ssyncadd.s32 $0xFFFFF000  }
0x13: {  	[tilespmem:s3], [sflag:$0x2] =	stream.linear.gather [hbm4b:s0+s3], $0x200, $0x38;
	[tilespmem:$0x1CAC0] =	vst v63  }
0x14: {  	_ =	swait.ge [sflag:s15], $0x200  }
0x15: {  	[sflag:s15] =	ssyncset.done $0x0  }
0x16: {  	s31 =	sadd.s32 s31, s12;
	[sflag:s15] =	ssyncadd.s32 $0xFFFFFE00  }
0x17: {  	[tilespmem:s16], [sflag:$0x2] =	stream.linear.gather [hbm4b:s31+s3], $0x200, $0x38;
	[tilespmem:$0x1CAC0] =	vst v63  }
0x18: {  	_ =	swait.ge [sflag:s15], $0x200  }
0x19: {  	[sflag:s15] =	ssyncset.done $0x0  }
0x1a: {  	[sflag:s15] =	ssyncadd.s32 $0xFFFFFE00  }
0x1b: {  	[tilespmem:s18], [sflag:$0x1] =	stream.indirect.gather [hbm4b:s5+s17], $0x20, s3, s17, $0xb8;
	[tilespmem:$0x1CAC0] =	vst v63  }
0x1c: {  	_ = 	snop  }
0x1d: {  	[tilespmem:s19], [sflag:$0x1] =	stream.indirect.gather [hbm4b:s5+s17], $0x20, s17, s17, $0xb8;
	[tilespmem:$0x1CAC0] =	vst v63  }
0x1e: {  	_ = 	snop  }
0x1f: {  	[tilespmem:s21], [sflag:$0x1] =	stream.indirect.gather [hbm4b:s5+s17], $0x20, s20, s17, $0xb8;
	[tilespmem:$0x1CAC0] =	vst v63  }
0x20: {  	_ = 	snop  }
0x21: {  	[tilespmem:s23], [sflag:$0x1] =	stream.indirect.gather [hbm4b:s5+s17], $0x20, s22, s17, $0xb8;
	[tilespmem:$0x1CAC0] =	vst v63  }
0x22: {  	_ =	swait.ge [sflag:s24], $0x1000  }
0x23: {  	[sflag:s24] =	ssyncset.done $0x0  }
0x24: {  	[sflag:s24] =	ssyncadd.s32 $0xFFFFF000  }
0x25: {  	_ =	swait.ge [sflag:s24], $0x1000  }
0x26: {  	[sflag:s24] =	ssyncset.done $0x0  }
0x27: {  	[sflag:s24] =	ssyncadd.s32 $0xFFFFF000  }
0x28: {  	_ =	swait.ge [sflag:s24], $0x1000  }
0x29: {  	[sflag:s24] =	ssyncset.done $0x0  }
0x2a: {  	[sflag:s24] =	ssyncadd.s32 $0xFFFFF000  }
0x2b: {  	_ =	swait.ge [sflag:s24], $0x1000  }
0x2c: {  	[sflag:s24] =	ssyncset.done $0x0  }
0x2d: {  	[sflag:s24] =	ssyncadd.s32 $0xFFFFF000  }
0x2e: {  	[spmem:s2] =	stream.indirect.scatter.add.f32 [tilespmem:s18], [sflag:$0x2], $0x20, s16, s17, $0xb8;
	[tilespmem:$0x1CAC0] =	vst v63  }
0x2f: {  	_ =	swait.ge [sflag:s15], $0x1000  }
0x30: {  	[sflag:s15] =	ssyncset.done $0x0  }
0x31: {  	[sflag:s15] =	ssyncadd.s32 $0xFFFFF000  }
0x32: {  	[spmem:s2] =	stream.indirect.scatter.add.f32 [tilespmem:s19], [sflag:$0x2], $0x20, s26, s17, $0xb8;
	[tilespmem:$0x1CAC0] =	vst v63  }
0x33: {  	_ =	swait.ge [sflag:s15], $0x1000  }
0x34: {  	[sflag:s15] =	ssyncset.done $0x0  }
0x35: {  	[sflag:s15] =	ssyncadd.s32 $0xFFFFF000  }
0x36: {  	[spmem:s2] =	stream.indirect.scatter.add.f32 [tilespmem:s21], [sflag:$0x2], $0x20, s28, s17, $0xb8;
	[tilespmem:$0x1CAC0] =	vst v63  }
0x37: {  	_ =	swait.ge [sflag:s15], $0x1000  }
0x38: {  	[sflag:s15] =	ssyncset.done $0x0  }
0x39: {  	[sflag:s15] =	ssyncadd.s32 $0xFFFFF000  }
0x3a: {  	[spmem:s2] =	stream.indirect.scatter.add.f32 [tilespmem:s23], [sflag:$0x2], $0x20, s29, s17, $0xb8;
	[tilespmem:$0x1CAC0] =	vst v63  }
0x3b: {  	_ =	swait.ge [sflag:s15], $0x1000  }
0x3c: {  	[sflag:s15] =	ssyncset.done $0x0  }
0x3d: {  	s0 =	rddreg [dreg:$0x4];
	[sflag:s15] =	ssyncadd.s32 $0xFFFFF000  }
.LBB2_8:
0x3e: {  	s30 =	sadd.s32 $0x1, s30  }
0x3f: {  	p1 =	sne.s32 s30, s11  }
.Ltmp1:
0x40: {  	s0 =	sadd.s32 s0, s10;
	[bflag:$0x0] =	sbarrier.arrive $0xFFFF;
	(pc) =	sbr.rel @!p1 .LBB2_9-.Ltmp1, $4  }
0x41: {  	[hbm:s0], [sflag:s9] =	dma.local [spmem:s25], $0x30D4  }
0x42: {  	_ =	swait.ge [sflag:s15], $0x30D4  }
0x43: {  	[sflag:s15] =	ssyncset.done $0x0  }
0x44: {  	[sflag:s15] =	ssyncadd.s32 $0xFFFFCF2C  }
.LBB2_1:
0x45: {  	[spmem:s14], [sflag:s9] =	dma.local [hbm:s6], $0x30D8  }
.Ltmp2:
0x46: {  	_ =	swait.ge [sflag:s15], $0x30D8;
	(pc) =	sbr.rel @p0 .LBB2_5-.Ltmp2, $4  }
0x47: {  	[sflag:s15] =	ssyncset.done $0x0  }
0x48: {  	[sflag:s15] =	ssyncadd.s32 $0xFFFFCF28  }
0x49: {  	[bflag:$0x0] =	sbarrier.arrive $0xFFFF  }
0x4a: {  	s0 =	sadd.s32 $0x0, s13  }
0x4b: {  	[tilespmem:s3], [sflag:$0x2] =	stream.linear.gather [hbm4b:s0+s3], $0x200, $0x38;
	[tilespmem:$0x1CAC0] =	vst v63  }
0x4c: {  	_ =	swait.ge [sflag:s15], $0x200  }
0x4d: {  	[sflag:s15] =	ssyncset.done $0x0  }
0x4e: {  	s8 =	sadd.s32 $0x0, s12;
	[sflag:s15] =	ssyncadd.s32 $0xFFFFFE00  }
0x4f: {  	[tilespmem:s16], [sflag:$0x2] =	stream.linear.gather [hbm4b:s8+s3], $0x200, $0x38;
	[tilespmem:$0x1CAC0] =	vst v63  }
0x50: {  	_ =	swait.ge [sflag:s15], $0x200  }
0x51: {  	[sflag:s15] =	ssyncset.done $0x0  }
0x52: {  	[sflag:s15] =	ssyncadd.s32 $0xFFFFFE00  }
0x53: {  	[tilespmem:s18], [sflag:$0x1] =	stream.indirect.gather [hbm4b:s4+s17], $0x20, s3, s17, $0xb8;
	[tilespmem:$0x1CAC0] =	vst v63  }
0x54: {  	_ = 	snop  }
0x55: {  	[tilespmem:s19], [sflag:$0x1] =	stream.indirect.gather [hbm4b:s4+s17], $0x20, s17, s17, $0xb8;
	[tilespmem:$0x1CAC0] =	vst v63  }
0x56: {  	_ = 	snop  }
0x57: {  	[tilespmem:s21], [sflag:$0x1] =	stream.indirect.gather [hbm4b:s4+s17], $0x20, s20, s17, $0xb8;
	[tilespmem:$0x1CAC0] =	vst v63  }
0x58: {  	_ = 	snop  }
0x59: {  	[tilespmem:s23], [sflag:$0x1] =	stream.indirect.gather [hbm4b:s4+s17], $0x20, s22, s17, $0xb8;
	[tilespmem:$0x1CAC0] =	vst v63  }
0x5a: {  	_ =	swait.ge [sflag:s24], $0x1000  }
0x5b: {  	[sflag:s24] =	ssyncset.done $0x0  }
0x5c: {  	[sflag:s24] =	ssyncadd.s32 $0xFFFFF000  }
0x5d: {  	_ =	swait.ge [sflag:s24], $0x1000  }
0x5e: {  	[sflag:s24] =	ssyncset.done $0x0  }
0x5f: {  	[sflag:s24] =	ssyncadd.s32 $0xFFFFF000  }
0x60: {  	_ =	swait.ge [sflag:s24], $0x1000  }
0x61: {  	[sflag:s24] =	ssyncset.done $0x0  }
0x62: {  	[sflag:s24] =	ssyncadd.s32 $0xFFFFF000  }
0x63: {  	_ =	swait.ge [sflag:s24], $0x1000  }
0x64: {  	[sflag:s24] =	ssyncset.done $0x0  }
0x65: {  	[sflag:s24] =	ssyncadd.s32 $0xFFFFF000  }
0x66: {  	[spmem:s2] =	stream.indirect.scatter.add.f32 [tilespmem:s18], [sflag:$0x2], $0x20, s16, s17, $0xb8;
	[tilespmem:$0x1CAC0] =	vst v63  }
0x67: {  	_ =	swait.ge [sflag:s15], $0x1000  }
0x68: {  	[sflag:s15] =	ssyncset.done $0x0  }
0x69: {  	[sflag:s15] =	ssyncadd.s32 $0xFFFFF000  }
0x6a: {  	[spmem:s2] =	stream.indirect.scatter.add.f32 [tilespmem:s19], [sflag:$0x2], $0x20, s26, s17, $0xb8;
	[tilespmem:$0x1CAC0] =	vst v63  }
0x6b: {  	_ =	swait.ge [sflag:s15], $0x1000  }
0x6c: {  	[sflag:s15] =	ssyncset.done $0x0  }
0x6d: {  	[sflag:s15] =	ssyncadd.s32 $0xFFFFF000  }
0x6e: {  	[spmem:s2] =	stream.indirect.scatter.add.f32 [tilespmem:s21], [sflag:$0x2], $0x20, s28, s17, $0xb8;
	[tilespmem:$0x1CAC0] =	vst v63  }
0x6f: {  	_ =	swait.ge [sflag:s15], $0x1000  }
0x70: {  	[sflag:s15] =	ssyncset.done $0x0  }
0x71: {  	[sflag:s15] =	ssyncadd.s32 $0xFFFFF000  }
0x72: {  	[spmem:s2] =	stream.indirect.scatter.add.f32 [tilespmem:s23], [sflag:$0x2], $0x20, s29, s17, $0xb8;
	[tilespmem:$0x1CAC0] =	vst v63  }
0x73: {  	_ =	swait.ge [sflag:s15], $0x1000  }
0x74: {  	s31 =	simm.s32 $0x40;
	s0 =	simm.s32 $0x80;
	[sflag:s15] =	ssyncset.done $0x0  }
.LBB2_3:
0x75: {  	s7 =	sadd.s32 s31, s13  }
0x76: {  	[sflag:s15] =	ssyncadd.s32 $0xFFFFF000;
	s8 =	smov.u32 s0;
	s1 =	sadd.s32 $0x40, s0  }
0x77: {  	[tilespmem:s3], [sflag:$0x2] =	stream.linear.gather [hbm4b:s7+s3], $0x200, $0x38;
	[tilespmem:$0x1CAC0] =	vst v63  }
0x78: {  	p1 =	seq.s32 s0, $0x1840;
	_ =	swait.ge [sflag:s15], $0x200  }
0x79: {  	[sflag:s15] =	ssyncset.done $0x0  }
0x7a: {  	s0 =	sadd.s32 s31, s12;
	s31 =	smov.u32 s8;
	[sflag:s15] =	ssyncadd.s32 $0xFFFFFE00  }
0x7b: {  	[tilespmem:s16], [sflag:$0x2] =	stream.linear.gather [hbm4b:s0+s3], $0x200, $0x38;
	[tilespmem:$0x1CAC0] =	vst v63  }
0x7c: {  	_ =	swait.ge [sflag:s15], $0x200  }
0x7d: {  	[sflag:s15] =	ssyncset.done $0x0  }
0x7e: {  	[sflag:s15] =	ssyncadd.s32 $0xFFFFFE00  }
0x7f: {  	[tilespmem:s18], [sflag:$0x1] =	stream.indirect.gather [hbm4b:s4+s17], $0x20, s3, s17, $0xb8;
	[tilespmem:$0x1CAC0] =	vst v63  }
0x80: {  	_ = 	snop  }
0x81: {  	[tilespmem:s19], [sflag:$0x1] =	stream.indirect.gather [hbm4b:s4+s17], $0x20, s17, s17, $0xb8;
	[tilespmem:$0x1CAC0] =	vst v63  }
0x82: {  	_ = 	snop  }
0x83: {  	[tilespmem:s21], [sflag:$0x1] =	stream.indirect.gather [hbm4b:s4+s17], $0x20, s20, s17, $0xb8;
	[tilespmem:$0x1CAC0] =	vst v63  }
0x84: {  	_ = 	snop  }
0x85: {  	[tilespmem:s23], [sflag:$0x1] =	stream.indirect.gather [hbm4b:s4+s17], $0x20, s22, s17, $0xb8;
	[tilespmem:$0x1CAC0] =	vst v63  }
0x86: {  	_ =	swait.ge [sflag:s24], $0x1000  }
0x87: {  	[sflag:s24] =	ssyncset.done $0x0  }
0x88: {  	[sflag:s24] =	ssyncadd.s32 $0xFFFFF000  }
0x89: {  	_ =	swait.ge [sflag:s24], $0x1000  }
0x8a: {  	[sflag:s24] =	ssyncset.done $0x0  }
0x8b: {  	[sflag:s24] =	ssyncadd.s32 $0xFFFFF000  }
0x8c: {  	_ =	swait.ge [sflag:s24], $0x1000  }
0x8d: {  	[sflag:s24] =	ssyncset.done $0x0  }
0x8e: {  	[sflag:s24] =	ssyncadd.s32 $0xFFFFF000  }
0x8f: {  	_ =	swait.ge [sflag:s24], $0x1000  }
0x90: {  	[sflag:s24] =	ssyncset.done $0x0  }
0x91: {  	[sflag:s24] =	ssyncadd.s32 $0xFFFFF000  }
0x92: {  	[spmem:s2] =	stream.indirect.scatter.add.f32 [tilespmem:s18], [sflag:$0x2], $0x20, s16, s17, $0xb8;
	[tilespmem:$0x1CAC0] =	vst v63  }
0x93: {  	_ =	swait.ge [sflag:s15], $0x1000  }
0x94: {  	[sflag:s15] =	ssyncset.done $0x0  }
0x95: {  	[sflag:s15] =	ssyncadd.s32 $0xFFFFF000  }
0x96: {  	[spmem:s2] =	stream.indirect.scatter.add.f32 [tilespmem:s19], [sflag:$0x2], $0x20, s26, s17, $0xb8;
	[tilespmem:$0x1CAC0] =	vst v63  }
0x97: {  	_ =	swait.ge [sflag:s15], $0x1000  }
0x98: {  	[sflag:s15] =	ssyncset.done $0x0  }
0x99: {  	[sflag:s15] =	ssyncadd.s32 $0xFFFFF000  }
0x9a: {  	[spmem:s2] =	stream.indirect.scatter.add.f32 [tilespmem:s21], [sflag:$0x2], $0x20, s28, s17, $0xb8;
	[tilespmem:$0x1CAC0] =	vst v63  }
0x9b: {  	_ =	swait.ge [sflag:s15], $0x1000  }
.Ltmp3:
0x9c: {  	[sflag:s15] =	ssyncset.done $0x0;
	(pc) =	sbr.rel @!p1 .LBB2_3-.Ltmp3, $4  }
0x9d: {  	[sflag:s15] =	ssyncadd.s32 $0xFFFFF000  }
0x9e: {  	[spmem:s2] =	stream.indirect.scatter.add.f32 [tilespmem:s23], [sflag:$0x2], $0x20, s29, s17, $0xb8;
	[tilespmem:$0x1CAC0] =	vst v63  }
0x9f: {  	_ =	swait.ge [sflag:s15], $0x1000  }
0xa0: {  	s0 =	smov.u32 s1;
	[sflag:s15] =	ssyncset.done $0x0  }
0xa1: {  	s0 =	sadd.s32 s31, s13;
	[sflag:s15] =	ssyncadd.s32 $0xFFFFF000  }
0xa2: {  	[tilespmem:s3], [sflag:$0x2] =	stream.linear.gather [hbm4b:s0+s3], $0x200, $0x38;
	[tilespmem:$0x1CAC0] =	vst v63  }
0xa3: {  	_ =	swait.ge [sflag:s15], $0x200  }
0xa4: {  	[sflag:s15] =	ssyncset.done $0x0  }
0xa5: {  	s31 =	sadd.s32 s31, s12;
	[sflag:s15] =	ssyncadd.s32 $0xFFFFFE00  }
0xa6: {  	[tilespmem:s16], [sflag:$0x2] =	stream.linear.gather [hbm4b:s31+s3], $0x200, $0x38;
	[tilespmem:$0x1CAC0] =	vst v63  }
0xa7: {  	_ =	swait.ge [sflag:s15], $0x200  }
0xa8: {  	[sflag:s15] =	ssyncset.done $0x0  }
0xa9: {  	[sflag:s15] =	ssyncadd.s32 $0xFFFFFE00  }
0xaa: {  	[tilespmem:s18], [sflag:$0x1] =	stream.indirect.gather [hbm4b:s4+s17], $0x20, s3, s17, $0xb8;
	[tilespmem:$0x1CAC0] =	vst v63  }
0xab: {  	_ = 	snop  }
0xac: {  	[tilespmem:s19], [sflag:$0x1] =	stream.indirect.gather [hbm4b:s4+s17], $0x20, s17, s17, $0xb8;
	[tilespmem:$0x1CAC0] =	vst v63  }
0xad: {  	_ = 	snop  }
0xae: {  	[tilespmem:s21], [sflag:$0x1] =	stream.indirect.gather [hbm4b:s4+s17], $0x20, s20, s17, $0xb8;
	[tilespmem:$0x1CAC0] =	vst v63  }
0xaf: {  	_ = 	snop  }
0xb0: {  	[tilespmem:s23], [sflag:$0x1] =	stream.indirect.gather [hbm4b:s4+s17], $0x20, s22, s17, $0xb8;
	[tilespmem:$0x1CAC0] =	vst v63  }
0xb1: {  	_ =	swait.ge [sflag:s24], $0x1000  }
0xb2: {  	[sflag:s24] =	ssyncset.done $0x0  }
0xb3: {  	[sflag:s24] =	ssyncadd.s32 $0xFFFFF000  }
0xb4: {  	_ =	swait.ge [sflag:s24], $0x1000  }
0xb5: {  	[sflag:s24] =	ssyncset.done $0x0  }
0xb6: {  	[sflag:s24] =	ssyncadd.s32 $0xFFFFF000  }
0xb7: {  	_ =	swait.ge [sflag:s24], $0x1000  }
0xb8: {  	[sflag:s24] =	ssyncset.done $0x0  }
0xb9: {  	[sflag:s24] =	ssyncadd.s32 $0xFFFFF000  }
0xba: {  	_ =	swait.ge [sflag:s24], $0x1000  }
0xbb: {  	[sflag:s24] =	ssyncset.done $0x0  }
0xbc: {  	[sflag:s24] =	ssyncadd.s32 $0xFFFFF000  }
0xbd: {  	[spmem:s2] =	stream.indirect.scatter.add.f32 [tilespmem:s18], [sflag:$0x2], $0x20, s16, s17, $0xb8;
	[tilespmem:$0x1CAC0] =	vst v63  }
0xbe: {  	_ =	swait.ge [sflag:s15], $0x1000  }
0xbf: {  	[sflag:s15] =	ssyncset.done $0x0  }
0xc0: {  	[sflag:s15] =	ssyncadd.s32 $0xFFFFF000  }
0xc1: {  	[spmem:s2] =	stream.indirect.scatter.add.f32 [tilespmem:s19], [sflag:$0x2], $0x20, s26, s17, $0xb8;
	[tilespmem:$0x1CAC0] =	vst v63  }
0xc2: {  	_ =	swait.ge [sflag:s15], $0x1000  }
0xc3: {  	[sflag:s15] =	ssyncset.done $0x0  }
0xc4: {  	[sflag:s15] =	ssyncadd.s32 $0xFFFFF000  }
0xc5: {  	[spmem:s2] =	stream.indirect.scatter.add.f32 [tilespmem:s21], [sflag:$0x2], $0x20, s28, s17, $0xb8;
	[tilespmem:$0x1CAC0] =	vst v63  }
0xc6: {  	_ =	swait.ge [sflag:s15], $0x1000  }
0xc7: {  	[sflag:s15] =	ssyncset.done $0x0  }
.Ltmp4:
0xc8: {  	[sflag:s15] =	ssyncadd.s32 $0xFFFFF000;
	(pc) =	sbr.rel .LBB2_8-.Ltmp4, $4  }
0xc9: {  	[spmem:s2] =	stream.indirect.scatter.add.f32 [tilespmem:s23], [sflag:$0x2], $0x20, s29, s17, $0xb8;
	[tilespmem:$0x1CAC0] =	vst v63  }
0xca: {  	_ =	swait.ge [sflag:s15], $0x1000  }
0xcb: {  	[sflag:s15] =	ssyncset.done $0x0  }
0xcc: {  	s0 =	rddreg [dreg:$0x3];
	[sflag:s15] =	ssyncadd.s32 $0xFFFFF000  }
.LBB2_5:
0xcd: {  	[tilespmem:s3], [sflag:$0x2] =	stream.linear.gather [hbm4b:s0+s3], $0x200, $0x38;
	[tilespmem:$0x1CAC0] =	vst v63  }
0xce: {  	_ =	swait.ge [sflag:s15], $0x200  }
0xcf: {  	[sflag:s15] =	ssyncset.done $0x0  }
0xd0: {  	s8 =	sadd.s32 $0x0, s12;
	[sflag:s15] =	ssyncadd.s32 $0xFFFFFE00  }
0xd1: {  	[tilespmem:s16], [sflag:$0x2] =	stream.linear.gather [hbm4b:s8+s3], $0x200, $0x38;
	[tilespmem:$0x1CAC0] =	vst v63  }
0xd2: {  	_ =	swait.ge [sflag:s15], $0x200  }
0xd3: {  	[sflag:s15] =	ssyncset.done $0x0  }
0xd4: {  	[sflag:s15] =	ssyncadd.s32 $0xFFFFFE00  }
0xd5: {  	[tilespmem:s18], [sflag:$0x1] =	stream.indirect.gather [hbm4b:s5+s17], $0x20, s3, s17, $0xb8;
	[tilespmem:$0x1CAC0] =	vst v63  }
0xd6: {  	_ = 	snop  }
0xd7: {  	[tilespmem:s19], [sflag:$0x1] =	stream.indirect.gather [hbm4b:s5+s17], $0x20, s17, s17, $0xb8;
	[tilespmem:$0x1CAC0] =	vst v63  }
0xd8: {  	_ = 	snop  }
0xd9: {  	[tilespmem:s21], [sflag:$0x1] =	stream.indirect.gather [hbm4b:s5+s17], $0x20, s20, s17, $0xb8;
	[tilespmem:$0x1CAC0] =	vst v63  }
0xda: {  	_ = 	snop  }
0xdb: {  	[tilespmem:s23], [sflag:$0x1] =	stream.indirect.gather [hbm4b:s5+s17], $0x20, s22, s17, $0xb8;
	[tilespmem:$0x1CAC0] =	vst v63  }
0xdc: {  	_ =	swait.ge [sflag:s24], $0x1000  }
0xdd: {  	[sflag:s24] =	ssyncset.done $0x0  }
0xde: {  	[sflag:s24] =	ssyncadd.s32 $0xFFFFF000  }
0xdf: {  	_ =	swait.ge [sflag:s24], $0x1000  }
0xe0: {  	[sflag:s24] =	ssyncset.done $0x0  }
0xe1: {  	[sflag:s24] =	ssyncadd.s32 $0xFFFFF000  }
0xe2: {  	_ =	swait.ge [sflag:s24], $0x1000  }
0xe3: {  	[sflag:s24] =	ssyncset.done $0x0  }
0xe4: {  	[sflag:s24] =	ssyncadd.s32 $0xFFFFF000  }
0xe5: {  	_ =	swait.ge [sflag:s24], $0x1000  }
0xe6: {  	[sflag:s24] =	ssyncset.done $0x0  }
0xe7: {  	[sflag:s24] =	ssyncadd.s32 $0xFFFFF000  }
0xe8: {  	[spmem:s2] =	stream.indirect.scatter.add.f32 [tilespmem:s18], [sflag:$0x2], $0x20, s16, s17, $0xb8;
	[tilespmem:$0x1CAC0] =	vst v63  }
0xe9: {  	_ =	swait.ge [sflag:s15], $0x1000  }
0xea: {  	[sflag:s15] =	ssyncset.done $0x0  }
0xeb: {  	[sflag:s15] =	ssyncadd.s32 $0xFFFFF000  }
0xec: {  	[spmem:s2] =	stream.indirect.scatter.add.f32 [tilespmem:s19], [sflag:$0x2], $0x20, s26, s17, $0xb8;
	[tilespmem:$0x1CAC0] =	vst v63  }
0xed: {  	_ =	swait.ge [sflag:s15], $0x1000  }
0xee: {  	[sflag:s15] =	ssyncset.done $0x0  }
0xef: {  	[sflag:s15] =	ssyncadd.s32 $0xFFFFF000  }
0xf0: {  	[spmem:s2] =	stream.indirect.scatter.add.f32 [tilespmem:s21], [sflag:$0x2], $0x20, s28, s17, $0xb8;
	[tilespmem:$0x1CAC0] =	vst v63  }
0xf1: {  	_ =	swait.ge [sflag:s15], $0x1000  }
0xf2: {  	[sflag:s15] =	ssyncset.done $0x0  }
0xf3: {  	[sflag:s15] =	ssyncadd.s32 $0xFFFFF000  }
0xf4: {  	[spmem:s2] =	stream.indirect.scatter.add.f32 [tilespmem:s23], [sflag:$0x2], $0x20, s29, s17, $0xb8;
	[tilespmem:$0x1CAC0] =	vst v63  }
0xf5: {  	_ =	swait.ge [sflag:s15], $0x1000  }
0xf6: {  	s31 =	simm.s32 $0x40;
	s1 =	simm.s32 $0x80;
	[sflag:s15] =	ssyncset.done $0x0  }
.LBB2_6:
0xf7: {  	s7 =	sadd.s32 s31, s13  }
0xf8: {  	[sflag:s15] =	ssyncadd.s32 $0xFFFFF000;
	s8 =	smov.u32 s1;
	s0 =	sadd.s32 $0x40, s1  }
0xf9: {  	[tilespmem:s3], [sflag:$0x2] =	stream.linear.gather [hbm4b:s7+s3], $0x200, $0x38;
	[tilespmem:$0x1CAC0] =	vst v63  }
0xfa: {  	p1 =	sne.s32 s1, $0x1840;
	_ =	swait.ge [sflag:s15], $0x200  }
0xfb: {  	[sflag:s15] =	ssyncset.done $0x0  }
0xfc: {  	s1 =	sadd.s32 s31, s12;
	s31 =	smov.u32 s8;
	[sflag:s15] =	ssyncadd.s32 $0xFFFFFE00  }
0xfd: {  	[tilespmem:s16], [sflag:$0x2] =	stream.linear.gather [hbm4b:s1+s3], $0x200, $0x38;
	[tilespmem:$0x1CAC0] =	vst v63  }
0xfe: {  	_ =	swait.ge [sflag:s15], $0x200  }
0xff: {  	[sflag:s15] =	ssyncset.done $0x0  }
0x100: {  	[sflag:s15] =	ssyncadd.s32 $0xFFFFFE00  }
0x101: {  	[tilespmem:s18], [sflag:$0x1] =	stream.indirect.gather [hbm4b:s5+s17], $0x20, s3, s17, $0xb8;
	[tilespmem:$0x1CAC0] =	vst v63  }
0x102: {  	_ = 	snop  }
0x103: {  	[tilespmem:s19], [sflag:$0x1] =	stream.indirect.gather [hbm4b:s5+s17], $0x20, s17, s17, $0xb8;
	[tilespmem:$0x1CAC0] =	vst v63  }
0x104: {  	_ = 	snop  }
0x105: {  	[tilespmem:s21], [sflag:$0x1] =	stream.indirect.gather [hbm4b:s5+s17], $0x20, s20, s17, $0xb8;
	[tilespmem:$0x1CAC0] =	vst v63  }
0x106: {  	_ = 	snop  }
0x107: {  	[tilespmem:s23], [sflag:$0x1] =	stream.indirect.gather [hbm4b:s5+s17], $0x20, s22, s17, $0xb8;
	[tilespmem:$0x1CAC0] =	vst v63  }
0x108: {  	_ =	swait.ge [sflag:s24], $0x1000  }
0x109: {  	[sflag:s24] =	ssyncset.done $0x0  }
0x10a: {  	[sflag:s24] =	ssyncadd.s32 $0xFFFFF000  }
0x10b: {  	_ =	swait.ge [sflag:s24], $0x1000  }
0x10c: {  	[sflag:s24] =	ssyncset.done $0x0  }
0x10d: {  	[sflag:s24] =	ssyncadd.s32 $0xFFFFF000  }
0x10e: {  	_ =	swait.ge [sflag:s24], $0x1000  }
0x10f: {  	[sflag:s24] =	ssyncset.done $0x0  }
0x110: {  	[sflag:s24] =	ssyncadd.s32 $0xFFFFF000  }
0x111: {  	_ =	swait.ge [sflag:s24], $0x1000  }
0x112: {  	[sflag:s24] =	ssyncset.done $0x0  }
0x113: {  	[sflag:s24] =	ssyncadd.s32 $0xFFFFF000  }
0x114: {  	[spmem:s2] =	stream.indirect.scatter.add.f32 [tilespmem:s18], [sflag:$0x2], $0x20, s16, s17, $0xb8;
	[tilespmem:$0x1CAC0] =	vst v63  }
0x115: {  	_ =	swait.ge [sflag:s15], $0x1000  }
0x116: {  	[sflag:s15] =	ssyncset.done $0x0  }
0x117: {  	[sflag:s15] =	ssyncadd.s32 $0xFFFFF000  }
0x118: {  	[spmem:s2] =	stream.indirect.scatter.add.f32 [tilespmem:s19], [sflag:$0x2], $0x20, s26, s17, $0xb8;
	[tilespmem:$0x1CAC0] =	vst v63  }
0x119: {  	_ =	swait.ge [sflag:s15], $0x1000  }
0x11a: {  	[sflag:s15] =	ssyncset.done $0x0  }
0x11b: {  	[sflag:s15] =	ssyncadd.s32 $0xFFFFF000  }
0x11c: {  	[spmem:s2] =	stream.indirect.scatter.add.f32 [tilespmem:s21], [sflag:$0x2], $0x20, s28, s17, $0xb8;
	[tilespmem:$0x1CAC0] =	vst v63  }
0x11d: {  	_ =	swait.ge [sflag:s15], $0x1000  }
.Ltmp5:
0x11e: {  	[sflag:s15] =	ssyncset.done $0x0;
	(pc) =	sbr.rel @p1 .LBB2_6-.Ltmp5, $4  }
0x11f: {  	[sflag:s15] =	ssyncadd.s32 $0xFFFFF000  }
0x120: {  	[spmem:s2] =	stream.indirect.scatter.add.f32 [tilespmem:s23], [sflag:$0x2], $0x20, s29, s17, $0xb8;
	[tilespmem:$0x1CAC0] =	vst v63  }
0x121: {  	_ =	swait.ge [sflag:s15], $0x1000  }
0x122: {  	s1 =	smov.u32 s0;
	[sflag:s15] =	ssyncset.done $0x0  }
.Ltmp6:
0x123: {  	_ = 	snop;
	(pc) =	sbr.rel .LBB2_7-.Ltmp6, $1  }
0x124: {  	_ =	sdelay $0x3  }
.LBB2_9:
0x125: {  	_ =	sfence.sel $0x180000  }
0x126: {  	[bflag:$0x0] =	sbarrier.arrive $0xFFFF  }
0x127: {  	_ =	strace $0x9000004D  }
0x128: {  	s0 =	stileid.u32;
	[bflag:$0x2] =	sbarrier.arrive $0xFFFF  }
0x129: {  	p0 =	sne.s32 s0, $0x0;
	s0 =	rddreg [dreg:$0x2]  }
0x12a: {  	s0 =	sadd.s32 @!p0 $0x100000, s0  }
0x12b: {  	[sflag:s0] =	ssyncadd.tile.s32 @!p0 $0x1;
	_ =	shalt  }
.Lfunc_end2:
_tile_overlayer_lowered:
.L_overlay_start_2:
0x12c: {  	(tag) =	ssettag $0x2  }
0x12d: {  	s0 =	rddreg [dreg:$0x0];
	s2 =	stileid.u32  }
0x12e: {  	s1 =	rddreg [dreg:$0x1];
	p0 =	sne.s32 s2, $0x0  }
0x12f: {  	s3 =	rddreg [dreg:$0x2];
	[bflag:$0x3] =	sbarrier.arrive $0xFFFF;
	s2 =	simm.s32 @!p0 $0x1C02  }
0x130: {  	[timem:s3], [sflag:s2] =	dma.local @!p0 [hbm:s0], s1  }
0x131: {  	s0 =	simm.s32 @!p0 $0x2  }
0x132: {  	_ =	swait.ge @!p0 [sflag:s0], s1  }
0x133: {  	s1 =	ssub.s32 @!p0 $0x0, s1;
	[sflag:s0] =	ssyncset.done @!p0 $0x0  }
0x134: {  	[sflag:s0] =	ssyncadd.s32 @!p0 s1  }
0x135: {  	[bflag:$0x3] =	sbarrier.arrive $0xFFFF  }
0x136: {  	_ =	shalt  }

// kernel: kernel.8.cloned.1.call-start
scs
__scs_entry_jumppad:
0x0: {  	(pc) =	sbr.rel $0x88, $3  }
0x1: {  	(tag) =	ssettag $0x0;
	lr =	simm.s32 $0x1  }
0x2: {  	[smem:$0x3F95] =	sst lr;
	_ =	strace $0xD0000000  }
0x3: {  	_ = 	snop  }
0x4: {  	_ = 	snop  }
0x5: {  	_ = 	snop  }
0x6: {  	_ = 	snop  }
0x7: {  	_ = 	snop  }
__scs_overlays_trampoline_lowered:
0x8: {  	[smem:$0x3FA4] =	sst s0  }
0x9: {  	[smem:$0x3FA5] =	sst s1  }
0xa: {  	[smem:$0x3FA6] =	sst s2  }
0xb: {  	[smem:$0x3FA7] =	sst s3  }
0xc: {  	[smem:$0x3FA8] =	sst s4  }
0xd: {  	[smem:$0x3FA9] =	sst s5  }
0xe: {  	[smem:$0x3FAA] =	sst s6  }
0xf: {  	[smem:$0x3FAB] =	sst s7  }
0x10: {  	[smem:$0x3FAC] =	sst s8  }
0x11: {  	[smem:$0x3FAD] =	sst s9;
	s0 =	simm.s32 @!p0 $0x0  }
0x12: {  	s1 =	sld [smem:$0x3F93];
	s0 =	simm.s32 @p0 $0x1  }
0x13: {  	[smem:$0x3FAE] =	sst s0;
	s0 =	simm.s32 @!p1 $0x0  }
0x14: {  	s2 =	sld [smem:$0x3F92];
	s0 =	simm.s32 @p1 $0x1  }
0x15: {  	[smem:$0x3FAF] =	sst s0;
	s0 =	simm.s32 @!p2 $0x0  }
0x16: {  	s3 =	sld [smem:$0x3FDB];
	s0 =	simm.s32 @p2 $0x1  }
0x17: {  	s4 =	simm.s32 $0x1BF5;
	[smem:$0x3FB1] =	sst s0  }
0x18: {  	s0 =	sld [smem:$0x3F94];
	_ =	swait.ge [sflag:s4], $0x0  }
0x19: {  	s7 =	sld [smem:$0x3F95]  }
0x1a: {  	s8 =	sadd.s32 $0xFFFFE003, lr  }
0x1b: {  	s9 =	sadd.s32 $0xFFFFFEF7, lr;
	s5 =	simm.s32 $0xFFFFFFFF;
	p2 =	slt.u32 s8, $0xFFFFF086  }
0x1c: {  	p1 =	slt.u32 s9, $0xF7A;
	s5 =	simm.s32 @!p2 $0x0  }
0x1d: {  	s5 =	simm.s32 @p1 $0x1;
	p0 =	seq.s32 s7, s2  }
0x1e: {  	s7 =	smul.u32 @!p0 $0xF7A, s2;
	p2 =	seq.s32 @!p0 s5, $0x0  }
0x1f: {  	s9 =	smul.u32 $0xF7A, s1;
	s8 =	simm.s32 @!p0 $0x1BF5;
	p2 =	por !p2, p0  }
0x20: {  	[sflag:s8] =	ssyncset.s32 @!p0 $0xFFFFF086;
	s6 =	sadd.s32 @!p0 s3, s7;
	s7 =	simm.s32 @!p0 $0x108  }
0x21: {  	s3 =	sadd.s32 s3, s9;
	s6 =	sadd.s32 @!p0 $0x88, s6;
	s7 =	simm.s32 @p2 $0x1082  }
0x22: {  	[simem:s7], [sflag:s8] =	dma.local @!p0 [hbm:s6], $0xF7A  }
0x23: {  	s9 =	sor.u32 $0xD0000000, s2;
	s6 =	simm.s32 $0x108;
	_ =	swait.ge @!p0 [sflag:s8], $0x0  }
0x24: {  	s3 =	sadd.s32 $0x88, s3;
	s6 =	simm.s32 @!p1 $0x1082;
	[sflag:s4] =	ssyncset.s32 $0xFFFFF086  }
0x25: {  	[simem:s6], [sflag:s4] =	dma.local [hbm:s3], $0xF7A  }
0x26: {  	[smem:$0x3F95] =	sst s1;
	(tag) =	ssettag s2;
	_ =	strace s9  }
0x27: {  	s1 =	sld [smem:$0x3FA5]  }
0x28: {  	s2 =	sld [smem:$0x3FA6]  }
0x29: {  	s4 =	sld [smem:$0x3FA8]  }
0x2a: {  	p0 =	seq.s32 s5, $0x0;
	s5 =	sld [smem:$0x3FA9]  }
0x2b: {  	s6 =	sld [smem:$0x3FAA]  }
0x2c: {  	s7 =	sld [smem:$0x3FAB]  }
0x2d: {  	s3 =	simm.s32 $0x108;
	s8 =	sld [smem:$0x3FAC]  }
0x2e: {  	s3 =	simm.s32 @!p0 $0x1082;
	s9 =	sld [smem:$0x3FAD]  }
0x2f: {  	lr =	sadd.s32 s0, s3;
	s0 =	sld [smem:$0x3FA4]  }
0x30: {  	s3 =	sld [smem:$0x3FA7]  }
0x31: {  	[smem:$0x3FB0] =	sst s10  }
0x32: {  	s10 =	sld [smem:$0x3FAE];
	_ =	sdelay $0x3  }
0x33: {  	p0 =	seq.s32 s10, $0x1;
	s10 =	sld [smem:$0x3FB0];
	_ =	sdelay $0x3  }
0x34: {  	[smem:$0x3FB0] =	sst s10  }
0x35: {  	s10 =	sld [smem:$0x3FAF];
	_ =	sdelay $0x3  }
0x36: {  	p1 =	seq.s32 s10, $0x1;
	s10 =	sld [smem:$0x3FB0];
	_ =	sdelay $0x3  }
0x37: {  	[smem:$0x3FB0] =	sst s10  }
0x38: {  	s10 =	sld [smem:$0x3FB1]  }
0x39: {  	_ = 	snop;
	(pc) =	sbr.ind lr, $3  }
0x3a: {  	_ = 	snop  }
0x3b: {  	_ = 	snop  }
0x3c: {  	p2 =	seq.s32 s10, $0x1;
	s10 =	sld [smem:$0x3FB0]  }
0x3d: {  	_ =	shalt  }
0x3e: {  	_ =	shalt  }
0x3f: {  	_ =	shalt  }
0x40: {  	_ =	shalt  }
0x41: {  	_ =	shalt  }
0x42: {  	_ =	shalt  }
0x43: {  	_ =	shalt  }
0x44: {  	_ =	shalt  }
0x45: {  	_ =	shalt  }
0x46: {  	_ =	shalt  }
0x47: {  	_ =	shalt  }
0x48: {  	_ =	shalt  }
0x49: {  	_ =	shalt  }
0x4a: {  	_ =	shalt  }
0x4b: {  	_ =	shalt  }
0x4c: {  	_ =	shalt  }
0x4d: {  	_ =	shalt  }
0x4e: {  	_ =	shalt  }
0x4f: {  	_ =	shalt  }
0x50: {  	_ =	shalt  }
0x51: {  	_ =	shalt  }
0x52: {  	_ =	shalt  }
0x53: {  	_ =	shalt  }
0x54: {  	_ =	shalt  }
0x55: {  	_ =	shalt  }
0x56: {  	_ =	shalt  }
0x57: {  	_ =	shalt  }
0x58: {  	_ =	shalt  }
0x59: {  	_ =	shalt  }
0x5a: {  	_ =	shalt  }
0x5b: {  	_ =	shalt  }
0x5c: {  	_ =	shalt  }
0x5d: {  	_ =	shalt  }
0x5e: {  	_ =	shalt  }
0x5f: {  	_ =	shalt  }
0x60: {  	_ =	shalt  }
0x61: {  	_ =	shalt  }
0x62: {  	_ =	shalt  }
0x63: {  	_ =	shalt  }
0x64: {  	_ =	shalt  }
0x65: {  	_ =	shalt  }
0x66: {  	_ =	shalt  }
0x67: {  	_ =	shalt  }
0x68: {  	_ =	shalt  }
0x69: {  	_ =	shalt  }
0x6a: {  	_ =	shalt  }
0x6b: {  	_ =	shalt  }
0x6c: {  	_ =	shalt  }
0x6d: {  	_ =	shalt  }
0x6e: {  	_ =	shalt  }
0x6f: {  	_ =	shalt  }
0x70: {  	_ =	shalt  }
0x71: {  	_ =	shalt  }
0x72: {  	_ =	shalt  }
0x73: {  	_ =	shalt  }
0x74: {  	_ =	shalt  }
0x75: {  	_ =	shalt  }
0x76: {  	_ =	shalt  }
0x77: {  	_ =	shalt  }
0x78: {  	_ =	shalt  }
0x79: {  	_ =	shalt  }
0x7a: {  	_ =	shalt  }
0x7b: {  	_ =	shalt  }
0x7c: {  	_ =	shalt  }
0x7d: {  	_ =	shalt  }
0x7e: {  	_ =	shalt  }
0x7f: {  	_ =	shalt  }
0x80: {  	_ =	shalt  }
0x81: {  	_ =	shalt  }
0x82: {  	_ =	shalt  }
0x83: {  	_ =	shalt  }
0x84: {  	_ =	shalt  }
0x85: {  	_ =	shalt  }
0x86: {  	_ =	shalt  }
0x87: {  	_ =	shalt  }
.Lfunc_end0:
.L_simem_size_0:
called_computation_lowered:
.L_overlay_start_0:
0x88: {  	s2 =	sld [smem:$0x3FD9]  }
0x89: {  	s3 =	sld [smem:$0x3FFE];
	_ =	sdelay $0x1  }
0x8a: {  	s1 =	srdreg.scid  }
0x8b: {  	s0 =	sand.u32 $0x1, s1  }
0x8c: {  	s16 =	sshll.u32 s0, $0xA;
	s2 =	sadd.s32 s3, s2  }
0x8d: {  	s2 =	sadd.s32 s2, s16  }
0x8e: {  	[smem:$0x3FBC] =	sst s2  }
0x8f: {  	_ = 	snop  }
0x90: {  	(tm) =	ssettm $0x1  }
0x91: {  	s17 =	sld [smem:$0x3FFB];
	_ =	sdelay $0x3  }
0x92: {  	_ =	strace s17  }
0x93: {  	s2 =	sld [smem:$0x3FFC];
	_ =	sdelay $0x3  }
0x94: {  	_ =	strace s2  }
0x95: {  	s2 =	sld [smem:$0x3FFD];
	_ =	sdelay $0x3  }
0x96: {  	_ =	strace s2  }
0x97: {  	_ =	strace $0x8FFFFFFF  }
0x98: {  	s18 =	sld [smem:$0x3FDB];
	_ =	sdelay $0x1  }
0x99: {  	s19 =	simm.s32 $_scs_section_size  }
0x9a: {  	s4 =	simm.s32 $_size__tile_overlayer_lowered;
	s5 =	simm.s32 $_tile_overlayer_lowered  }
0x9b: {  	s22 =	simm.s32 $0x1BFF;
	s21 =	sshll.u32 s5, $0x1;
	s2 =	sadd.s32 s19, s18  }
0x9c: {  	s6 =	simm.s32 $0x0;
	s20 =	sshll.u32 s4, $0x1;
	s4 =	sadd.s32 s21, s2  }
0x9d: {  	[timem:s6], [sflag:s22] =	dma.local [hbm:s4], s20  }
0x9e: {  	_ =	swait.ge [sflag:s22], s20  }
0x9f: {  	s3 =	ssub.s32 $0x0, s20;
	[sflag:s22] =	ssyncset.done $0x0  }
0xa0: {  	[sflag:s22] =	ssyncadd.s32 s3;
	_ =	sdelay $0x1  }
0xa1: {  	s23 =	simm.s32 $0x1B8B  }
0xa2: {  	_ =	swait.ge [sflag:s23], $0x1  }
0xa3: {  	[sflag:s23] =	ssyncset.done $0x0  }
0xa4: {  	s25 =	simm.s32 $0x1B8E;
	s24 =	sld [smem:$0x3FFE];
	[sflag:s23] =	ssyncadd.s32 $0xFFFFFFFF  }
0xa5: {  	s26 =	simm.s32 $execute0_lowered;
	[smem:$0x3FD2] =	sst s25  }
0xa6: {  	s4 =	sshll.u32 s26, $0x1;
	_ =	strace $0x80000046;
	[dreg:$0x1] =	wrdreg $0xFFFFFFFF  }
0xa7: {  	s28 =	simm.s32 $_size_execute0_lowered;
	s2 =	sadd.s32 s2, s4;
	[dreg:$0x0] =	wrdreg $0x0  }
0xa8: {  	s4 =	sshll.u32 s28, $0x1;
	[dreg:$0x2] =	wrdreg s2  }
0xa9: {  	[dreg:$0x3] =	wrdreg s4  }
0xaa: {  	[dreg:$0x4] =	wrdreg $0xC0  }
0xab: {  	_ =	task [dreg:s6], $0x5FFFF  }
0xac: {  	[dreg:$0x1] =	wrdreg $0xFFFFFFFF  }
0xad: {  	[dreg:$0x0] =	wrdreg $0x60  }
0xae: {  	[dreg:$0x2] =	wrdreg s24  }
0xaf: {  	[dreg:$0x3] =	wrdreg $0x2D400  }
0xb0: {  	[dreg:$0x4] =	wrdreg $0x9  }
0xb1: {  	_ =	task.clear_ibuf [dreg:s6], $0x5FFFF;
	_ =	strace $0x90000046  }
0xb2: {  	s29 =	simm.s32 $0x9;
	_ =	strace $0x80000048  }
0xb3: {  	_ =	swait.ge [sflag:s29], $0x1  }
0xb4: {  	[sflag:s29] =	ssyncadd.s32 $0xFFFFFFFF  }
0xb5: {  	_ =	strace $0x90000048  }
0xb6: {  	_ =	sfence  }
0xb7: {  	s30 =	sld [smem:$0x0];
	_ =	sdelay $0x2  }
0xb8: {  	s31 =	sshll.u32 s1, $0xD;
	s1 =	sshrl.u32 s1, $0x2  }
0xb9: {  	s3 =	sand.u32 $0x4000, s31;
	s1 =	sadd.s32 s1, s30  }
0xba: {  	s0 =	sor.u32 s3, s0;
	s1 =	sshll.u32 s1, $0x11  }
0xbb: {  	s0 =	sor.u32 s1, s0  }
0xbc: {  	s0 =	sadd.s32 $0x8F2B, s0  }
0xbd: {  	[sflag:s0] =	ssyncadd.remote.s32 $0x1  }
0xbe: {  	_ =	sfence.sel $0xFFFF  }
0xbf: {  	[dreg:$0x0] =	wrdreg $0xFFFFFFFF;
	(pc) =	sbr.abs _section_cstart, $3  }
0xc0: {  	[dreg:$0x1] =	wrdreg $0xFFFFFFFF  }
0xc1: {  	_ =	task.clear_ibuf [dreg:s6], $0x2FFFF;
	_ =	strace $0x9FFFFFFF  }
0xc2: {  	(tm) =	ssettm $0x7FFFFFFF  }
0xc3: {  	_ =	shalt  }
tec
execute0_lowered:
.L_overlay_start_1:
0x0: {  	(tag) =	ssettag $0x1  }
0x1: {  	s7 =	rddreg [dreg:$0x0]  }
0x2: {  	s2 =	rddreg [dreg:$0x1]  }
0x3: {  	s0 =	rddreg [dreg:$0x2]  }
0x4: {  	s1 =	stileid.u32;
	s4 =	srdreg.scid;
	s3 =	simm.s32 $0x0  }
0x5: {  	s14 =	simm.s32 $0x17C800;
	s16 =	simm.s32 $0x2080;
	s5 =	smul.u32 $0x1A0, s1  }
0x6: {  	s17 =	simm.s32 $0x1;
	s18 =	simm.s32 $0x1080;
	s9 =	smul.u32 $0x3400, s1  }
0x7: {  	s19 =	simm.s32 $0x0;
	s8 =	sand.u32 $0x1, s4;
	s11 =	smul.u32 $0xC40, s1  }
0x8: {  	[smem:$0x7FF] =	sst s3;
	s4 =	sadd.s32 $0xC6400, s7;
	s6 =	smul.u32 $0xC400, s8  }
0x9: {  	_ =	strace $0x80000047;
	s10 =	ssub.s32 $0x2, s8;
	s15 =	smul.u32 $0x1A00, s8  }
0xa: {  	p0 =	seq.s32 s8, $0x1;
	s30 =	smul.u32 $0xD0, s8;
	s12 =	sadd.s32 s5, s7  }
0xb: {  	s26 =	sshrl.u32 s10, $0x1;
	s9 =	sadd.s32 s9, s7;
	s5 =	sadd.s32 s11, s2  }
0xc: {  	s29 =	sshrl.u32 s11, $0x3;
	s14 =	simm.s32 @!p0 $0x17AE00;
	s13 =	sadd.s32 s6, s7  }
0xd: {  	s28 =	ssub.s32 s10, s26;
	s7 =	sadd.s32 s14, s7;
	s31 =	sadd.s32 s15, s9  }
0xe: {  	s12 =	sadd.s32 s30, s12;
	s14 =	simm.s32 $0x2;
	s15 =	simm.s32 $0x80  }
0xf: {  	s6 =	smax.u32 s28, $0x1;
	s11 =	sadd.s32 s11, s13;
	s9 =	sadd.s32 $0x112E00, s31  }
0x10: {  	s7 =	sadd.s32 s7, s29;
	s10 =	sadd.s32 $0x146E00, s31;
	s13 =	simm.s32 $0x2100  }
0x11: {  	v0 =	vimm.f32 $1.000000000e+00;
	v1 =	vimm.f32 $0.0e+00;
	s8 =	sadd.s32 $0xFA600, s11;
	s11 =	sadd.s32 $0xF7200, s12;
	s12 =	sadd.s32 $0xF8C00, s12  }
.LBB2_1:
0x12: {  	[tilespmem:$0x2080] =	vst v0  }
0x13: {  	[tilespmem:$0x2090] =	vst v0  }
0x14: {  	[tilespmem:$0x20A0] =	vst v0  }
0x15: {  	[tilespmem:$0x20B0] =	vst v0  }
0x16: {  	[tilespmem:$0x20C0] =	vst v0  }
0x17: {  	[tilespmem:$0x20D0] =	vst v0  }
0x18: {  	[tilespmem:$0x20E0] =	vst v0  }
0x19: {  	[tilespmem:$0x20F0] =	vst v0;
	s20 =	simm.s32 $0x40;
	s21 =	simm.s32 $0x0  }
.LBB2_2:
0x1a: {  	p0 =	sne.s32 s20, $0x30C0;
	[tilespmem:s21+$0x2100] =	vst v1;
	s21 =	smov.u32 s20;
	s20 =	sadd.s32 $0x40, s20  }
.Ltmp0:
0x1b: {  	(pc) =	sbr.rel @p0 .LBB2_2-.Ltmp0, $2  }
0x1c: {  	_ =	sdelay $0x2  }
0x1d: {  	s21 =	sshra.s32 s21, $0x2  }
0x1e: {  	[tilespmem:s21+$0x2100] =	vst v1  }
0x1f: {  	[spmem:s5] =	stream.linear.scatter [tilespmem:s13], [sflag:$0x2], $0xC40, $0x38;
	[tilespmem:$0x3980] =	vst v63  }
0x20: {  	_ =	swait.ge [sflag:s14], $0xC40  }
0x21: {  	[sflag:s14] =	ssyncset.done $0x0  }
0x22: {  	[sflag:s14] =	ssyncadd.s32 $0xFFFFF3C0  }
0x23: {  	s21 =	simm.s32 $0x0;
	s20 =	sadd.s32 $0x0, s8;
	[bflag:$0x0] =	sbarrier.arrive $0xFFFF  }
0x24: {  	[tilespmem:s21], [sflag:$0x2] =	stream.linear.gather [hbm4b:s20+s21], $0x80, $0x38;
	[tilespmem:$0x3980] =	vst v63  }
0x25: {  	_ =	swait.ge [sflag:s14], $0x80  }
0x26: {  	[sflag:s14] =	ssyncset.done $0x0  }
0x27: {  	[sflag:s14] =	ssyncadd.s32 $0xFFFFFF80  }
0x28: {  	[spmem:s2] =	stream.indirect.scatter.add.f32 [tilespmem:s16], [sflag:$0x2], $0x1, s21, s15, $0xb8;
	[tilespmem:$0x3980] =	vst v63  }
0x29: {  	s23 =	simm.s32 $0x20;
	_ =	swait.ge [sflag:s14], $0x80  }
0x2a: {  	s22 =	simm.s32 $0x10;
	s20 =	simm.s32 $0x10;
	[sflag:s14] =	ssyncset.done $0x0  }
.LBB2_4:
0x2b: {  	s24 =	sadd.s32 s22, s8  }
0x2c: {  	[sflag:s14] =	ssyncadd.s32 $0xFFFFFF80;
	s22 =	smov.u32 s23;
	s25 =	sadd.s32 $0x10, s23  }
0x2d: {  	[tilespmem:s21], [sflag:$0x2] =	stream.linear.gather [hbm4b:s24+s21], $0x80, $0x38;
	[tilespmem:$0x3980] =	vst v63  }
0x2e: {  	p0 =	sne.s32 s23, $0xC30;
	_ =	swait.ge [sflag:s14], $0x80  }
.Ltmp1:
0x2f: {  	[sflag:s14] =	ssyncset.done $0x0;
	(pc) =	sbr.rel @p0 .LBB2_4-.Ltmp1, $4  }
0x30: {  	[sflag:s14] =	ssyncadd.s32 $0xFFFFFF80  }
0x31: {  	[spmem:s2] =	stream.indirect.scatter.add.f32 [tilespmem:s16], [sflag:$0x2], $0x1, s21, s15, $0xb8;
	[tilespmem:$0x3980] =	vst v63  }
0x32: {  	_ =	swait.ge [sflag:s14], $0x80  }
0x33: {  	s23 =	smov.u32 s25;
	[sflag:s14] =	ssyncset.done $0x0  }
0x34: {  	s22 =	sadd.s32 s22, s8;
	[sflag:s14] =	ssyncadd.s32 $0xFFFFFF80  }
0x35: {  	[tilespmem:s21], [sflag:$0x2] =	stream.linear.gather [hbm4b:s22+s21], $0x80, $0x38;
	[tilespmem:$0x3980] =	vst v63  }
0x36: {  	_ =	swait.ge [sflag:s14], $0x80  }
0x37: {  	[sflag:s14] =	ssyncset.done $0x0  }
0x38: {  	[sflag:s14] =	ssyncadd.s32 $0xFFFFFF80  }
0x39: {  	[spmem:s2] =	stream.indirect.scatter.add.f32 [tilespmem:s16], [sflag:$0x2], $0x1, s21, s15, $0xb8;
	[tilespmem:$0x3980] =	vst v63  }
0x3a: {  	_ =	swait.ge [sflag:s14], $0x80  }
0x3b: {  	[sflag:s14] =	ssyncset.done $0x0  }
0x3c: {  	s30 =	sadd.s32 $0x0, s12;
	[sflag:s14] =	ssyncadd.s32 $0xFFFFFF80  }
0x3d: {  	[tilespmem:s3], [sflag:$0x2] =	stream.linear.gather [hbm4b:s30+s3], $0x80, $0x38;
	[tilespmem:$0x3980] =	vst v63  }
0x3e: {  	_ =	swait.ge [sflag:s14], $0x80  }
0x3f: {  	[sflag:s14] =	ssyncset.done $0x0  }
0x40: {  	[sflag:s14] =	ssyncadd.s32 $0xFFFFFF80  }
0x41: {  	[tilespmem:s15], [sflag:$0x1] =	stream.indirect.gather [hbm4b:s4+s15], $0x20, s3, s15, $0xb8;
	[tilespmem:$0x3980] =	vst v63  }
0x42: {  	_ =	swait.ge [sflag:s17], $0x1000  }
0x43: {  	[sflag:s17] =	ssyncset.done $0x0  }
0x44: {  	[sflag:s17] =	ssyncadd.s32 $0xFFFFF000  }
0x45: {  	[hbm4b:s10+s3] =	stream.linear.scatter [tilespmem:s15], [sflag:$0x2], $0x1000, $0x38;
	[tilespmem:$0x3980] =	vst v63  }
0x46: {  	_ =	swait.ge [sflag:s14], $0x1000  }
0x47: {  	[sflag:s14] =	ssyncset.done $0x0  }
0x48: {  	s31 =	sadd.s32 $0x0, s11;
	[sflag:s14] =	ssyncadd.s32 $0xFFFFF000  }
0x49: {  	[tilespmem:s3], [sflag:$0x2] =	stream.linear.gather [hbm4b:s31+s3], $0x80, $0x38;
	[tilespmem:$0x3980] =	vst v63  }
0x4a: {  	_ =	swait.ge [sflag:s14], $0x80  }
0x4b: {  	[sflag:s14] =	ssyncset.done $0x0  }
0x4c: {  	[sflag:s14] =	ssyncadd.s32 $0xFFFFFF80  }
0x4d: {  	[tilespmem:s18], [sflag:$0x1] =	stream.indirect.gather [hbm4b:s4+s15], $0x20, s3, s15, $0xb8;
	[tilespmem:$0x3980] =	vst v63  }
0x4e: {  	_ =	swait.ge [sflag:s17], $0x1000  }
0x4f: {  	[sflag:s17] =	ssyncset.done $0x0  }
0x50: {  	[sflag:s17] =	ssyncadd.s32 $0xFFFFF000  }
0x51: {  	[hbm4b:s9+s3] =	stream.linear.scatter [tilespmem:s18], [sflag:$0x2], $0x1000, $0x38;
	[tilespmem:$0x3980] =	vst v63  }
0x52: {  	s23 =	simm.s32 $0x20;
	_ =	swait.ge [sflag:s14], $0x1000  }
0x53: {  	s22 =	sadd.s32 $0x200, s10;
	s21 =	sadd.s32 $0x200, s9;
	[sflag:s14] =	ssyncset.done $0x0  }
.LBB2_6:
0x54: {  	s24 =	sadd.s32 s20, s12  }
0x55: {  	[sflag:s14] =	ssyncadd.s32 $0xFFFFF000;
	s25 =	smov.u32 s23;
	s26 =	sadd.s32 $0x10, s23  }
0x56: {  	[tilespmem:s3], [sflag:$0x2] =	stream.linear.gather [hbm4b:s24+s3], $0x80, $0x38;
	[tilespmem:$0x3980] =	vst v63  }
0x57: {  	p0 =	sne.s32 s23, $0xC0;
	_ =	swait.ge [sflag:s14], $0x80  }
0x58: {  	[sflag:s14] =	ssyncset.done $0x0  }
0x59: {  	[sflag:s14] =	ssyncadd.s32 $0xFFFFFF80  }
0x5a: {  	[tilespmem:s15], [sflag:$0x1] =	stream.indirect.gather [hbm4b:s4+s15], $0x20, s3, s15, $0xb8;
	[tilespmem:$0x3980] =	vst v63  }
0x5b: {  	_ =	swait.ge [sflag:s17], $0x1000  }
0x5c: {  	[sflag:s17] =	ssyncset.done $0x0  }
0x5d: {  	[sflag:s17] =	ssyncadd.s32 $0xFFFFF000  }
0x5e: {  	[hbm4b:s22+s3] =	stream.linear.scatter [tilespmem:s15], [sflag:$0x2], $0x1000, $0x38;
	[tilespmem:$0x3980] =	vst v63  }
0x5f: {  	_ =	swait.ge [sflag:s14], $0x1000  }
0x60: {  	[sflag:s14] =	ssyncset.done $0x0  }
0x61: {  	s23 =	sadd.s32 s20, s11;
	s20 =	smov.u32 s25;
	[sflag:s14] =	ssyncadd.s32 $0xFFFFF000  }
0x62: {  	[tilespmem:s3], [sflag:$0x2] =	stream.linear.gather [hbm4b:s23+s3], $0x80, $0x38;
	[tilespmem:$0x3980] =	vst v63  }
0x63: {  	_ =	swait.ge [sflag:s14], $0x80  }
0x64: {  	[sflag:s14] =	ssyncset.done $0x0  }
0x65: {  	[sflag:s14] =	ssyncadd.s32 $0xFFFFFF80  }
0x66: {  	[tilespmem:s18], [sflag:$0x1] =	stream.indirect.gather [hbm4b:s4+s15], $0x20, s3, s15, $0xb8;
	[tilespmem:$0x3980] =	vst v63  }
0x67: {  	_ =	swait.ge [sflag:s17], $0x1000  }
.Ltmp2:
0x68: {  	[sflag:s17] =	ssyncset.done $0x0;
	(pc) =	sbr.rel @p0 .LBB2_6-.Ltmp2, $4  }
0x69: {  	[sflag:s17] =	ssyncadd.s32 $0xFFFFF000  }
0x6a: {  	[hbm4b:s21+s3] =	stream.linear.scatter [tilespmem:s18], [sflag:$0x2], $0x1000, $0x38;
	[tilespmem:$0x3980] =	vst v63  }
0x6b: {  	s22 =	sadd.s32 $0x200, s22;
	_ =	swait.ge [sflag:s14], $0x1000  }
0x6c: {  	s23 =	smov.u32 s26;
	s21 =	sadd.s32 $0x200, s21;
	[sflag:s14] =	ssyncset.done $0x0  }
0x6d: {  	s23 =	sadd.s32 s20, s12;
	[sflag:s14] =	ssyncadd.s32 $0xFFFFF000  }
0x6e: {  	[tilespmem:s3], [sflag:$0x2] =	stream.linear.gather [hbm4b:s23+s3], $0x80, $0x38;
	[tilespmem:$0x3980] =	vst v63  }
0x6f: {  	_ =	swait.ge [sflag:s14], $0x80  }
0x70: {  	[sflag:s14] =	ssyncset.done $0x0  }
0x71: {  	[sflag:s14] =	ssyncadd.s32 $0xFFFFFF80  }
0x72: {  	[tilespmem:s15], [sflag:$0x1] =	stream.indirect.gather [hbm4b:s4+s15], $0x20, s3, s15, $0xb8;
	[tilespmem:$0x3980] =	vst v63  }
0x73: {  	_ =	swait.ge [sflag:s17], $0x1000  }
0x74: {  	[sflag:s17] =	ssyncset.done $0x0  }
0x75: {  	[sflag:s17] =	ssyncadd.s32 $0xFFFFF000  }
0x76: {  	[hbm4b:s22+s3] =	stream.linear.scatter [tilespmem:s15], [sflag:$0x2], $0x1000, $0x38;
	[tilespmem:$0x3980] =	vst v63  }
0x77: {  	_ =	swait.ge [sflag:s14], $0x1000  }
0x78: {  	[sflag:s14] =	ssyncset.done $0x0  }
0x79: {  	s29 =	sadd.s32 s20, s11;
	[sflag:s14] =	ssyncadd.s32 $0xFFFFF000  }
0x7a: {  	[tilespmem:s3], [sflag:$0x2] =	stream.linear.gather [hbm4b:s29+s3], $0x80, $0x38;
	[tilespmem:$0x3980] =	vst v63  }
0x7b: {  	_ =	swait.ge [sflag:s14], $0x80  }
0x7c: {  	[sflag:s14] =	ssyncset.done $0x0  }
0x7d: {  	[sflag:s14] =	ssyncadd.s32 $0xFFFFFF80  }
0x7e: {  	[tilespmem:s18], [sflag:$0x1] =	stream.indirect.gather [hbm4b:s4+s15], $0x20, s3, s15, $0xb8;
	[tilespmem:$0x3980] =	vst v63  }
0x7f: {  	_ =	swait.ge [sflag:s17], $0x1000  }
0x80: {  	[sflag:s17] =	ssyncset.done $0x0  }
0x81: {  	[sflag:s17] =	ssyncadd.s32 $0xFFFFF000  }
0x82: {  	[hbm4b:s21+s3] =	stream.linear.scatter [tilespmem:s18], [sflag:$0x2], $0x1000, $0x38;
	[tilespmem:$0x3980] =	vst v63  }
0x83: {  	_ =	swait.ge [sflag:s14], $0x1000  }
0x84: {  	s30 =	sshll.u32 s1, $0x6;
	s19 =	sadd.s32 $0x1, s19;
	[sflag:s14] =	ssyncset.done $0x0  }
0x85: {  	s31 =	sshrl.u32 s5, $0x3;
	p0 =	sne.s32 s19, s6;
	[sflag:s14] =	ssyncadd.s32 $0xFFFFF000  }
.Ltmp3:
0x86: {  	s20 =	sor.u32 $0x1C02, s30;
	[bflag:$0x0] =	sbarrier.arrive $0xFFFF;
	(pc) =	sbr.rel @p0 .LBB2_1-.Ltmp3, $4  }
0x87: {  	[hbm:s7], [sflag:s20] =	dma.local [spmem:s31], $0x188  }
0x88: {  	_ =	swait.ge [sflag:s14], $0x188  }
0x89: {  	[sflag:s14] =	ssyncset.done $0x0  }
0x8a: {  	[sflag:s14] =	ssyncadd.s32 $0xFFFFFE78  }
0x8b: {  	_ =	sfence.sel $0x180000  }
0x8c: {  	[bflag:$0x0] =	sbarrier.arrive $0xFFFF  }
0x8d: {  	p0 =	sne.s32 s1, $0x0;
	_ =	strace $0x90000047  }
0x8e: {  	s0 =	sadd.s32 @!p0 $0x100000, s0;
	[bflag:$0x2] =	sbarrier.arrive $0xFFFF  }
0x8f: {  	[sflag:s0] =	ssyncadd.tile.s32 @!p0 $0x1;
	_ =	shalt  }
.Lfunc_end2:
_tile_overlayer_lowered:
.L_overlay_start_2:
0x90: {  	(tag) =	ssettag $0x2  }
0x91: {  	s0 =	rddreg [dreg:$0x0];
	s2 =	stileid.u32  }
0x92: {  	s1 =	rddreg [dreg:$0x1];
	p0 =	sne.s32 s2, $0x0  }
0x93: {  	s3 =	rddreg [dreg:$0x2];
	[bflag:$0x3] =	sbarrier.arrive $0xFFFF;
	s2 =	simm.s32 @!p0 $0x1C02  }
0x94: {  	[timem:s3], [sflag:s2] =	dma.local @!p0 [hbm:s0], s1  }
0x95: {  	s0 =	simm.s32 @!p0 $0x2  }
0x96: {  	_ =	swait.ge @!p0 [sflag:s0], s1  }
0x97: {  	s1 =	ssub.s32 @!p0 $0x0, s1;
	[sflag:s0] =	ssyncset.done @!p0 $0x0  }
0x98: {  	[sflag:s0] =	ssyncadd.s32 @!p0 s1  }
0x99: {  	[bflag:$0x3] =	sbarrier.arrive $0xFFFF  }
0x9a: {  	_ =	shalt  }

</sc_bundles>
